<compile_context>
chip_gen: v7x
topology: tpu7x:2x2x1
jax: 0.10.2.dev20260603
libtpu: 0.0.44.dev20260713+nightly
codegen_flags: <defaults>
</compile_context>

<pallas_src>
import functools

import jax
import jax.numpy as jnp
from jax import lax
from jax.experimental import pallas as pl
from jax.experimental.pallas import tpu as pltpu
from jax.experimental.pallas import tpu_sc as plsc

T = 2048
D = 1024
E = 8
H = 2816
K = 2
A = T * K
BLK = 512
LOG2_BLK = 9
NB = 16
NTOT = NB * BLK
HC = 2
Hc = H // HC

_SC_MESH = plsc.VectorSubcoreMesh(core_axis_name="c", subcore_axis_name="s")
_NW = 32
_SC_PARAMS = pltpu.CompilerParams(needs_layout_passes=False)


def _router_body(x_ref, rw_ref, rb_ref, ids_ref, w_ref, aux_ref):
    x = x_ref[...]
    rw = rw_ref[...]
    logits = lax.dot_general(x, rw, (((1,), (1,)), ((), ())),
                             preferred_element_type=jnp.float32)
    logits = logits + rb_ref[...][None, :]
    nrm = jnp.sqrt(jnp.sum(logits * logits, axis=0, keepdims=True))
    rl = logits / jnp.maximum(nrm, 1e-12)
    m = jnp.max(rl, axis=-1, keepdims=True)
    ex = jnp.exp(rl - m)
    probs = ex / jnp.sum(ex, axis=-1, keepdims=True)
    lane = lax.broadcasted_iota(jnp.int32, (T, E), 1)
    m1 = jnp.max(probs, axis=-1, keepdims=True)
    i1 = jnp.min(jnp.where(probs == m1, lane, E), axis=-1, keepdims=True)
    mask1 = lane == i1
    p2 = jnp.where(mask1, -jnp.inf, probs)
    m2 = jnp.max(p2, axis=-1, keepdims=True)
    i2 = jnp.min(jnp.where(p2 == m2, lane, E), axis=-1, keepdims=True)
    ids_ref[...] = jnp.concatenate([i1, i2], axis=1)
    w_ref[...] = jnp.concatenate([m1, m2], axis=1)
    aux_ref[0, 0] = jnp.sum((1.0 / E - probs) ** 2)


def _router(x2d, router_w, router_b):
    return pl.pallas_call(
        _router_body,
        out_shape=(
            jax.ShapeDtypeStruct((T, K), jnp.int32),
            jax.ShapeDtypeStruct((T, K), jnp.float32),
            jax.ShapeDtypeStruct((1, 1), jnp.float32),
        ),
        in_specs=[
            pl.BlockSpec((T, D), lambda: (0, 0)),
            pl.BlockSpec((E, D), lambda: (0, 0)),
            pl.BlockSpec((E,), lambda: (0,)),
        ],
        out_specs=(
            pl.BlockSpec((T, K), lambda: (0, 0)),
            pl.BlockSpec((T, K), lambda: (0, 0)),
            pl.BlockSpec((1, 1), memory_space=pltpu.SMEM),
        ),
    )(x2d, router_w, router_b)


def _dispatch_body(ids_hbm, w_hbm, st_hbm, ws_hbm, pos_hbm, cnt_hbm,
                  ids_v, w_v, st_v, ws_v, pos_v, cnt_v, off_v, tmp_v):
    wid = lax.axis_index("s") * 2 + lax.axis_index("c")

    @pl.when(wid == 0)
    def _():
        pltpu.sync_copy(ids_hbm, ids_v)
        pltpu.sync_copy(w_hbm, w_v)
        ones = jnp.ones((16,), jnp.int32)
        zeros = jnp.zeros((16,), jnp.int32)
        lane16 = lax.iota(jnp.int32, 16)

        cnt_v[...] = zeros

        def count_step(i, _):
            ids16 = ids_v[pl.ds(i * 16, 16)]
            plsc.addupdate_scatter(cnt_v, [ids16], ones)
            return 0

        lax.fori_loop(0, A // 16, count_step, 0)

        pl.delay(300)
        cnt = cnt_v[...]
        nblk = (cnt + (BLK - 1)) >> LOG2_BLK
        pad = nblk << LOG2_BLK
        off = plsc.cumsum(pad) - pad
        off_v[...] = off
        tmp_v[...] = cnt
        pltpu.sync_copy(tmp_v, cnt_hbm)
        cnt_v[...] = zeros

        def zero_step(i, _):
            st_v[pl.ds(i * 16, 16)] = zeros
            ws_v[pl.ds(i * 16, 16)] = jnp.zeros((16,), jnp.float32)
            return 0

        lax.fori_loop(0, NTOT // 16, zero_step, 0)

        def place_step(i, _):
            a0 = i * 16
            ids16 = ids_v[pl.ds(a0, 16)]
            w16 = w_v[pl.ds(a0, 16)]
            rank1, _last = plsc.scan_count(ids16)
            base = plsc.load_gather(cnt_v, [ids16])
            offg = plsc.load_gather(off_v, [ids16])
            pos16 = offg + base + rank1 - 1
            tok16 = (a0 + lane16) & (T - 1)
            plsc.store_scatter(st_v, [pos16], tok16)
            plsc.store_scatter(ws_v, [pos16], w16)
            pos_v[pl.ds(a0, 16)] = pos16
            plsc.addupdate_scatter(cnt_v, [ids16], ones)
            return 0

        lax.fori_loop(0, A // 16, place_step, 0)

        pl.delay(300)
        pltpu.sync_copy(st_v, st_hbm)
        pltpu.sync_copy(ws_v, ws_hbm)
        pltpu.sync_copy(pos_v, pos_hbm)


def _dispatch(ids_cm, w_cm):
    f = pl.kernel(
        _dispatch_body,
        out_type=(
            jax.ShapeDtypeStruct((NTOT,), jnp.int32),
            jax.ShapeDtypeStruct((NTOT,), jnp.float32),
            jax.ShapeDtypeStruct((A,), jnp.int32),
            jax.ShapeDtypeStruct((16,), jnp.int32),
        ),
        mesh=_SC_MESH,
        scratch_types=[
            pltpu.VMEM((A,), jnp.int32),
            pltpu.VMEM((A,), jnp.float32),
            pltpu.VMEM((NTOT,), jnp.int32),
            pltpu.VMEM((NTOT,), jnp.float32),
            pltpu.VMEM((A,), jnp.int32),
            pltpu.VMEM((16,), jnp.int32),
            pltpu.VMEM((16,), jnp.int32),
            pltpu.VMEM((16,), jnp.int32),
        ],
        compiler_params=_SC_PARAMS,
    )
    return f(ids_cm, w_cm)


def _plan_body(cnt_ref, be_ref, nr_ref):
    cnt = cnt_ref[...]
    ir = lax.broadcasted_iota(jnp.int32, (16, 16), 0)
    ic = lax.broadcasted_iota(jnp.int32, (16, 16), 1)
    pad = ((cnt + (BLK - 1)) >> LOG2_BLK) << LOG2_BLK
    pad_b = jnp.broadcast_to(pad, (16, 16))
    cnt_b = jnp.broadcast_to(cnt, (16, 16))
    off_i = jnp.sum(jnp.where(ic < ir, pad_b, 0), axis=1, keepdims=True)
    sblk_i = off_i >> LOG2_BLK
    cnt_i = jnp.sum(jnp.where(ic == ir, cnt_b, 0), axis=1, keepdims=True)
    acc = jnp.sum(jnp.where((sblk_i <= ic) & (ir < E), 1, 0), axis=0,
                  keepdims=True)
    lane = lax.broadcasted_iota(jnp.int32, (1, 16), 1)
    lastu = jnp.max(jnp.where(cnt > 0, lane, 0), axis=1, keepdims=True)
    be = jnp.minimum(acc - 1, lastu)
    val = jnp.clip(cnt_i - ((ic - sblk_i) << LOG2_BLK), 0, BLK)
    pick = jnp.broadcast_to(be, (16, 16)) == ir
    nr = jnp.sum(jnp.where(pick, val, 0), axis=0, keepdims=True)
    be_ref[...] = be
    nr_ref[...] = nr


def _plan(cnt):
    return pl.pallas_call(
        _plan_body,
        out_shape=(
            jax.ShapeDtypeStruct((1, 16), jnp.int32),
            jax.ShapeDtypeStruct((1, 16), jnp.int32),
        ),
    )(cnt.reshape(1, 16))


_GROWS = NTOT // _NW
_GCH = 32
_GNC = _GROWS // _GCH
_GNB = 3


def _gather_body(x_hbm, st_hbm, nr_hbm, xs_hbm,
                 i0, i1, i2, b0, b1, b2, nr_s,
                 g0, g1, g2, o0, o1, o2):
    wid = lax.axis_index("s") * 2 + lax.axis_index("c")
    base = wid * _GROWS
    idxs = (i0, i1, i2)
    bufs = (b0, b1, b2)
    gsems = (g0, g1, g2)
    osems = (o0, o1, o2)

    pltpu.sync_copy(nr_hbm, nr_s)
    used_blocks = jnp.sum(jnp.where(nr_s[...] > 0, 1, 0), axis=0)
    used_rows = used_blocks * BLK

    def used(c):
        return base + c * _GCH < used_rows

    def start_gather(c, slot):
        pltpu.sync_copy(st_hbm.at[pl.ds(base + c * _GCH, _GCH)], idxs[slot])
        pltpu.async_copy(x_hbm.at[idxs[slot]], bufs[slot], gsems[slot])

    for c in range(_GNB):
        @pl.when(used(c))
        def _(c=c):
            start_gather(c, c % _GNB)

    for c in range(_GNC):
        slot = c % _GNB

        @pl.when(used(c))
        def _(c=c, slot=slot):
            pltpu.make_async_copy(
                x_hbm.at[idxs[slot]], bufs[slot], gsems[slot]).wait()
            pltpu.async_copy(
                bufs[slot], xs_hbm.at[pl.ds(base + c * _GCH, _GCH)],
                osems[slot])

        nxt = c + _GNB
        if nxt < _GNC:
            @pl.when(used(nxt))
            def _(c=c, slot=slot, nxt=nxt):
                pltpu.make_async_copy(
                    bufs[slot], xs_hbm.at[pl.ds(base + c * _GCH, _GCH)],
                    osems[slot]).wait()
                start_gather(nxt, slot)

    for c in range(_GNC):
        slot = c % _GNB
        if c + _GNB < _GNC:
            cond = jnp.logical_and(used(c), jnp.logical_not(used(c + _GNB)))
        else:
            cond = used(c)

        @pl.when(cond)
        def _(c=c, slot=slot):
            pltpu.make_async_copy(
                bufs[slot], xs_hbm.at[pl.ds(base + c * _GCH, _GCH)],
                osems[slot]).wait()


def _gather(x2d, sorted_tok, nrows):
    f = pl.kernel(
        _gather_body,
        out_type=jax.ShapeDtypeStruct((NTOT, D), jnp.float32),
        mesh=_SC_MESH,
        scratch_types=[
            pltpu.VMEM((_GCH,), jnp.int32),
            pltpu.VMEM((_GCH,), jnp.int32),
            pltpu.VMEM((_GCH,), jnp.int32),
            pltpu.VMEM((_GCH, D), jnp.float32),
            pltpu.VMEM((_GCH, D), jnp.float32),
            pltpu.VMEM((_GCH, D), jnp.float32),
            pltpu.VMEM((16,), jnp.int32),
            pltpu.SemaphoreType.DMA,
            pltpu.SemaphoreType.DMA,
            pltpu.SemaphoreType.DMA,
            pltpu.SemaphoreType.DMA,
            pltpu.SemaphoreType.DMA,
            pltpu.SemaphoreType.DMA,
        ],
        compiler_params=_SC_PARAMS,
    )
    return f(x2d, sorted_tok, nrows)


def _ffn_body(be_ref, nr_ref, xs_ref, w1_ref, w3_ref, w2_ref, ws_ref, out_ref):
    b = pl.program_id(0)
    h = pl.program_id(1)

    @pl.when(h == 0)
    def _():
        out_ref[...] = jnp.zeros_like(out_ref)

    @pl.when(nr_ref[b] > 0)
    def _():
        x = xs_ref[...]
        h1 = lax.dot_general(x, w1_ref[0], (((1,), (1,)), ((), ())),
                             preferred_element_type=jnp.float32)
        h3 = lax.dot_general(x, w3_ref[0], (((1,), (1,)), ((), ())),
                             preferred_element_type=jnp.float32)
        g = jnp.sin(h1) * h3 * ws_ref[0]
        out_ref[...] += lax.dot_general(g, w2_ref[0], (((1,), (1,)), ((), ())),
                                        preferred_element_type=jnp.float32)


def _ffn(xs, W1, W2, W3, ws_blk, be, nrows):
    grid_spec = pltpu.PrefetchScalarGridSpec(
        num_scalar_prefetch=2,
        grid=(NB, HC),
        in_specs=[
            pl.BlockSpec((BLK, D), lambda b, h, be, nr: (b, 0)),
            pl.BlockSpec((1, Hc, D), lambda b, h, be, nr: (be[b], h, 0)),
            pl.BlockSpec((1, Hc, D), lambda b, h, be, nr: (be[b], h, 0)),
            pl.BlockSpec((1, D, Hc), lambda b, h, be, nr: (be[b], 0, h)),
            pl.BlockSpec((1, BLK, 1), lambda b, h, be, nr: (b, 0, 0)),
        ],
        out_specs=pl.BlockSpec((BLK, D), lambda b, h, be, nr: (b, 0)),
    )
    return pl.pallas_call(
        _ffn_body,
        grid_spec=grid_spec,
        out_shape=jax.ShapeDtypeStruct((NTOT, D), jnp.float32),
        compiler_params=pltpu.CompilerParams(
            vmem_limit_bytes=60 * 1024 * 1024),
    )(be, nrows, xs, W1, W3, W2, ws_blk)


_CTOK = T // _NW
_CCH = 32


def _combine_body(y_hbm, pos_hbm, out_hbm, idx_v, buf0_v, buf1_v, sem):
    wid = lax.axis_index("s") * 2 + lax.axis_index("c")
    base = wid * _CTOK

    def step(c, _):
        t0 = base + c * _CCH
        pltpu.sync_copy(pos_hbm.at[pl.ds(t0, _CCH)], idx_v)
        pltpu.async_copy(y_hbm.at[idx_v], buf0_v, sem).wait()
        pltpu.sync_copy(pos_hbm.at[pl.ds(T + t0, _CCH)], idx_v)
        pltpu.async_copy(y_hbm.at[idx_v], buf1_v, sem).wait()

        def add_step(i, _):
            r = i >> 6
            c16 = (i & 63) * 16
            buf0_v[r, pl.ds(c16, 16)] += buf1_v[r, pl.ds(c16, 16)]
            return 0

        lax.fori_loop(0, _CCH * (D // 16), add_step, 0)
        pltpu.sync_copy(buf0_v, out_hbm.at[pl.ds(t0, _CCH)])
        return 0

    lax.fori_loop(0, _CTOK // _CCH, step, 0)


def _combine(y, pos):
    f = pl.kernel(
        _combine_body,
        out_type=jax.ShapeDtypeStruct((T, D), jnp.float32),
        mesh=_SC_MESH,
        scratch_types=[
            pltpu.VMEM((_CCH,), jnp.int32),
            pltpu.VMEM((_CCH, D), jnp.float32),
            pltpu.VMEM((_CCH, D), jnp.float32),
            pltpu.SemaphoreType.DMA,
        ],
        compiler_params=_SC_PARAMS,
    )
    return f(y, pos)


def kernel(x, router_w, router_b, W1, W2, W3):
    Bb, Ss, Dd = x.shape
    x2d = x.reshape(T, D)
    ids, w, aux = _router(x2d, router_w, router_b)
    ids_cm = ids.T.reshape(A)
    w_cm = w.T.reshape(A)
    sorted_tok, w_sorted, pos, cnt = _dispatch(ids_cm, w_cm)
    be2d, nr2d = _plan(cnt)
    be = be2d.reshape(16)
    nrows = nr2d.reshape(16)
    xs = _gather(x2d, sorted_tok, nrows)
    ws_blk = w_sorted.reshape(NB, BLK, 1)
    y = _ffn(xs, W1, W2, W3, ws_blk, be, nrows)
    out = _combine(y, pos)
    return out.reshape(Bb, Ss, Dd), aux.reshape(())

# --- scband reference (transcript-rebuilt; emitter-appended) ---
"""Pipeline reference for scband-mo-efeed-forward-65025804861927 (READ-ONLY COPY).

The authoritative reference and input builder live on the scoring server;
editing this copy changes nothing except your own understanding.
"""

import jax, jax.numpy as jnp
import numpy as np

DIM = 1024
HID_IN = 4096
MULTIPLE_OF = 256
NUM_EXPERTS = 8
B, S = 1, 2048

def _ffn_hidden(dim, hidden_dim, multiple_of, ffn_dim_multiplier=None):
    hidden_dim = int(2 * hidden_dim / 3)
    if ffn_dim_multiplier:
        hidden_dim = int(ffn_dim_multiplier * hidden_dim)
    hidden_dim = multiple_of * ((hidden_dim + multiple_of - 1) // multiple_of)
    return hidden_dim

H = _ffn_hidden(DIM, HID_IN, MULTIPLE_OF)  # 2816

def setup_inputs(seed: int = 0) -> dict:
    key = jax.random.key(seed)
    ks = jax.random.split(key, 6)
    x = jax.random.normal(ks[0], (B, S, DIM), dtype=jnp.float32)
    router_w = jax.random.normal(ks[1], (NUM_EXPERTS, DIM), dtype=jnp.float32) * 0.02
    router_b = jnp.zeros((NUM_EXPERTS,), dtype=jnp.float32)
    W1 = jax.random.normal(ks[2], (NUM_EXPERTS, H, DIM), dtype=jnp.float32) * 0.02
    W2 = jax.random.normal(ks[3], (NUM_EXPERTS, DIM, H), dtype=jnp.float32) * 0.02
    W3 = jax.random.normal(ks[4], (NUM_EXPERTS, H, DIM), dtype=jnp.float32) * 0.02
    return {"x": x, "router_w": router_w, "router_b": router_b, "W1": W1, "W2": W2, "W3": W3}

def reference(x, router_w, router_b, W1, W2, W3):
    Bb, Ss, D = x.shape
    E = router_w.shape[0]
    top_k = min(2, E)
    logits = jnp.einsum('bsd,ed->bse', x, router_w) + router_b
    # F.normalize default: p=2, dim=1 (the sequence dimension), eps=1e-12
    nrm = jnp.sqrt(jnp.sum(logits ** 2, axis=1, keepdims=True))
    router_logits = logits / jnp.maximum(nrm, 1e-12)
    rl_mean = jnp.mean(router_logits, axis=-1, keepdims=True)
    rl_std = jnp.std(router_logits, axis=-1, keepdims=True, ddof=1)  # torch std is unbiased
    _router_logits_normalized = (router_logits - rl_mean) / (rl_std + 1e-06)  # computed but unused, as in torch
    router_probs = jax.nn.softmax(router_logits, axis=-1)
    expert_weights, expert_indices = jax.lax.top_k(router_probs, top_k)
    T = Bb * Ss
    x_flat = x.reshape(T, D)
    w_flat = expert_weights.reshape(T, top_k)
    i_flat = expert_indices.reshape(T, top_k)
    # combine[t, e] = routing weight of token t for expert e (0 if not routed)
    combine = jnp.zeros((T, E), dtype=x.dtype).at[jnp.arange(T)[:, None], i_flat].add(w_flat)
    out = jnp.zeros_like(x_flat)
    for e in range(E):
        h1 = x_flat @ W1[e].T
        h3 = x_flat @ W3[e].T
        g = jnp.sin(h1) * h3
        oe = g @ W2[e].T
        out = out + oe * combine[:, e:e + 1]
    moe_output = out.reshape(Bb, Ss, D)
    avg = jnp.mean(router_probs, axis=0)
    target = 1.0 / E
    aux_loss = jnp.sum((target - avg) ** 2)
    return moe_output, aux_loss

if __name__ == "__main__":
    import jax
    _d = setup_inputs()
    print(jax.jit(kernel)(*tuple(_d.values())))

</pallas_src>

<mosaic_0001>
#map = affine_map<(d0, d1) -> (0, 0)>
#map1 = affine_map<(d0, d1) -> (0)>
module attributes {stable_mosaic.version = 14 : i64} {
  func.func @_gather_body(%arg0: i32, %arg1: i32, %arg2: memref<2048x1024xf32, #tpu.memory_space<hbm>>, %arg3: memref<8192xi32, #tpu.memory_space<hbm>>, %arg4: memref<16xi32, #tpu.memory_space<hbm>>, %arg5: memref<8192x1024xf32, #tpu.memory_space<hbm>>, %arg6: memref<32xi32, #tpu.memory_space<vmem>>, %arg7: memref<32xi32, #tpu.memory_space<vmem>>, %arg8: memref<32xi32, #tpu.memory_space<vmem>>, %arg9: memref<32x1024xf32, #tpu.memory_space<vmem>>, %arg10: memref<32x1024xf32, #tpu.memory_space<vmem>>, %arg11: memref<32x1024xf32, #tpu.memory_space<vmem>>, %arg12: memref<16xi32, #tpu.memory_space<vmem>>, %arg13: memref<!tpu.dma_semaphore, #tpu.memory_space<semaphore_mem>>, %arg14: memref<!tpu.dma_semaphore, #tpu.memory_space<semaphore_mem>>, %arg15: memref<!tpu.dma_semaphore, #tpu.memory_space<semaphore_mem>>, %arg16: memref<!tpu.dma_semaphore, #tpu.memory_space<semaphore_mem>>, %arg17: memref<!tpu.dma_semaphore, #tpu.memory_space<semaphore_mem>>, %arg18: memref<!tpu.dma_semaphore, #tpu.memory_space<semaphore_mem>>) attributes {dimension_semantics = [#tpu.dimension_semantics<core_parallel>, #tpu.dimension_semantics<subcore_parallel>], iteration_bounds = array<i64: 2, 16>, scalar_prefetch = 0 : i64, scratch_operands = 13 : i64, tpu.core_type = #tpu.core_type<sc_vector_subcore>, window_params = [{transform_indices = #map}, {transform_indices = #map1}, {transform_indices = #map1}, {transform_indices = #map}]} {
    %mul3A = arith.constant 2 : i32
    %mul3A_0 = arith.muli %arg1, %mul3A : i32
    %add3A = arith.addi %mul3A_0, %arg0 : i32
    %mul3A_1 = arith.constant 256 : i32
    %mul3A_2 = arith.muli %add3A, %mul3A_1 : i32
    "tpu.region"() ({
      %run_scoped3A = tpu.sem_alloc : memref<!tpu.dma_semaphore, #tpu.memory_space<semaphore_mem>>
      tpu.enqueue_dma source(%arg4 : memref<16xi32, #tpu.memory_space<hbm>>) target(%arg12 : memref<16xi32, #tpu.memory_space<vmem>>) target_semaphore(%run_scoped3A : memref<!tpu.dma_semaphore, #tpu.memory_space<semaphore_mem>>)
      tpu.wait_dma2 semaphore(%run_scoped3A : memref<!tpu.dma_semaphore, #tpu.memory_space<semaphore_mem>>) src(%arg4 : memref<16xi32, #tpu.memory_space<hbm>>) dst(%arg12 : memref<16xi32, #tpu.memory_space<vmem>>)
      tpu.yield
    }) : () -> ()
    %get3A = arith.constant 0 : index
    %get3A_3 = tpu.vector_load %arg12[%get3A] {strides = array<i32>} : memref<16xi32, #tpu.memory_space<vmem>>, vector<16xi32>,
    %gt3A = arith.constant 0 : i32
    %gt3A_4 = vector.broadcast %gt3A : i32 to vector<16xi32>
    %gt3A_5 = arith.cmpi sgt, %get3A_3, %gt3A_4 : vector<16xi32>
    %jit3A = arith.constant 1 : i32
    %jit3A_6 = arith.constant 0 : i32
    %broadcast_in_dim3A = vector.broadcast %jit3A : i32 to vector<16xi32>
    %broadcast_in_dim3A_7 = vector.broadcast %jit3A_6 : i32 to vector<16xi32>
    %select_n3A = arith.select %gt3A_5, %broadcast_in_dim3A, %broadcast_in_dim3A_7 : vector<16xi1>, vector<16xi32>
    %reduce_sum3A = arith.constant true
    %reduce_sum3A_8 = vector.broadcast %reduce_sum3A : i1 to vector<16xi1>
    %reduce_sum3A_9 = tpu.scan <sum>, %select_n3A masked %reduce_sum3A_8 : vector<16xi32>, vector<16xi1> -> vector<16xi32>
    %reduce_sum3A_10 = vector.extract %reduce_sum3A_9[15] : i32 from vector<16xi32>
    %mul3A_11 = arith.constant 512 : i32
    %mul3A_12 = arith.muli %reduce_sum3A_10, %mul3A_11 : i32
    %add3A_13 = arith.constant 0 : i32
    %add3A_14 = arith.addi %mul3A_2, %add3A_13 : i32
    %lt3A = arith.cmpi slt, %add3A_14, %mul3A_12 : i32
    %convert_element_type3A = arith.extui %lt3A : i1 to i32
    %cond3A = arith.constant 0 : i32
    %cond3A_15 = arith.cmpi ne, %convert_element_type3A, %cond3A : i32
    scf.if %cond3A_15 {
      %add3A_182 = arith.constant 0 : i32
      %add3A_183 = arith.addi %mul3A_2, %add3A_182 : i32
      "tpu.region"() ({
        %run_scoped3A = tpu.sem_alloc : memref<!tpu.dma_semaphore, #tpu.memory_space<semaphore_mem>>
        %dma_start3A_186 = tpu.memref_slice %arg3[%add3A_183] : memref<8192xi32, #tpu.memory_space<hbm>> -> memref<32xi32, #tpu.memory_space<hbm>>
        %dma_start3A_187 = tpu.memref_slice %arg3[%add3A_183] : memref<8192xi32, #tpu.memory_space<hbm>> -> memref<32xi32, #tpu.memory_space<hbm>>
        tpu.enqueue_dma source(%dma_start3A_187 : memref<32xi32, #tpu.memory_space<hbm>>) target(%arg6 : memref<32xi32, #tpu.memory_space<vmem>>) target_semaphore(%run_scoped3A : memref<!tpu.dma_semaphore, #tpu.memory_space<semaphore_mem>>)
        %dma_wait3A = tpu.memref_slice %arg3[%add3A_183] : memref<8192xi32, #tpu.memory_space<hbm>> -> memref<32xi32, #tpu.memory_space<hbm>>
        %dma_wait3A_188 = tpu.memref_slice %arg3[%add3A_183] : memref<8192xi32, #tpu.memory_space<hbm>> -> memref<32xi32, #tpu.memory_space<hbm>>
        tpu.wait_dma2 semaphore(%run_scoped3A : memref<!tpu.dma_semaphore, #tpu.memory_space<semaphore_mem>>) src(%dma_wait3A_188 : memref<32xi32, #tpu.memory_space<hbm>>) dst(%arg6 : memref<32xi32, #tpu.memory_space<vmem>>)
        tpu.yield
      }) : () -> ()
      %dma_start3A = arith.constant 0 : i32
      %dma_start3A_184 = arith.constant 0 : i32
      %dma_start3A_185 = tpu.memref_slice %arg2[%dma_start3A, %dma_start3A_184] : memref<2048x1024xf32, #tpu.memory_space<hbm>> -> memref<2048x1024xf32, #tpu.memory_space<hbm>>
      tpu.enqueue_indirect_dma source(%dma_start3A_185 : memref<2048x1024xf32, #tpu.memory_space<hbm>>) target(%arg9 : memref<32x1024xf32, #tpu.memory_space<vmem>>) offsets(%arg6 : memref<32xi32, #tpu.memory_space<vmem>>) semaphore(%arg13 : memref<!tpu.dma_semaphore, #tpu.memory_space<semaphore_mem>>)
    } else {
    }
    %add3A_16 = arith.constant 32 : i32
    %add3A_17 = arith.addi %mul3A_2, %add3A_16 : i32
    %lt3A_18 = arith.cmpi slt, %add3A_17, %mul3A_12 : i32
    %convert_element_type3A_19 = arith.extui %lt3A_18 : i1 to i32
    %cond3A_20 = arith.constant 0 : i32
    %cond3A_21 = arith.cmpi ne, %convert_element_type3A_19, %cond3A_20 : i32
    scf.if %cond3A_21 {
      %add3A_182 = arith.constant 32 : i32
      %add3A_183 = arith.addi %mul3A_2, %add3A_182 : i32
      "tpu.region"() ({
        %run_scoped3A = tpu.sem_alloc : memref<!tpu.dma_semaphore, #tpu.memory_space<semaphore_mem>>
        %dma_start3A_186 = tpu.memref_slice %arg3[%add3A_183] : memref<8192xi32, #tpu.memory_space<hbm>> -> memref<32xi32, #tpu.memory_space<hbm>>
        %dma_start3A_187 = tpu.memref_slice %arg3[%add3A_183] : memref<8192xi32, #tpu.memory_space<hbm>> -> memref<32xi32, #tpu.memory_space<hbm>>
        tpu.enqueue_dma source(%dma_start3A_187 : memref<32xi32, #tpu.memory_space<hbm>>) target(%arg7 : memref<32xi32, #tpu.memory_space<vmem>>) target_semaphore(%run_scoped3A : memref<!tpu.dma_semaphore, #tpu.memory_space<semaphore_mem>>)
        %dma_wait3A = tpu.memref_slice %arg3[%add3A_183] : memref<8192xi32, #tpu.memory_space<hbm>> -> memref<32xi32, #tpu.memory_space<hbm>>
        %dma_wait3A_188 = tpu.memref_slice %arg3[%add3A_183] : memref<8192xi32, #tpu.memory_space<hbm>> -> memref<32xi32, #tpu.memory_space<hbm>>
        tpu.wait_dma2 semaphore(%run_scoped3A : memref<!tpu.dma_semaphore, #tpu.memory_space<semaphore_mem>>) src(%dma_wait3A_188 : memref<32xi32, #tpu.memory_space<hbm>>) dst(%arg7 : memref<32xi32, #tpu.memory_space<vmem>>)
        tpu.yield
      }) : () -> ()
      %dma_start3A = arith.constant 0 : i32
      %dma_start3A_184 = arith.constant 0 : i32
      %dma_start3A_185 = tpu.memref_slice %arg2[%dma_start3A, %dma_start3A_184] : memref<2048x1024xf32, #tpu.memory_space<hbm>> -> memref<2048x1024xf32, #tpu.memory_space<hbm>>
      tpu.enqueue_indirect_dma source(%dma_start3A_185 : memref<2048x1024xf32, #tpu.memory_space<hbm>>) target(%arg10 : memref<32x1024xf32, #tpu.memory_space<vmem>>) offsets(%arg7 : memref<32xi32, #tpu.memory_space<vmem>>) semaphore(%arg14 : memref<!tpu.dma_semaphore, #tpu.memory_space<semaphore_mem>>)
    } else {
    }
    %add3A_22 = arith.constant 64 : i32
    %add3A_23 = arith.addi %mul3A_2, %add3A_22 : i32
    %lt3A_24 = arith.cmpi slt, %add3A_23, %mul3A_12 : i32
    %convert_element_type3A_25 = arith.extui %lt3A_24 : i1 to i32
    %cond3A_26 = arith.constant 0 : i32
    %cond3A_27 = arith.cmpi ne, %convert_element_type3A_25, %cond3A_26 : i32
    scf.if %cond3A_27 {
      %add3A_182 = arith.constant 64 : i32
      %add3A_183 = arith.addi %mul3A_2, %add3A_182 : i32
      "tpu.region"() ({
        %run_scoped3A = tpu.sem_alloc : memref<!tpu.dma_semaphore, #tpu.memory_space<semaphore_mem>>
        %dma_start3A_186 = tpu.memref_slice %arg3[%add3A_183] : memref<8192xi32, #tpu.memory_space<hbm>> -> memref<32xi32, #tpu.memory_space<hbm>>
        %dma_start3A_187 = tpu.memref_slice %arg3[%add3A_183] : memref<8192xi32, #tpu.memory_space<hbm>> -> memref<32xi32, #tpu.memory_space<hbm>>
        tpu.enqueue_dma source(%dma_start3A_187 : memref<32xi32, #tpu.memory_space<hbm>>) target(%arg8 : memref<32xi32, #tpu.memory_space<vmem>>) target_semaphore(%run_scoped3A : memref<!tpu.dma_semaphore, #tpu.memory_space<semaphore_mem>>)
        %dma_wait3A = tpu.memref_slice %arg3[%add3A_183] : memref<8192xi32, #tpu.memory_space<hbm>> -> memref<32xi32, #tpu.memory_space<hbm>>
        %dma_wait3A_188 = tpu.memref_slice %arg3[%add3A_183] : memref<8192xi32, #tpu.memory_space<hbm>> -> memref<32xi32, #tpu.memory_space<hbm>>
        tpu.wait_dma2 semaphore(%run_scoped3A : memref<!tpu.dma_semaphore, #tpu.memory_space<semaphore_mem>>) src(%dma_wait3A_188 : memref<32xi32, #tpu.memory_space<hbm>>) dst(%arg8 : memref<32xi32, #tpu.memory_space<vmem>>)
        tpu.yield
      }) : () -> ()
      %dma_start3A = arith.constant 0 : i32
      %dma_start3A_184 = arith.constant 0 : i32
      %dma_start3A_185 = tpu.memref_slice %arg2[%dma_start3A, %dma_start3A_184] : memref<2048x1024xf32, #tpu.memory_space<hbm>> -> memref<2048x1024xf32, #tpu.memory_space<hbm>>
      tpu.enqueue_indirect_dma source(%dma_start3A_185 : memref<2048x1024xf32, #tpu.memory_space<hbm>>) target(%arg11 : memref<32x1024xf32, #tpu.memory_space<vmem>>) offsets(%arg8 : memref<32xi32, #tpu.memory_space<vmem>>) semaphore(%arg15 : memref<!tpu.dma_semaphore, #tpu.memory_space<semaphore_mem>>)
    } else {
    }
    %add3A_28 = arith.constant 0 : i32
    %add3A_29 = arith.addi %mul3A_2, %add3A_28 : i32
    %lt3A_30 = arith.cmpi slt, %add3A_29, %mul3A_12 : i32
    %convert_element_type3A_31 = arith.extui %lt3A_30 : i1 to i32
    %cond3A_32 = arith.constant 0 : i32
    %cond3A_33 = arith.cmpi ne, %convert_element_type3A_31, %cond3A_32 : i32
    scf.if %cond3A_33 {
      %dma_wait3A = arith.constant 0 : i32
      %dma_wait3A_182 = arith.constant 0 : i32
      %dma_wait3A_183 = tpu.memref_slice %arg2[%dma_wait3A, %dma_wait3A_182] : memref<2048x1024xf32, #tpu.memory_space<hbm>> -> memref<2048x1024xf32, #tpu.memory_space<hbm>>
      tpu.wait_indirect_dma semaphore(%arg13 : memref<!tpu.dma_semaphore, #tpu.memory_space<semaphore_mem>>) src(%dma_wait3A_183 : memref<2048x1024xf32, #tpu.memory_space<hbm>>) dst(%arg9 : memref<32x1024xf32, #tpu.memory_space<vmem>>)
      %add3A_184 = arith.constant 0 : i32
      %add3A_185 = arith.addi %mul3A_2, %add3A_184 : i32
      %dma_start3A = arith.constant 0 : i32
      %dma_start3A_186 = tpu.memref_slice %arg5[%add3A_185, %dma_start3A] : memref<8192x1024xf32, #tpu.memory_space<hbm>> -> memref<32x1024xf32, #tpu.memory_space<hbm>>
      %dma_start3A_187 = arith.constant 0 : i32
      %dma_start3A_188 = tpu.memref_slice %arg5[%add3A_185, %dma_start3A_187] : memref<8192x1024xf32, #tpu.memory_space<hbm>> -> memref<32x1024xf32, #tpu.memory_space<hbm>>
      tpu.enqueue_dma source(%arg9 : memref<32x1024xf32, #tpu.memory_space<vmem>>) target(%dma_start3A_188 : memref<32x1024xf32, #tpu.memory_space<hbm>>) target_semaphore(%arg16 : memref<!tpu.dma_semaphore, #tpu.memory_space<semaphore_mem>>)
    } else {
    }
    %add3A_34 = arith.constant 96 : i32
    %add3A_35 = arith.addi %mul3A_2, %add3A_34 : i32
    %lt3A_36 = arith.cmpi slt, %add3A_35, %mul3A_12 : i32
    %convert_element_type3A_37 = arith.extui %lt3A_36 : i1 to i32
    %cond3A_38 = arith.constant 0 : i32
    %cond3A_39 = arith.cmpi ne, %convert_element_type3A_37, %cond3A_38 : i32
    scf.if %cond3A_39 {
      %add3A_182 = arith.constant 0 : i32
      %add3A_183 = arith.addi %mul3A_2, %add3A_182 : i32
      %dma_wait3A = arith.constant 0 : i32
      %dma_wait3A_184 = tpu.memref_slice %arg5[%add3A_183, %dma_wait3A] : memref<8192x1024xf32, #tpu.memory_space<hbm>> -> memref<32x1024xf32, #tpu.memory_space<hbm>>
      %dma_wait3A_185 = arith.constant 0 : i32
      %dma_wait3A_186 = tpu.memref_slice %arg5[%add3A_183, %dma_wait3A_185] : memref<8192x1024xf32, #tpu.memory_space<hbm>> -> memref<32x1024xf32, #tpu.memory_space<hbm>>
      tpu.wait_dma2 semaphore(%arg16 : memref<!tpu.dma_semaphore, #tpu.memory_space<semaphore_mem>>) src(%arg9 : memref<32x1024xf32, #tpu.memory_space<vmem>>) dst(%dma_wait3A_186 : memref<32x1024xf32, #tpu.memory_space<hbm>>)
      %add3A_187 = arith.constant 96 : i32
      %add3A_188 = arith.addi %mul3A_2, %add3A_187 : i32
      "tpu.region"() ({
        %run_scoped3A = tpu.sem_alloc : memref<!tpu.dma_semaphore, #tpu.memory_space<semaphore_mem>>
        %dma_start3A_191 = tpu.memref_slice %arg3[%add3A_188] : memref<8192xi32, #tpu.memory_space<hbm>> -> memref<32xi32, #tpu.memory_space<hbm>>
        %dma_start3A_192 = tpu.memref_slice %arg3[%add3A_188] : memref<8192xi32, #tpu.memory_space<hbm>> -> memref<32xi32, #tpu.memory_space<hbm>>
        tpu.enqueue_dma source(%dma_start3A_192 : memref<32xi32, #tpu.memory_space<hbm>>) target(%arg6 : memref<32xi32, #tpu.memory_space<vmem>>) target_semaphore(%run_scoped3A : memref<!tpu.dma_semaphore, #tpu.memory_space<semaphore_mem>>)
        %dma_wait3A_193 = tpu.memref_slice %arg3[%add3A_188] : memref<8192xi32, #tpu.memory_space<hbm>> -> memref<32xi32, #tpu.memory_space<hbm>>
        %dma_wait3A_194 = tpu.memref_slice %arg3[%add3A_188] : memref<8192xi32, #tpu.memory_space<hbm>> -> memref<32xi32, #tpu.memory_space<hbm>>
        tpu.wait_dma2 semaphore(%run_scoped3A : memref<!tpu.dma_semaphore, #tpu.memory_space<semaphore_mem>>) src(%dma_wait3A_194 : memref<32xi32, #tpu.memory_space<hbm>>) dst(%arg6 : memref<32xi32, #tpu.memory_space<vmem>>)
        tpu.yield
      }) : () -> ()
      %dma_start3A = arith.constant 0 : i32
      %dma_start3A_189 = arith.constant 0 : i32
      %dma_start3A_190 = tpu.memref_slice %arg2[%dma_start3A, %dma_start3A_189] : memref<2048x1024xf32, #tpu.memory_space<hbm>> -> memref<2048x1024xf32, #tpu.memory_space<hbm>>
      tpu.enqueue_indirect_dma source(%dma_start3A_190 : memref<2048x1024xf32, #tpu.memory_space<hbm>>) target(%arg9 : memref<32x1024xf32, #tpu.memory_space<vmem>>) offsets(%arg6 : memref<32xi32, #tpu.memory_space<vmem>>) semaphore(%arg13 : memref<!tpu.dma_semaphore, #tpu.memory_space<semaphore_mem>>)
    } else {
    }
    %add3A_40 = arith.constant 32 : i32
    %add3A_41 = arith.addi %mul3A_2, %add3A_40 : i32
    %lt3A_42 = arith.cmpi slt, %add3A_41, %mul3A_12 : i32
    %convert_element_type3A_43 = arith.extui %lt3A_42 : i1 to i32
    %cond3A_44 = arith.constant 0 : i32
    %cond3A_45 = arith.cmpi ne, %convert_element_type3A_43, %cond3A_44 : i32
    scf.if %cond3A_45 {
      %dma_wait3A = arith.constant 0 : i32
      %dma_wait3A_182 = arith.constant 0 : i32
      %dma_wait3A_183 = tpu.memref_slice %arg2[%dma_wait3A, %dma_wait3A_182] : memref<2048x1024xf32, #tpu.memory_space<hbm>> -> memref<2048x1024xf32, #tpu.memory_space<hbm>>
      tpu.wait_indirect_dma semaphore(%arg14 : memref<!tpu.dma_semaphore, #tpu.memory_space<semaphore_mem>>) src(%dma_wait3A_183 : memref<2048x1024xf32, #tpu.memory_space<hbm>>) dst(%arg10 : memref<32x1024xf32, #tpu.memory_space<vmem>>)
      %add3A_184 = arith.constant 32 : i32
      %add3A_185 = arith.addi %mul3A_2, %add3A_184 : i32
      %dma_start3A = arith.constant 0 : i32
      %dma_start3A_186 = tpu.memref_slice %arg5[%add3A_185, %dma_start3A] : memref<8192x1024xf32, #tpu.memory_space<hbm>> -> memref<32x1024xf32, #tpu.memory_space<hbm>>
      %dma_start3A_187 = arith.constant 0 : i32
      %dma_start3A_188 = tpu.memref_slice %arg5[%add3A_185, %dma_start3A_187] : memref<8192x1024xf32, #tpu.memory_space<hbm>> -> memref<32x1024xf32, #tpu.memory_space<hbm>>
      tpu.enqueue_dma source(%arg10 : memref<32x1024xf32, #tpu.memory_space<vmem>>) target(%dma_start3A_188 : memref<32x1024xf32, #tpu.memory_space<hbm>>) target_semaphore(%arg17 : memref<!tpu.dma_semaphore, #tpu.memory_space<semaphore_mem>>)
    } else {
    }
    %add3A_46 = arith.constant 128 : i32
    %add3A_47 = arith.addi %mul3A_2, %add3A_46 : i32
    %lt3A_48 = arith.cmpi slt, %add3A_47, %mul3A_12 : i32
    %convert_element_type3A_49 = arith.extui %lt3A_48 : i1 to i32
    %cond3A_50 = arith.constant 0 : i32
    %cond3A_51 = arith.cmpi ne, %convert_element_type3A_49, %cond3A_50 : i32
    scf.if %cond3A_51 {
      %add3A_182 = arith.constant 32 : i32
      %add3A_183 = arith.addi %mul3A_2, %add3A_182 : i32
      %dma_wait3A = arith.constant 0 : i32
      %dma_wait3A_184 = tpu.memref_slice %arg5[%add3A_183, %dma_wait3A] : memref<8192x1024xf32, #tpu.memory_space<hbm>> -> memref<32x1024xf32, #tpu.memory_space<hbm>>
      %dma_wait3A_185 = arith.constant 0 : i32
      %dma_wait3A_186 = tpu.memref_slice %arg5[%add3A_183, %dma_wait3A_185] : memref<8192x1024xf32, #tpu.memory_space<hbm>> -> memref<32x1024xf32, #tpu.memory_space<hbm>>
      tpu.wait_dma2 semaphore(%arg17 : memref<!tpu.dma_semaphore, #tpu.memory_space<semaphore_mem>>) src(%arg10 : memref<32x1024xf32, #tpu.memory_space<vmem>>) dst(%dma_wait3A_186 : memref<32x1024xf32, #tpu.memory_space<hbm>>)
      %add3A_187 = arith.constant 128 : i32
      %add3A_188 = arith.addi %mul3A_2, %add3A_187 : i32
      "tpu.region"() ({
        %run_scoped3A = tpu.sem_alloc : memref<!tpu.dma_semaphore, #tpu.memory_space<semaphore_mem>>
        %dma_start3A_191 = tpu.memref_slice %arg3[%add3A_188] : memref<8192xi32, #tpu.memory_space<hbm>> -> memref<32xi32, #tpu.memory_space<hbm>>
        %dma_start3A_192 = tpu.memref_slice %arg3[%add3A_188] : memref<8192xi32, #tpu.memory_space<hbm>> -> memref<32xi32, #tpu.memory_space<hbm>>
        tpu.enqueue_dma source(%dma_start3A_192 : memref<32xi32, #tpu.memory_space<hbm>>) target(%arg7 : memref<32xi32, #tpu.memory_space<vmem>>) target_semaphore(%run_scoped3A : memref<!tpu.dma_semaphore, #tpu.memory_space<semaphore_mem>>)
        %dma_wait3A_193 = tpu.memref_slice %arg3[%add3A_188] : memref<8192xi32, #tpu.memory_space<hbm>> -> memref<32xi32, #tpu.memory_space<hbm>>
        %dma_wait3A_194 = tpu.memref_slice %arg3[%add3A_188] : memref<8192xi32, #tpu.memory_space<hbm>> -> memref<32xi32, #tpu.memory_space<hbm>>
        tpu.wait_dma2 semaphore(%run_scoped3A : memref<!tpu.dma_semaphore, #tpu.memory_space<semaphore_mem>>) src(%dma_wait3A_194 : memref<32xi32, #tpu.memory_space<hbm>>) dst(%arg7 : memref<32xi32, #tpu.memory_space<vmem>>)
        tpu.yield
      }) : () -> ()
      %dma_start3A = arith.constant 0 : i32
      %dma_start3A_189 = arith.constant 0 : i32
      %dma_start3A_190 = tpu.memref_slice %arg2[%dma_start3A, %dma_start3A_189] : memref<2048x1024xf32, #tpu.memory_space<hbm>> -> memref<2048x1024xf32, #tpu.memory_space<hbm>>
      tpu.enqueue_indirect_dma source(%dma_start3A_190 : memref<2048x1024xf32, #tpu.memory_space<hbm>>) target(%arg10 : memref<32x1024xf32, #tpu.memory_space<vmem>>) offsets(%arg7 : memref<32xi32, #tpu.memory_space<vmem>>) semaphore(%arg14 : memref<!tpu.dma_semaphore, #tpu.memory_space<semaphore_mem>>)
    } else {
    }
    %add3A_52 = arith.constant 64 : i32
    %add3A_53 = arith.addi %mul3A_2, %add3A_52 : i32
    %lt3A_54 = arith.cmpi slt, %add3A_53, %mul3A_12 : i32
    %convert_element_type3A_55 = arith.extui %lt3A_54 : i1 to i32
    %cond3A_56 = arith.constant 0 : i32
    %cond3A_57 = arith.cmpi ne, %convert_element_type3A_55, %cond3A_56 : i32
    scf.if %cond3A_57 {
      %dma_wait3A = arith.constant 0 : i32
      %dma_wait3A_182 = arith.constant 0 : i32
      %dma_wait3A_183 = tpu.memref_slice %arg2[%dma_wait3A, %dma_wait3A_182] : memref<2048x1024xf32, #tpu.memory_space<hbm>> -> memref<2048x1024xf32, #tpu.memory_space<hbm>>
      tpu.wait_indirect_dma semaphore(%arg15 : memref<!tpu.dma_semaphore, #tpu.memory_space<semaphore_mem>>) src(%dma_wait3A_183 : memref<2048x1024xf32, #tpu.memory_space<hbm>>) dst(%arg11 : memref<32x1024xf32, #tpu.memory_space<vmem>>)
      %add3A_184 = arith.constant 64 : i32
      %add3A_185 = arith.addi %mul3A_2, %add3A_184 : i32
      %dma_start3A = arith.constant 0 : i32
      %dma_start3A_186 = tpu.memref_slice %arg5[%add3A_185, %dma_start3A] : memref<8192x1024xf32, #tpu.memory_space<hbm>> -> memref<32x1024xf32, #tpu.memory_space<hbm>>
      %dma_start3A_187 = arith.constant 0 : i32
      %dma_start3A_188 = tpu.memref_slice %arg5[%add3A_185, %dma_start3A_187] : memref<8192x1024xf32, #tpu.memory_space<hbm>> -> memref<32x1024xf32, #tpu.memory_space<hbm>>
      tpu.enqueue_dma source(%arg11 : memref<32x1024xf32, #tpu.memory_space<vmem>>) target(%dma_start3A_188 : memref<32x1024xf32, #tpu.memory_space<hbm>>) target_semaphore(%arg18 : memref<!tpu.dma_semaphore, #tpu.memory_space<semaphore_mem>>)
    } else {
    }
    %add3A_58 = arith.constant 160 : i32
    %add3A_59 = arith.addi %mul3A_2, %add3A_58 : i32
    %lt3A_60 = arith.cmpi slt, %add3A_59, %mul3A_12 : i32
    %convert_element_type3A_61 = arith.extui %lt3A_60 : i1 to i32
    %cond3A_62 = arith.constant 0 : i32
    %cond3A_63 = arith.cmpi ne, %convert_element_type3A_61, %cond3A_62 : i32
    scf.if %cond3A_63 {
      %add3A_182 = arith.constant 64 : i32
      %add3A_183 = arith.addi %mul3A_2, %add3A_182 : i32
      %dma_wait3A = arith.constant 0 : i32
      %dma_wait3A_184 = tpu.memref_slice %arg5[%add3A_183, %dma_wait3A] : memref<8192x1024xf32, #tpu.memory_space<hbm>> -> memref<32x1024xf32, #tpu.memory_space<hbm>>
      %dma_wait3A_185 = arith.constant 0 : i32
      %dma_wait3A_186 = tpu.memref_slice %arg5[%add3A_183, %dma_wait3A_185] : memref<8192x1024xf32, #tpu.memory_space<hbm>> -> memref<32x1024xf32, #tpu.memory_space<hbm>>
      tpu.wait_dma2 semaphore(%arg18 : memref<!tpu.dma_semaphore, #tpu.memory_space<semaphore_mem>>) src(%arg11 : memref<32x1024xf32, #tpu.memory_space<vmem>>) dst(%dma_wait3A_186 : memref<32x1024xf32, #tpu.memory_space<hbm>>)
      %add3A_187 = arith.constant 160 : i32
      %add3A_188 = arith.addi %mul3A_2, %add3A_187 : i32
      "tpu.region"() ({
        %run_scoped3A = tpu.sem_alloc : memref<!tpu.dma_semaphore, #tpu.memory_space<semaphore_mem>>
        %dma_start3A_191 = tpu.memref_slice %arg3[%add3A_188] : memref<8192xi32, #tpu.memory_space<hbm>> -> memref<32xi32, #tpu.memory_space<hbm>>
        %dma_start3A_192 = tpu.memref_slice %arg3[%add3A_188] : memref<8192xi32, #tpu.memory_space<hbm>> -> memref<32xi32, #tpu.memory_space<hbm>>
        tpu.enqueue_dma source(%dma_start3A_192 : memref<32xi32, #tpu.memory_space<hbm>>) target(%arg8 : memref<32xi32, #tpu.memory_space<vmem>>) target_semaphore(%run_scoped3A : memref<!tpu.dma_semaphore, #tpu.memory_space<semaphore_mem>>)
        %dma_wait3A_193 = tpu.memref_slice %arg3[%add3A_188] : memref<8192xi32, #tpu.memory_space<hbm>> -> memref<32xi32, #tpu.memory_space<hbm>>
        %dma_wait3A_194 = tpu.memref_slice %arg3[%add3A_188] : memref<8192xi32, #tpu.memory_space<hbm>> -> memref<32xi32, #tpu.memory_space<hbm>>
        tpu.wait_dma2 semaphore(%run_scoped3A : memref<!tpu.dma_semaphore, #tpu.memory_space<semaphore_mem>>) src(%dma_wait3A_194 : memref<32xi32, #tpu.memory_space<hbm>>) dst(%arg8 : memref<32xi32, #tpu.memory_space<vmem>>)
        tpu.yield
      }) : () -> ()
      %dma_start3A = arith.constant 0 : i32
      %dma_start3A_189 = arith.constant 0 : i32
      %dma_start3A_190 = tpu.memref_slice %arg2[%dma_start3A, %dma_start3A_189] : memref<2048x1024xf32, #tpu.memory_space<hbm>> -> memref<2048x1024xf32, #tpu.memory_space<hbm>>
      tpu.enqueue_indirect_dma source(%dma_start3A_190 : memref<2048x1024xf32, #tpu.memory_space<hbm>>) target(%arg11 : memref<32x1024xf32, #tpu.memory_space<vmem>>) offsets(%arg8 : memref<32xi32, #tpu.memory_space<vmem>>) semaphore(%arg15 : memref<!tpu.dma_semaphore, #tpu.memory_space<semaphore_mem>>)
    } else {
    }
    %add3A_64 = arith.constant 96 : i32
    %add3A_65 = arith.addi %mul3A_2, %add3A_64 : i32
    %lt3A_66 = arith.cmpi slt, %add3A_65, %mul3A_12 : i32
    %convert_element_type3A_67 = arith.extui %lt3A_66 : i1 to i32
    %cond3A_68 = arith.constant 0 : i32
    %cond3A_69 = arith.cmpi ne, %convert_element_type3A_67, %cond3A_68 : i32
    scf.if %cond3A_69 {
      %dma_wait3A = arith.constant 0 : i32
      %dma_wait3A_182 = arith.constant 0 : i32
      %dma_wait3A_183 = tpu.memref_slice %arg2[%dma_wait3A, %dma_wait3A_182] : memref<2048x1024xf32, #tpu.memory_space<hbm>> -> memref<2048x1024xf32, #tpu.memory_space<hbm>>
      tpu.wait_indirect_dma semaphore(%arg13 : memref<!tpu.dma_semaphore, #tpu.memory_space<semaphore_mem>>) src(%dma_wait3A_183 : memref<2048x1024xf32, #tpu.memory_space<hbm>>) dst(%arg9 : memref<32x1024xf32, #tpu.memory_space<vmem>>)
      %add3A_184 = arith.constant 96 : i32
      %add3A_185 = arith.addi %mul3A_2, %add3A_184 : i32
      %dma_start3A = arith.constant 0 : i32
      %dma_start3A_186 = tpu.memref_slice %arg5[%add3A_185, %dma_start3A] : memref<8192x1024xf32, #tpu.memory_space<hbm>> -> memref<32x1024xf32, #tpu.memory_space<hbm>>
      %dma_start3A_187 = arith.constant 0 : i32
      %dma_start3A_188 = tpu.memref_slice %arg5[%add3A_185, %dma_start3A_187] : memref<8192x1024xf32, #tpu.memory_space<hbm>> -> memref<32x1024xf32, #tpu.memory_space<hbm>>
      tpu.enqueue_dma source(%arg9 : memref<32x1024xf32, #tpu.memory_space<vmem>>) target(%dma_start3A_188 : memref<32x1024xf32, #tpu.memory_space<hbm>>) target_semaphore(%arg16 : memref<!tpu.dma_semaphore, #tpu.memory_space<semaphore_mem>>)
    } else {
    }
    %add3A_70 = arith.constant 192 : i32
    %add3A_71 = arith.addi %mul3A_2, %add3A_70 : i32
    %lt3A_72 = arith.cmpi slt, %add3A_71, %mul3A_12 : i32
    %convert_element_type3A_73 = arith.extui %lt3A_72 : i1 to i32
    %cond3A_74 = arith.constant 0 : i32
    %cond3A_75 = arith.cmpi ne, %convert_element_type3A_73, %cond3A_74 : i32
    scf.if %cond3A_75 {
      %add3A_182 = arith.constant 96 : i32
      %add3A_183 = arith.addi %mul3A_2, %add3A_182 : i32
      %dma_wait3A = arith.constant 0 : i32
      %dma_wait3A_184 = tpu.memref_slice %arg5[%add3A_183, %dma_wait3A] : memref<8192x1024xf32, #tpu.memory_space<hbm>> -> memref<32x1024xf32, #tpu.memory_space<hbm>>
      %dma_wait3A_185 = arith.constant 0 : i32
      %dma_wait3A_186 = tpu.memref_slice %arg5[%add3A_183, %dma_wait3A_185] : memref<8192x1024xf32, #tpu.memory_space<hbm>> -> memref<32x1024xf32, #tpu.memory_space<hbm>>
      tpu.wait_dma2 semaphore(%arg16 : memref<!tpu.dma_semaphore, #tpu.memory_space<semaphore_mem>>) src(%arg9 : memref<32x1024xf32, #tpu.memory_space<vmem>>) dst(%dma_wait3A_186 : memref<32x1024xf32, #tpu.memory_space<hbm>>)
      %add3A_187 = arith.constant 192 : i32
      %add3A_188 = arith.addi %mul3A_2, %add3A_187 : i32
      "tpu.region"() ({
        %run_scoped3A = tpu.sem_alloc : memref<!tpu.dma_semaphore, #tpu.memory_space<semaphore_mem>>
        %dma_start3A_191 = tpu.memref_slice %arg3[%add3A_188] : memref<8192xi32, #tpu.memory_space<hbm>> -> memref<32xi32, #tpu.memory_space<hbm>>
        %dma_start3A_192 = tpu.memref_slice %arg3[%add3A_188] : memref<8192xi32, #tpu.memory_space<hbm>> -> memref<32xi32, #tpu.memory_space<hbm>>
        tpu.enqueue_dma source(%dma_start3A_192 : memref<32xi32, #tpu.memory_space<hbm>>) target(%arg6 : memref<32xi32, #tpu.memory_space<vmem>>) target_semaphore(%run_scoped3A : memref<!tpu.dma_semaphore, #tpu.memory_space<semaphore_mem>>)
        %dma_wait3A_193 = tpu.memref_slice %arg3[%add3A_188] : memref<8192xi32, #tpu.memory_space<hbm>> -> memref<32xi32, #tpu.memory_space<hbm>>
        %dma_wait3A_194 = tpu.memref_slice %arg3[%add3A_188] : memref<8192xi32, #tpu.memory_space<hbm>> -> memref<32xi32, #tpu.memory_space<hbm>>
        tpu.wait_dma2 semaphore(%run_scoped3A : memref<!tpu.dma_semaphore, #tpu.memory_space<semaphore_mem>>) src(%dma_wait3A_194 : memref<32xi32, #tpu.memory_space<hbm>>) dst(%arg6 : memref<32xi32, #tpu.memory_space<vmem>>)
        tpu.yield
      }) : () -> ()
      %dma_start3A = arith.constant 0 : i32
      %dma_start3A_189 = arith.constant 0 : i32
      %dma_start3A_190 = tpu.memref_slice %arg2[%dma_start3A, %dma_start3A_189] : memref<2048x1024xf32, #tpu.memory_space<hbm>> -> memref<2048x1024xf32, #tpu.memory_space<hbm>>
      tpu.enqueue_indirect_dma source(%dma_start3A_190 : memref<2048x1024xf32, #tpu.memory_space<hbm>>) target(%arg9 : memref<32x1024xf32, #tpu.memory_space<vmem>>) offsets(%arg6 : memref<32xi32, #tpu.memory_space<vmem>>) semaphore(%arg13 : memref<!tpu.dma_semaphore, #tpu.memory_space<semaphore_mem>>)
    } else {
    }
    %add3A_76 = arith.constant 128 : i32
    %add3A_77 = arith.addi %mul3A_2, %add3A_76 : i32
    %lt3A_78 = arith.cmpi slt, %add3A_77, %mul3A_12 : i32
    %convert_element_type3A_79 = arith.extui %lt3A_78 : i1 to i32
    %cond3A_80 = arith.constant 0 : i32
    %cond3A_81 = arith.cmpi ne, %convert_element_type3A_79, %cond3A_80 : i32
    scf.if %cond3A_81 {
      %dma_wait3A = arith.constant 0 : i32
      %dma_wait3A_182 = arith.constant 0 : i32
      %dma_wait3A_183 = tpu.memref_slice %arg2[%dma_wait3A, %dma_wait3A_182] : memref<2048x1024xf32, #tpu.memory_space<hbm>> -> memref<2048x1024xf32, #tpu.memory_space<hbm>>
      tpu.wait_indirect_dma semaphore(%arg14 : memref<!tpu.dma_semaphore, #tpu.memory_space<semaphore_mem>>) src(%dma_wait3A_183 : memref<2048x1024xf32, #tpu.memory_space<hbm>>) dst(%arg10 : memref<32x1024xf32, #tpu.memory_space<vmem>>)
      %add3A_184 = arith.constant 128 : i32
      %add3A_185 = arith.addi %mul3A_2, %add3A_184 : i32
      %dma_start3A = arith.constant 0 : i32
      %dma_start3A_186 = tpu.memref_slice %arg5[%add3A_185, %dma_start3A] : memref<8192x1024xf32, #tpu.memory_space<hbm>> -> memref<32x1024xf32, #tpu.memory_space<hbm>>
      %dma_start3A_187 = arith.constant 0 : i32
      %dma_start3A_188 = tpu.memref_slice %arg5[%add3A_185, %dma_start3A_187] : memref<8192x1024xf32, #tpu.memory_space<hbm>> -> memref<32x1024xf32, #tpu.memory_space<hbm>>
      tpu.enqueue_dma source(%arg10 : memref<32x1024xf32, #tpu.memory_space<vmem>>) target(%dma_start3A_188 : memref<32x1024xf32, #tpu.memory_space<hbm>>) target_semaphore(%arg17 : memref<!tpu.dma_semaphore, #tpu.memory_space<semaphore_mem>>)
    } else {
    }
    %add3A_82 = arith.constant 224 : i32
    %add3A_83 = arith.addi %mul3A_2, %add3A_82 : i32
    %lt3A_84 = arith.cmpi slt, %add3A_83, %mul3A_12 : i32
    %convert_element_type3A_85 = arith.extui %lt3A_84 : i1 to i32
    %cond3A_86 = arith.constant 0 : i32
    %cond3A_87 = arith.cmpi ne, %convert_element_type3A_85, %cond3A_86 : i32
    scf.if %cond3A_87 {
      %add3A_182 = arith.constant 128 : i32
      %add3A_183 = arith.addi %mul3A_2, %add3A_182 : i32
      %dma_wait3A = arith.constant 0 : i32
      %dma_wait3A_184 = tpu.memref_slice %arg5[%add3A_183, %dma_wait3A] : memref<8192x1024xf32, #tpu.memory_space<hbm>> -> memref<32x1024xf32, #tpu.memory_space<hbm>>
      %dma_wait3A_185 = arith.constant 0 : i32
      %dma_wait3A_186 = tpu.memref_slice %arg5[%add3A_183, %dma_wait3A_185] : memref<8192x1024xf32, #tpu.memory_space<hbm>> -> memref<32x1024xf32, #tpu.memory_space<hbm>>
      tpu.wait_dma2 semaphore(%arg17 : memref<!tpu.dma_semaphore, #tpu.memory_space<semaphore_mem>>) src(%arg10 : memref<32x1024xf32, #tpu.memory_space<vmem>>) dst(%dma_wait3A_186 : memref<32x1024xf32, #tpu.memory_space<hbm>>)
      %add3A_187 = arith.constant 224 : i32
      %add3A_188 = arith.addi %mul3A_2, %add3A_187 : i32
      "tpu.region"() ({
        %run_scoped3A = tpu.sem_alloc : memref<!tpu.dma_semaphore, #tpu.memory_space<semaphore_mem>>
        %dma_start3A_191 = tpu.memref_slice %arg3[%add3A_188] : memref<8192xi32, #tpu.memory_space<hbm>> -> memref<32xi32, #tpu.memory_space<hbm>>
        %dma_start3A_192 = tpu.memref_slice %arg3[%add3A_188] : memref<8192xi32, #tpu.memory_space<hbm>> -> memref<32xi32, #tpu.memory_space<hbm>>
        tpu.enqueue_dma source(%dma_start3A_192 : memref<32xi32, #tpu.memory_space<hbm>>) target(%arg7 : memref<32xi32, #tpu.memory_space<vmem>>) target_semaphore(%run_scoped3A : memref<!tpu.dma_semaphore, #tpu.memory_space<semaphore_mem>>)
        %dma_wait3A_193 = tpu.memref_slice %arg3[%add3A_188] : memref<8192xi32, #tpu.memory_space<hbm>> -> memref<32xi32, #tpu.memory_space<hbm>>
        %dma_wait3A_194 = tpu.memref_slice %arg3[%add3A_188] : memref<8192xi32, #tpu.memory_space<hbm>> -> memref<32xi32, #tpu.memory_space<hbm>>
        tpu.wait_dma2 semaphore(%run_scoped3A : memref<!tpu.dma_semaphore, #tpu.memory_space<semaphore_mem>>) src(%dma_wait3A_194 : memref<32xi32, #tpu.memory_space<hbm>>) dst(%arg7 : memref<32xi32, #tpu.memory_space<vmem>>)
        tpu.yield
      }) : () -> ()
      %dma_start3A = arith.constant 0 : i32
      %dma_start3A_189 = arith.constant 0 : i32
      %dma_start3A_190 = tpu.memref_slice %arg2[%dma_start3A, %dma_start3A_189] : memref<2048x1024xf32, #tpu.memory_space<hbm>> -> memref<2048x1024xf32, #tpu.memory_space<hbm>>
      tpu.enqueue_indirect_dma source(%dma_start3A_190 : memref<2048x1024xf32, #tpu.memory_space<hbm>>) target(%arg10 : memref<32x1024xf32, #tpu.memory_space<vmem>>) offsets(%arg7 : memref<32xi32, #tpu.memory_space<vmem>>) semaphore(%arg14 : memref<!tpu.dma_semaphore, #tpu.memory_space<semaphore_mem>>)
    } else {
    }
    %add3A_88 = arith.constant 160 : i32
    %add3A_89 = arith.addi %mul3A_2, %add3A_88 : i32
    %lt3A_90 = arith.cmpi slt, %add3A_89, %mul3A_12 : i32
    %convert_element_type3A_91 = arith.extui %lt3A_90 : i1 to i32
    %cond3A_92 = arith.constant 0 : i32
    %cond3A_93 = arith.cmpi ne, %convert_element_type3A_91, %cond3A_92 : i32
    scf.if %cond3A_93 {
      %dma_wait3A = arith.constant 0 : i32
      %dma_wait3A_182 = arith.constant 0 : i32
      %dma_wait3A_183 = tpu.memref_slice %arg2[%dma_wait3A, %dma_wait3A_182] : memref<2048x1024xf32, #tpu.memory_space<hbm>> -> memref<2048x1024xf32, #tpu.memory_space<hbm>>
      tpu.wait_indirect_dma semaphore(%arg15 : memref<!tpu.dma_semaphore, #tpu.memory_space<semaphore_mem>>) src(%dma_wait3A_183 : memref<2048x1024xf32, #tpu.memory_space<hbm>>) dst(%arg11 : memref<32x1024xf32, #tpu.memory_space<vmem>>)
      %add3A_184 = arith.constant 160 : i32
      %add3A_185 = arith.addi %mul3A_2, %add3A_184 : i32
      %dma_start3A = arith.constant 0 : i32
      %dma_start3A_186 = tpu.memref_slice %arg5[%add3A_185, %dma_start3A] : memref<8192x1024xf32, #tpu.memory_space<hbm>> -> memref<32x1024xf32, #tpu.memory_space<hbm>>
      %dma_start3A_187 = arith.constant 0 : i32
      %dma_start3A_188 = tpu.memref_slice %arg5[%add3A_185, %dma_start3A_187] : memref<8192x1024xf32, #tpu.memory_space<hbm>> -> memref<32x1024xf32, #tpu.memory_space<hbm>>
      tpu.enqueue_dma source(%arg11 : memref<32x1024xf32, #tpu.memory_space<vmem>>) target(%dma_start3A_188 : memref<32x1024xf32, #tpu.memory_space<hbm>>) target_semaphore(%arg18 : memref<!tpu.dma_semaphore, #tpu.memory_space<semaphore_mem>>)
    } else {
    }
    %add3A_94 = arith.constant 192 : i32
    %add3A_95 = arith.addi %mul3A_2, %add3A_94 : i32
    %lt3A_96 = arith.cmpi slt, %add3A_95, %mul3A_12 : i32
    %convert_element_type3A_97 = arith.extui %lt3A_96 : i1 to i32
    %cond3A_98 = arith.constant 0 : i32
    %cond3A_99 = arith.cmpi ne, %convert_element_type3A_97, %cond3A_98 : i32
    scf.if %cond3A_99 {
      %dma_wait3A = arith.constant 0 : i32
      %dma_wait3A_182 = arith.constant 0 : i32
      %dma_wait3A_183 = tpu.memref_slice %arg2[%dma_wait3A, %dma_wait3A_182] : memref<2048x1024xf32, #tpu.memory_space<hbm>> -> memref<2048x1024xf32, #tpu.memory_space<hbm>>
      tpu.wait_indirect_dma semaphore(%arg13 : memref<!tpu.dma_semaphore, #tpu.memory_space<semaphore_mem>>) src(%dma_wait3A_183 : memref<2048x1024xf32, #tpu.memory_space<hbm>>) dst(%arg9 : memref<32x1024xf32, #tpu.memory_space<vmem>>)
      %add3A_184 = arith.constant 192 : i32
      %add3A_185 = arith.addi %mul3A_2, %add3A_184 : i32
      %dma_start3A = arith.constant 0 : i32
      %dma_start3A_186 = tpu.memref_slice %arg5[%add3A_185, %dma_start3A] : memref<8192x1024xf32, #tpu.memory_space<hbm>> -> memref<32x1024xf32, #tpu.memory_space<hbm>>
      %dma_start3A_187 = arith.constant 0 : i32
      %dma_start3A_188 = tpu.memref_slice %arg5[%add3A_185, %dma_start3A_187] : memref<8192x1024xf32, #tpu.memory_space<hbm>> -> memref<32x1024xf32, #tpu.memory_space<hbm>>
      tpu.enqueue_dma source(%arg9 : memref<32x1024xf32, #tpu.memory_space<vmem>>) target(%dma_start3A_188 : memref<32x1024xf32, #tpu.memory_space<hbm>>) target_semaphore(%arg16 : memref<!tpu.dma_semaphore, #tpu.memory_space<semaphore_mem>>)
    } else {
    }
    %add3A_100 = arith.constant 224 : i32
    %add3A_101 = arith.addi %mul3A_2, %add3A_100 : i32
    %lt3A_102 = arith.cmpi slt, %add3A_101, %mul3A_12 : i32
    %convert_element_type3A_103 = arith.extui %lt3A_102 : i1 to i32
    %cond3A_104 = arith.constant 0 : i32
    %cond3A_105 = arith.cmpi ne, %convert_element_type3A_103, %cond3A_104 : i32
    scf.if %cond3A_105 {
      %dma_wait3A = arith.constant 0 : i32
      %dma_wait3A_182 = arith.constant 0 : i32
      %dma_wait3A_183 = tpu.memref_slice %arg2[%dma_wait3A, %dma_wait3A_182] : memref<2048x1024xf32, #tpu.memory_space<hbm>> -> memref<2048x1024xf32, #tpu.memory_space<hbm>>
      tpu.wait_indirect_dma semaphore(%arg14 : memref<!tpu.dma_semaphore, #tpu.memory_space<semaphore_mem>>) src(%dma_wait3A_183 : memref<2048x1024xf32, #tpu.memory_space<hbm>>) dst(%arg10 : memref<32x1024xf32, #tpu.memory_space<vmem>>)
      %add3A_184 = arith.constant 224 : i32
      %add3A_185 = arith.addi %mul3A_2, %add3A_184 : i32
      %dma_start3A = arith.constant 0 : i32
      %dma_start3A_186 = tpu.memref_slice %arg5[%add3A_185, %dma_start3A] : memref<8192x1024xf32, #tpu.memory_space<hbm>> -> memref<32x1024xf32, #tpu.memory_space<hbm>>
      %dma_start3A_187 = arith.constant 0 : i32
      %dma_start3A_188 = tpu.memref_slice %arg5[%add3A_185, %dma_start3A_187] : memref<8192x1024xf32, #tpu.memory_space<hbm>> -> memref<32x1024xf32, #tpu.memory_space<hbm>>
      tpu.enqueue_dma source(%arg10 : memref<32x1024xf32, #tpu.memory_space<vmem>>) target(%dma_start3A_188 : memref<32x1024xf32, #tpu.memory_space<hbm>>) target_semaphore(%arg17 : memref<!tpu.dma_semaphore, #tpu.memory_space<semaphore_mem>>)
    } else {
    }
    %add3A_106 = arith.constant 0 : i32
    %add3A_107 = arith.addi %mul3A_2, %add3A_106 : i32
    %lt3A_108 = arith.cmpi slt, %add3A_107, %mul3A_12 : i32
    %add3A_109 = arith.constant 96 : i32
    %add3A_110 = arith.addi %mul3A_2, %add3A_109 : i32
    %lt3A_111 = arith.cmpi slt, %add3A_110, %mul3A_12 : i32
    %not3A = arith.constant true
    %not3A_112 = arith.xori %lt3A_111, %not3A : i1
    %and3A = arith.andi %lt3A_108, %not3A_112 : i1
    %convert_element_type3A_113 = arith.extui %and3A : i1 to i32
    %cond3A_114 = arith.constant 0 : i32
    %cond3A_115 = arith.cmpi ne, %convert_element_type3A_113, %cond3A_114 : i32
    scf.if %cond3A_115 {
      %add3A_182 = arith.constant 0 : i32
      %add3A_183 = arith.addi %mul3A_2, %add3A_182 : i32
      %dma_wait3A = arith.constant 0 : i32
      %dma_wait3A_184 = tpu.memref_slice %arg5[%add3A_183, %dma_wait3A] : memref<8192x1024xf32, #tpu.memory_space<hbm>> -> memref<32x1024xf32, #tpu.memory_space<hbm>>
      %dma_wait3A_185 = arith.constant 0 : i32
      %dma_wait3A_186 = tpu.memref_slice %arg5[%add3A_183, %dma_wait3A_185] : memref<8192x1024xf32, #tpu.memory_space<hbm>> -> memref<32x1024xf32, #tpu.memory_space<hbm>>
      tpu.wait_dma2 semaphore(%arg16 : memref<!tpu.dma_semaphore, #tpu.memory_space<semaphore_mem>>) src(%arg9 : memref<32x1024xf32, #tpu.memory_space<vmem>>) dst(%dma_wait3A_186 : memref<32x1024xf32, #tpu.memory_space<hbm>>)
    } else {
    }
    %add3A_116 = arith.constant 32 : i32
    %add3A_117 = arith.addi %mul3A_2, %add3A_116 : i32
    %lt3A_118 = arith.cmpi slt, %add3A_117, %mul3A_12 : i32
    %add3A_119 = arith.constant 128 : i32
    %add3A_120 = arith.addi %mul3A_2, %add3A_119 : i32
    %lt3A_121 = arith.cmpi slt, %add3A_120, %mul3A_12 : i32
    %not3A_122 = arith.constant true
    %not3A_123 = arith.xori %lt3A_121, %not3A_122 : i1
    %and3A_124 = arith.andi %lt3A_118, %not3A_123 : i1
    %convert_element_type3A_125 = arith.extui %and3A_124 : i1 to i32
    %cond3A_126 = arith.constant 0 : i32
    %cond3A_127 = arith.cmpi ne, %convert_element_type3A_125, %cond3A_126 : i32
    scf.if %cond3A_127 {
      %add3A_182 = arith.constant 32 : i32
      %add3A_183 = arith.addi %mul3A_2, %add3A_182 : i32
      %dma_wait3A = arith.constant 0 : i32
      %dma_wait3A_184 = tpu.memref_slice %arg5[%add3A_183, %dma_wait3A] : memref<8192x1024xf32, #tpu.memory_space<hbm>> -> memref<32x1024xf32, #tpu.memory_space<hbm>>
      %dma_wait3A_185 = arith.constant 0 : i32
      %dma_wait3A_186 = tpu.memref_slice %arg5[%add3A_183, %dma_wait3A_185] : memref<8192x1024xf32, #tpu.memory_space<hbm>> -> memref<32x1024xf32, #tpu.memory_space<hbm>>
      tpu.wait_dma2 semaphore(%arg17 : memref<!tpu.dma_semaphore, #tpu.memory_space<semaphore_mem>>) src(%arg10 : memref<32x1024xf32, #tpu.memory_space<vmem>>) dst(%dma_wait3A_186 : memref<32x1024xf32, #tpu.memory_space<hbm>>)
    } else {
    }
    %add3A_128 = arith.constant 64 : i32
    %add3A_129 = arith.addi %mul3A_2, %add3A_128 : i32
    %lt3A_130 = arith.cmpi slt, %add3A_129, %mul3A_12 : i32
    %add3A_131 = arith.constant 160 : i32
    %add3A_132 = arith.addi %mul3A_2, %add3A_131 : i32
    %lt3A_133 = arith.cmpi slt, %add3A_132, %mul3A_12 : i32
    %not3A_134 = arith.constant true
    %not3A_135 = arith.xori %lt3A_133, %not3A_134 : i1
    %and3A_136 = arith.andi %lt3A_130, %not3A_135 : i1
    %convert_element_type3A_137 = arith.extui %and3A_136 : i1 to i32
    %cond3A_138 = arith.constant 0 : i32
    %cond3A_139 = arith.cmpi ne, %convert_element_type3A_137, %cond3A_138 : i32
    scf.if %cond3A_139 {
      %add3A_182 = arith.constant 64 : i32
      %add3A_183 = arith.addi %mul3A_2, %add3A_182 : i32
      %dma_wait3A = arith.constant 0 : i32
      %dma_wait3A_184 = tpu.memref_slice %arg5[%add3A_183, %dma_wait3A] : memref<8192x1024xf32, #tpu.memory_space<hbm>> -> memref<32x1024xf32, #tpu.memory_space<hbm>>
      %dma_wait3A_185 = arith.constant 0 : i32
      %dma_wait3A_186 = tpu.memref_slice %arg5[%add3A_183, %dma_wait3A_185] : memref<8192x1024xf32, #tpu.memory_space<hbm>> -> memref<32x1024xf32, #tpu.memory_space<hbm>>
      tpu.wait_dma2 semaphore(%arg18 : memref<!tpu.dma_semaphore, #tpu.memory_space<semaphore_mem>>) src(%arg11 : memref<32x1024xf32, #tpu.memory_space<vmem>>) dst(%dma_wait3A_186 : memref<32x1024xf32, #tpu.memory_space<hbm>>)
    } else {
    }
    %add3A_140 = arith.constant 96 : i32
    %add3A_141 = arith.addi %mul3A_2, %add3A_140 : i32
    %lt3A_142 = arith.cmpi slt, %add3A_141, %mul3A_12 : i32
    %add3A_143 = arith.constant 192 : i32
    %add3A_144 = arith.addi %mul3A_2, %add3A_143 : i32
    %lt3A_145 = arith.cmpi slt, %add3A_144, %mul3A_12 : i32
    %not3A_146 = arith.constant true
    %not3A_147 = arith.xori %lt3A_145, %not3A_146 : i1
    %and3A_148 = arith.andi %lt3A_142, %not3A_147 : i1
    %convert_element_type3A_149 = arith.extui %and3A_148 : i1 to i32
    %cond3A_150 = arith.constant 0 : i32
    %cond3A_151 = arith.cmpi ne, %convert_element_type3A_149, %cond3A_150 : i32
    scf.if %cond3A_151 {
      %add3A_182 = arith.constant 96 : i32
      %add3A_183 = arith.addi %mul3A_2, %add3A_182 : i32
      %dma_wait3A = arith.constant 0 : i32
      %dma_wait3A_184 = tpu.memref_slice %arg5[%add3A_183, %dma_wait3A] : memref<8192x1024xf32, #tpu.memory_space<hbm>> -> memref<32x1024xf32, #tpu.memory_space<hbm>>
      %dma_wait3A_185 = arith.constant 0 : i32
      %dma_wait3A_186 = tpu.memref_slice %arg5[%add3A_183, %dma_wait3A_185] : memref<8192x1024xf32, #tpu.memory_space<hbm>> -> memref<32x1024xf32, #tpu.memory_space<hbm>>
      tpu.wait_dma2 semaphore(%arg16 : memref<!tpu.dma_semaphore, #tpu.memory_space<semaphore_mem>>) src(%arg9 : memref<32x1024xf32, #tpu.memory_space<vmem>>) dst(%dma_wait3A_186 : memref<32x1024xf32, #tpu.memory_space<hbm>>)
    } else {
    }
    %add3A_152 = arith.constant 128 : i32
    %add3A_153 = arith.addi %mul3A_2, %add3A_152 : i32
    %lt3A_154 = arith.cmpi slt, %add3A_153, %mul3A_12 : i32
    %add3A_155 = arith.constant 224 : i32
    %add3A_156 = arith.addi %mul3A_2, %add3A_155 : i32
    %lt3A_157 = arith.cmpi slt, %add3A_156, %mul3A_12 : i32
    %not3A_158 = arith.constant true
    %not3A_159 = arith.xori %lt3A_157, %not3A_158 : i1
    %and3A_160 = arith.andi %lt3A_154, %not3A_159 : i1
    %convert_element_type3A_161 = arith.extui %and3A_160 : i1 to i32
    %cond3A_162 = arith.constant 0 : i32
    %cond3A_163 = arith.cmpi ne, %convert_element_type3A_161, %cond3A_162 : i32
    scf.if %cond3A_163 {
      %add3A_182 = arith.constant 128 : i32
      %add3A_183 = arith.addi %mul3A_2, %add3A_182 : i32
      %dma_wait3A = arith.constant 0 : i32
      %dma_wait3A_184 = tpu.memref_slice %arg5[%add3A_183, %dma_wait3A] : memref<8192x1024xf32, #tpu.memory_space<hbm>> -> memref<32x1024xf32, #tpu.memory_space<hbm>>
      %dma_wait3A_185 = arith.constant 0 : i32
      %dma_wait3A_186 = tpu.memref_slice %arg5[%add3A_183, %dma_wait3A_185] : memref<8192x1024xf32, #tpu.memory_space<hbm>> -> memref<32x1024xf32, #tpu.memory_space<hbm>>
      tpu.wait_dma2 semaphore(%arg17 : memref<!tpu.dma_semaphore, #tpu.memory_space<semaphore_mem>>) src(%arg10 : memref<32x1024xf32, #tpu.memory_space<vmem>>) dst(%dma_wait3A_186 : memref<32x1024xf32, #tpu.memory_space<hbm>>)
    } else {
    }
    %add3A_164 = arith.constant 160 : i32
    %add3A_165 = arith.addi %mul3A_2, %add3A_164 : i32
    %lt3A_166 = arith.cmpi slt, %add3A_165, %mul3A_12 : i32
    %convert_element_type3A_167 = arith.extui %lt3A_166 : i1 to i32
    %cond3A_168 = arith.constant 0 : i32
    %cond3A_169 = arith.cmpi ne, %convert_element_type3A_167, %cond3A_168 : i32
    scf.if %cond3A_169 {
      %add3A_182 = arith.constant 160 : i32
      %add3A_183 = arith.addi %mul3A_2, %add3A_182 : i32
      %dma_wait3A = arith.constant 0 : i32
      %dma_wait3A_184 = tpu.memref_slice %arg5[%add3A_183, %dma_wait3A] : memref<8192x1024xf32, #tpu.memory_space<hbm>> -> memref<32x1024xf32, #tpu.memory_space<hbm>>
      %dma_wait3A_185 = arith.constant 0 : i32
      %dma_wait3A_186 = tpu.memref_slice %arg5[%add3A_183, %dma_wait3A_185] : memref<8192x1024xf32, #tpu.memory_space<hbm>> -> memref<32x1024xf32, #tpu.memory_space<hbm>>
      tpu.wait_dma2 semaphore(%arg18 : memref<!tpu.dma_semaphore, #tpu.memory_space<semaphore_mem>>) src(%arg11 : memref<32x1024xf32, #tpu.memory_space<vmem>>) dst(%dma_wait3A_186 : memref<32x1024xf32, #tpu.memory_space<hbm>>)
    } else {
    }
    %add3A_170 = arith.constant 192 : i32
    %add3A_171 = arith.addi %mul3A_2, %add3A_170 : i32
    %lt3A_172 = arith.cmpi slt, %add3A_171, %mul3A_12 : i32
    %convert_element_type3A_173 = arith.extui %lt3A_172 : i1 to i32
    %cond3A_174 = arith.constant 0 : i32
    %cond3A_175 = arith.cmpi ne, %convert_element_type3A_173, %cond3A_174 : i32
    scf.if %cond3A_175 {
      %add3A_182 = arith.constant 192 : i32
      %add3A_183 = arith.addi %mul3A_2, %add3A_182 : i32
      %dma_wait3A = arith.constant 0 : i32
      %dma_wait3A_184 = tpu.memref_slice %arg5[%add3A_183, %dma_wait3A] : memref<8192x1024xf32, #tpu.memory_space<hbm>> -> memref<32x1024xf32, #tpu.memory_space<hbm>>
      %dma_wait3A_185 = arith.constant 0 : i32
      %dma_wait3A_186 = tpu.memref_slice %arg5[%add3A_183, %dma_wait3A_185] : memref<8192x1024xf32, #tpu.memory_space<hbm>> -> memref<32x1024xf32, #tpu.memory_space<hbm>>
      tpu.wait_dma2 semaphore(%arg16 : memref<!tpu.dma_semaphore, #tpu.memory_space<semaphore_mem>>) src(%arg9 : memref<32x1024xf32, #tpu.memory_space<vmem>>) dst(%dma_wait3A_186 : memref<32x1024xf32, #tpu.memory_space<hbm>>)
    } else {
    }
    %add3A_176 = arith.constant 224 : i32
    %add3A_177 = arith.addi %mul3A_2, %add3A_176 : i32
    %lt3A_178 = arith.cmpi slt, %add3A_177, %mul3A_12 : i32
    %convert_element_type3A_179 = arith.extui %lt3A_178 : i1 to i32
    %cond3A_180 = arith.constant 0 : i32
    %cond3A_181 = arith.cmpi ne, %convert_element_type3A_179, %cond3A_180 : i32
    scf.if %cond3A_181 {
      %add3A_182 = arith.constant 224 : i32
      %add3A_183 = arith.addi %mul3A_2, %add3A_182 : i32
      %dma_wait3A = arith.constant 0 : i32
      %dma_wait3A_184 = tpu.memref_slice %arg5[%add3A_183, %dma_wait3A] : memref<8192x1024xf32, #tpu.memory_space<hbm>> -> memref<32x1024xf32, #tpu.memory_space<hbm>>
      %dma_wait3A_185 = arith.constant 0 : i32
      %dma_wait3A_186 = tpu.memref_slice %arg5[%add3A_183, %dma_wait3A_185] : memref<8192x1024xf32, #tpu.memory_space<hbm>> -> memref<32x1024xf32, #tpu.memory_space<hbm>>
      tpu.wait_dma2 semaphore(%arg17 : memref<!tpu.dma_semaphore, #tpu.memory_space<semaphore_mem>>) src(%arg10 : memref<32x1024xf32, #tpu.memory_space<vmem>>) dst(%dma_wait3A_186 : memref<32x1024xf32, #tpu.memory_space<hbm>>)
    } else {
    }
    return
  }
}

#map = affine_map<(d0, d1) -> (0, 0)>
#map1 = affine_map<(d0, d1) -> (0)>
module attributes {stable_mosaic.version = 14 : i64} {
  func.func @_combine_body(%arg0: i32, %arg1: i32, %arg2: memref<8192x1024xf32, #tpu.memory_space<hbm>>, %arg3: memref<4096xi32, #tpu.memory_space<hbm>>, %arg4: memref<2048x1024xf32, #tpu.memory_space<hbm>>, %arg5: memref<32xi32, #tpu.memory_space<vmem>>, %arg6: memref<32x1024xf32, #tpu.memory_space<vmem>>, %arg7: memref<32x1024xf32, #tpu.memory_space<vmem>>, %arg8: memref<!tpu.dma_semaphore, #tpu.memory_space<semaphore_mem>>) attributes {dimension_semantics = [#tpu.dimension_semantics<core_parallel>, #tpu.dimension_semantics<subcore_parallel>], iteration_bounds = array<i64: 2, 16>, scalar_prefetch = 0 : i64, scratch_operands = 4 : i64, tpu.core_type = #tpu.core_type<sc_vector_subcore>, window_params = [{transform_indices = #map}, {transform_indices = #map1}, {transform_indices = #map}]} {
    %mul3A = arith.constant 2 : i32
    %mul3A_0 = arith.muli %arg1, %mul3A : i32
    %add3A = arith.addi %mul3A_0, %arg0 : i32
    %mul3A_1 = arith.constant 64 : i32
    %mul3A_2 = arith.muli %add3A, %mul3A_1 : i32
    %scan3A = arith.constant 0 : i32
    %scan3A_3 = arith.constant 0 : i32
    %scan3A_4 = arith.constant 2 : i32
    %scan3A_5 = arith.addi %scan3A_3, %scan3A_4 : i32
    %scan3A_6 = arith.constant 1 : i32
    %scan3A_7 = scf.for %scan3A_9 = %scan3A_3 to %scan3A_5 step %scan3A_6 iter_args(%scan3A_10 = %scan3A) -> (i32)  : i32 {
      %mul3A_11 = arith.constant 32 : i32
      %mul3A_12 = arith.muli %scan3A_9, %mul3A_11 : i32
      %add3A_13 = arith.addi %mul3A_2, %mul3A_12 : i32
      "tpu.region"() ({
        %run_scoped3A = tpu.sem_alloc : memref<!tpu.dma_semaphore, #tpu.memory_space<semaphore_mem>>
        %dma_start3A_34 = tpu.memref_slice %arg3[%add3A_13] : memref<4096xi32, #tpu.memory_space<hbm>> -> memref<32xi32, #tpu.memory_space<hbm>>
        %dma_start3A_35 = tpu.memref_slice %arg3[%add3A_13] : memref<4096xi32, #tpu.memory_space<hbm>> -> memref<32xi32, #tpu.memory_space<hbm>>
        tpu.enqueue_dma source(%dma_start3A_35 : memref<32xi32, #tpu.memory_space<hbm>>) target(%arg5 : memref<32xi32, #tpu.memory_space<vmem>>) target_semaphore(%run_scoped3A : memref<!tpu.dma_semaphore, #tpu.memory_space<semaphore_mem>>)
        %dma_wait3A_36 = tpu.memref_slice %arg3[%add3A_13] : memref<4096xi32, #tpu.memory_space<hbm>> -> memref<32xi32, #tpu.memory_space<hbm>>
        %dma_wait3A_37 = tpu.memref_slice %arg3[%add3A_13] : memref<4096xi32, #tpu.memory_space<hbm>> -> memref<32xi32, #tpu.memory_space<hbm>>
        tpu.wait_dma2 semaphore(%run_scoped3A : memref<!tpu.dma_semaphore, #tpu.memory_space<semaphore_mem>>) src(%dma_wait3A_37 : memref<32xi32, #tpu.memory_space<hbm>>) dst(%arg5 : memref<32xi32, #tpu.memory_space<vmem>>)
        tpu.yield
      }) : () -> ()
      %dma_start3A = arith.constant 0 : i32
      %dma_start3A_14 = arith.constant 0 : i32
      %dma_start3A_15 = tpu.memref_slice %arg2[%dma_start3A, %dma_start3A_14] : memref<8192x1024xf32, #tpu.memory_space<hbm>> -> memref<8192x1024xf32, #tpu.memory_space<hbm>>
      tpu.enqueue_indirect_dma source(%dma_start3A_15 : memref<8192x1024xf32, #tpu.memory_space<hbm>>) target(%arg6 : memref<32x1024xf32, #tpu.memory_space<vmem>>) offsets(%arg5 : memref<32xi32, #tpu.memory_space<vmem>>) semaphore(%arg8 : memref<!tpu.dma_semaphore, #tpu.memory_space<semaphore_mem>>)
      %dma_wait3A = arith.constant 0 : i32
      %dma_wait3A_16 = arith.constant 0 : i32
      %dma_wait3A_17 = tpu.memref_slice %arg2[%dma_wait3A, %dma_wait3A_16] : memref<8192x1024xf32, #tpu.memory_space<hbm>> -> memref<8192x1024xf32, #tpu.memory_space<hbm>>
      tpu.wait_indirect_dma semaphore(%arg8 : memref<!tpu.dma_semaphore, #tpu.memory_space<semaphore_mem>>) src(%dma_wait3A_17 : memref<8192x1024xf32, #tpu.memory_space<hbm>>) dst(%arg6 : memref<32x1024xf32, #tpu.memory_space<vmem>>)
      %add3A_18 = arith.constant 2048 : i32
      %add3A_19 = arith.addi %add3A_18, %add3A_13 : i32
      "tpu.region"() ({
        %run_scoped3A = tpu.sem_alloc : memref<!tpu.dma_semaphore, #tpu.memory_space<semaphore_mem>>
        %dma_start3A_34 = tpu.memref_slice %arg3[%add3A_19] : memref<4096xi32, #tpu.memory_space<hbm>> -> memref<32xi32, #tpu.memory_space<hbm>>
        %dma_start3A_35 = tpu.memref_slice %arg3[%add3A_19] : memref<4096xi32, #tpu.memory_space<hbm>> -> memref<32xi32, #tpu.memory_space<hbm>>
        tpu.enqueue_dma source(%dma_start3A_35 : memref<32xi32, #tpu.memory_space<hbm>>) target(%arg5 : memref<32xi32, #tpu.memory_space<vmem>>) target_semaphore(%run_scoped3A : memref<!tpu.dma_semaphore, #tpu.memory_space<semaphore_mem>>)
        %dma_wait3A_36 = tpu.memref_slice %arg3[%add3A_19] : memref<4096xi32, #tpu.memory_space<hbm>> -> memref<32xi32, #tpu.memory_space<hbm>>
        %dma_wait3A_37 = tpu.memref_slice %arg3[%add3A_19] : memref<4096xi32, #tpu.memory_space<hbm>> -> memref<32xi32, #tpu.memory_space<hbm>>
        tpu.wait_dma2 semaphore(%run_scoped3A : memref<!tpu.dma_semaphore, #tpu.memory_space<semaphore_mem>>) src(%dma_wait3A_37 : memref<32xi32, #tpu.memory_space<hbm>>) dst(%arg5 : memref<32xi32, #tpu.memory_space<vmem>>)
        tpu.yield
      }) : () -> ()
      %dma_start3A_20 = arith.constant 0 : i32
      %dma_start3A_21 = arith.constant 0 : i32
      %dma_start3A_22 = tpu.memref_slice %arg2[%dma_start3A_20, %dma_start3A_21] : memref<8192x1024xf32, #tpu.memory_space<hbm>> -> memref<8192x1024xf32, #tpu.memory_space<hbm>>
      tpu.enqueue_indirect_dma source(%dma_start3A_22 : memref<8192x1024xf32, #tpu.memory_space<hbm>>) target(%arg7 : memref<32x1024xf32, #tpu.memory_space<vmem>>) offsets(%arg5 : memref<32xi32, #tpu.memory_space<vmem>>) semaphore(%arg8 : memref<!tpu.dma_semaphore, #tpu.memory_space<semaphore_mem>>)
      %dma_wait3A_23 = arith.constant 0 : i32
      %dma_wait3A_24 = arith.constant 0 : i32
      %dma_wait3A_25 = tpu.memref_slice %arg2[%dma_wait3A_23, %dma_wait3A_24] : memref<8192x1024xf32, #tpu.memory_space<hbm>> -> memref<8192x1024xf32, #tpu.memory_space<hbm>>
      tpu.wait_indirect_dma semaphore(%arg8 : memref<!tpu.dma_semaphore, #tpu.memory_space<semaphore_mem>>) src(%dma_wait3A_25 : memref<8192x1024xf32, #tpu.memory_space<hbm>>) dst(%arg7 : memref<32x1024xf32, #tpu.memory_space<vmem>>)
      %scan3A_26 = arith.constant 0 : i32
      %scan3A_27 = arith.constant 0 : i32
      %scan3A_28 = arith.constant 2048 : i32
      %scan3A_29 = arith.addi %scan3A_27, %scan3A_28 : i32
      %scan3A_30 = arith.constant 1 : i32
      %scan3A_31 = scf.for %scan3A_34 = %scan3A_27 to %scan3A_29 step %scan3A_30 iter_args(%scan3A_35 = %scan3A_26) -> (i32)  : i32 {
        %shift_right_arithmetic3A = arith.constant 6 : i32
        %shift_right_arithmetic3A_36 = arith.shrsi %scan3A_34, %shift_right_arithmetic3A : i32
        %and3A = arith.constant 63 : i32
        %and3A_37 = arith.andi %scan3A_34, %and3A : i32
        %mul3A_38 = arith.constant 16 : i32
        %mul3A_39 = arith.muli %and3A_37, %mul3A_38 : i32
        %get3A = arith.index_cast %shift_right_arithmetic3A_36 : i32 to index
        %get3A_40 = arith.index_cast %mul3A_39 : i32 to index
        %get3A_41 = tpu.vector_load %arg6[%get3A, %get3A_40] {strides = array<i32>} : memref<32x1024xf32, #tpu.memory_space<vmem>>, vector<16xf32>,
        %get3A_42 = arith.index_cast %shift_right_arithmetic3A_36 : i32 to index
        %get3A_43 = arith.index_cast %mul3A_39 : i32 to index
        %get3A_44 = tpu.vector_load %arg7[%get3A_42, %get3A_43] {strides = array<i32>} : memref<32x1024xf32, #tpu.memory_space<vmem>>, vector<16xf32>,
        %add3A_45 = arith.addf %get3A_41, %get3A_44 : vector<16xf32>
        %swap3A = arith.index_cast %shift_right_arithmetic3A_36 : i32 to index
        %swap3A_46 = arith.index_cast %mul3A_39 : i32 to index
        %swap3A_47 = tpu.vector_load %arg6[%swap3A, %swap3A_46] {strides = array<i32>} : memref<32x1024xf32, #tpu.memory_space<vmem>>, vector<16xf32>,
        tpu.vector_store %arg6[%swap3A, %swap3A_46], %add3A_45 {strides = array<i32>} : memref<32x1024xf32, #tpu.memory_space<vmem>>, vector<16xf32>,
        %scan3A_48 = arith.constant 0 : i32
        scf.yield %scan3A_48 : i32
      }
      %scan3A_32 = arith.constant 2048 : i32
      "tpu.region"() ({
        %run_scoped3A = tpu.sem_alloc : memref<!tpu.dma_semaphore, #tpu.memory_space<semaphore_mem>>
        %dma_start3A_34 = arith.constant 0 : i32
        %dma_start3A_35 = tpu.memref_slice %arg4[%add3A_13, %dma_start3A_34] : memref<2048x1024xf32, #tpu.memory_space<hbm>> -> memref<32x1024xf32, #tpu.memory_space<hbm>>
        %dma_start3A_36 = arith.constant 0 : i32
        %dma_start3A_37 = tpu.memref_slice %arg4[%add3A_13, %dma_start3A_36] : memref<2048x1024xf32, #tpu.memory_space<hbm>> -> memref<32x1024xf32, #tpu.memory_space<hbm>>
        tpu.enqueue_dma source(%arg6 : memref<32x1024xf32, #tpu.memory_space<vmem>>) target(%dma_start3A_37 : memref<32x1024xf32, #tpu.memory_space<hbm>>) target_semaphore(%run_scoped3A : memref<!tpu.dma_semaphore, #tpu.memory_space<semaphore_mem>>)
        %dma_wait3A_38 = arith.constant 0 : i32
        %dma_wait3A_39 = tpu.memref_slice %arg4[%add3A_13, %dma_wait3A_38] : memref<2048x1024xf32, #tpu.memory_space<hbm>> -> memref<32x1024xf32, #tpu.memory_space<hbm>>
        %dma_wait3A_40 = arith.constant 0 : i32
        %dma_wait3A_41 = tpu.memref_slice %arg4[%add3A_13, %dma_wait3A_40] : memref<2048x1024xf32, #tpu.memory_space<hbm>> -> memref<32x1024xf32, #tpu.memory_space<hbm>>
        tpu.wait_dma2 semaphore(%run_scoped3A : memref<!tpu.dma_semaphore, #tpu.memory_space<semaphore_mem>>) src(%arg6 : memref<32x1024xf32, #tpu.memory_space<vmem>>) dst(%dma_wait3A_41 : memref<32x1024xf32, #tpu.memory_space<hbm>>)
        tpu.yield
      }) : () -> ()
      %scan3A_33 = arith.constant 0 : i32
      scf.yield %scan3A_33 : i32
    }
    %scan3A_8 = arith.constant 2 : i32
    return
  }
}

#map = affine_map<(d0, d1) -> (0)>
module attributes {stable_mosaic.version = 14 : i64} {
  func.func @_dispatch_body(%arg0: i32, %arg1: i32, %arg2: memref<4096xi32, #tpu.memory_space<hbm>>, %arg3: memref<4096xf32, #tpu.memory_space<hbm>>, %arg4: memref<8192xi32, #tpu.memory_space<hbm>>, %arg5: memref<8192xf32, #tpu.memory_space<hbm>>, %arg6: memref<4096xi32, #tpu.memory_space<hbm>>, %arg7: memref<16xi32, #tpu.memory_space<hbm>>, %arg8: memref<4096xi32, #tpu.memory_space<vmem>>, %arg9: memref<4096xf32, #tpu.memory_space<vmem>>, %arg10: memref<8192xi32, #tpu.memory_space<vmem>>, %arg11: memref<8192xf32, #tpu.memory_space<vmem>>, %arg12: memref<4096xi32, #tpu.memory_space<vmem>>, %arg13: memref<16xi32, #tpu.memory_space<vmem>>, %arg14: memref<16xi32, #tpu.memory_space<vmem>>, %arg15: memref<16xi32, #tpu.memory_space<vmem>>) attributes {dimension_semantics = [#tpu.dimension_semantics<core_parallel>, #tpu.dimension_semantics<subcore_parallel>], iteration_bounds = array<i64: 2, 16>, scalar_prefetch = 0 : i64, scratch_operands = 8 : i64, tpu.core_type = #tpu.core_type<sc_vector_subcore>, window_params = [{transform_indices = #map}, {transform_indices = #map}, {transform_indices = #map}, {transform_indices = #map}, {transform_indices = #map}, {transform_indices = #map}]} {
    %mul3A = arith.constant 2 : i32
    %mul3A_0 = arith.muli %arg1, %mul3A : i32
    %add3A = arith.addi %mul3A_0, %arg0 : i32
    %eq3A = arith.constant 0 : i32
    %eq3A_1 = arith.cmpi eq, %add3A, %eq3A : i32
    %convert_element_type3A = arith.extui %eq3A_1 : i1 to i32
    %cond3A = arith.constant 0 : i32
    %cond3A_2 = arith.cmpi ne, %convert_element_type3A, %cond3A : i32
    scf.if %cond3A_2 {
      "tpu.region"() ({
        %run_scoped3A = tpu.sem_alloc : memref<!tpu.dma_semaphore, #tpu.memory_space<semaphore_mem>>
        tpu.enqueue_dma source(%arg2 : memref<4096xi32, #tpu.memory_space<hbm>>) target(%arg8 : memref<4096xi32, #tpu.memory_space<vmem>>) target_semaphore(%run_scoped3A : memref<!tpu.dma_semaphore, #tpu.memory_space<semaphore_mem>>)
        tpu.wait_dma2 semaphore(%run_scoped3A : memref<!tpu.dma_semaphore, #tpu.memory_space<semaphore_mem>>) src(%arg2 : memref<4096xi32, #tpu.memory_space<hbm>>) dst(%arg8 : memref<4096xi32, #tpu.memory_space<vmem>>)
        tpu.yield
      }) : () -> ()
      "tpu.region"() ({
        %run_scoped3A = tpu.sem_alloc : memref<!tpu.dma_semaphore, #tpu.memory_space<semaphore_mem>>
        tpu.enqueue_dma source(%arg3 : memref<4096xf32, #tpu.memory_space<hbm>>) target(%arg9 : memref<4096xf32, #tpu.memory_space<vmem>>) target_semaphore(%run_scoped3A : memref<!tpu.dma_semaphore, #tpu.memory_space<semaphore_mem>>)
        tpu.wait_dma2 semaphore(%run_scoped3A : memref<!tpu.dma_semaphore, #tpu.memory_space<semaphore_mem>>) src(%arg3 : memref<4096xf32, #tpu.memory_space<hbm>>) dst(%arg9 : memref<4096xf32, #tpu.memory_space<vmem>>)
        tpu.yield
      }) : () -> ()
      %broadcast_in_dim3A = arith.constant 1 : i32
      %broadcast_in_dim3A_3 = vector.broadcast %broadcast_in_dim3A : i32 to vector<16xi32>
      %broadcast_in_dim3A_4 = arith.constant 0 : i32
      %broadcast_in_dim3A_5 = vector.broadcast %broadcast_in_dim3A_4 : i32 to vector<16xi32>
      %iota3A = tpu.iota {dimensions = array<i32: 0>} : vector<16xi32>
      %swap3A = arith.constant 0 : index
      %swap3A_6 = tpu.vector_load %arg13[%swap3A] {strides = array<i32>} : memref<16xi32, #tpu.memory_space<vmem>>, vector<16xi32>,
      tpu.vector_store %arg13[%swap3A], %broadcast_in_dim3A_5 {strides = array<i32>} : memref<16xi32, #tpu.memory_space<vmem>>, vector<16xi32>,
      %scan3A = arith.constant 0 : i32
      %scan3A_7 = arith.constant 0 : i32
      %scan3A_8 = arith.constant 256 : i32
      %scan3A_9 = arith.addi %scan3A_7, %scan3A_8 : i32
      %scan3A_10 = arith.constant 1 : i32
      %scan3A_11 = scf.for %scan3A_44 = %scan3A_7 to %scan3A_9 step %scan3A_10 iter_args(%scan3A_45 = %scan3A) -> (i32)  : i32 {
        %mul3A_46 = arith.constant 16 : i32
        %mul3A_47 = arith.muli %scan3A_44, %mul3A_46 : i32
        %get3A_48 = arith.index_cast %mul3A_47 : i32 to index
        %get3A_49 = tpu.vector_load %arg8[%get3A_48] {strides = array<i32>} : memref<4096xi32, #tpu.memory_space<vmem>>, vector<16xi32>,
        tpu.vector_store_idx %arg13[%get3A_49], %broadcast_in_dim3A_3 {add = true} : memref<16xi32, #tpu.memory_space<vmem>>[vector<16xi32>], vector<16xi32>,
        %scan3A_50 = arith.constant 0 : i32
        scf.yield %scan3A_50 : i32
      }
      %scan3A_12 = arith.constant 256 : i32
      %delay3A = arith.constant 300 : i32
      tpu.delay %delay3A
      %get3A = arith.constant 0 : index
      %get3A_13 = tpu.vector_load %arg13[%get3A] {strides = array<i32>} : memref<16xi32, #tpu.memory_space<vmem>>, vector<16xi32>,
      %add3A_14 = arith.constant 511 : i32
      %add3A_15 = vector.broadcast %add3A_14 : i32 to vector<16xi32>
      %add3A_16 = arith.addi %get3A_13, %add3A_15 : vector<16xi32>
      %shift_right_arithmetic3A = arith.constant 9 : i32
      %shift_right_arithmetic3A_17 = vector.broadcast %shift_right_arithmetic3A : i32 to vector<16xi32>
      %shift_right_arithmetic3A_18 = arith.shrsi %add3A_16, %shift_right_arithmetic3A_17 : vector<16xi32>
      %shift_left3A = arith.constant 9 : i32
      %shift_left3A_19 = vector.broadcast %shift_left3A : i32 to vector<16xi32>
      %shift_left3A_20 = arith.shli %shift_right_arithmetic3A_18, %shift_left3A_19 : vector<16xi32>
      %broadcast_in_dim3A_21 = arith.constant true
      %broadcast_in_dim3A_22 = vector.broadcast %broadcast_in_dim3A_21 : i1 to vector<16xi1>
      %masked_cumsum3A = tpu.scan <sum>, %shift_left3A_20 masked %broadcast_in_dim3A_22 : vector<16xi32>, vector<16xi1> -> vector<16xi32>
      %sub3A = arith.subi %masked_cumsum3A, %shift_left3A_20 : vector<16xi32>
      %swap3A_23 = arith.constant 0 : index
      %swap3A_24 = tpu.vector_load %arg14[%swap3A_23] {strides = array<i32>} : memref<16xi32, #tpu.memory_space<vmem>>, vector<16xi32>,
      tpu.vector_store %arg14[%swap3A_23], %sub3A {strides = array<i32>} : memref<16xi32, #tpu.memory_space<vmem>>, vector<16xi32>,
      %swap3A_25 = arith.constant 0 : index
      %swap3A_26 = tpu.vector_load %arg15[%swap3A_25] {strides = array<i32>} : memref<16xi32, #tpu.memory_space<vmem>>, vector<16xi32>,
      tpu.vector_store %arg15[%swap3A_25], %get3A_13 {strides = array<i32>} : memref<16xi32, #tpu.memory_space<vmem>>, vector<16xi32>,
      "tpu.region"() ({
        %run_scoped3A = tpu.sem_alloc : memref<!tpu.dma_semaphore, #tpu.memory_space<semaphore_mem>>
        tpu.enqueue_dma source(%arg15 : memref<16xi32, #tpu.memory_space<vmem>>) target(%arg7 : memref<16xi32, #tpu.memory_space<hbm>>) target_semaphore(%run_scoped3A : memref<!tpu.dma_semaphore, #tpu.memory_space<semaphore_mem>>)
        tpu.wait_dma2 semaphore(%run_scoped3A : memref<!tpu.dma_semaphore, #tpu.memory_space<semaphore_mem>>) src(%arg15 : memref<16xi32, #tpu.memory_space<vmem>>) dst(%arg7 : memref<16xi32, #tpu.memory_space<hbm>>)
        tpu.yield
      }) : () -> ()
      %swap3A_27 = arith.constant 0 : index
      %swap3A_28 = tpu.vector_load %arg13[%swap3A_27] {strides = array<i32>} : memref<16xi32, #tpu.memory_space<vmem>>, vector<16xi32>,
      tpu.vector_store %arg13[%swap3A_27], %broadcast_in_dim3A_5 {strides = array<i32>} : memref<16xi32, #tpu.memory_space<vmem>>, vector<16xi32>,
      %scan3A_29 = arith.constant 0 : i32
      %scan3A_30 = arith.constant 0 : i32
      %scan3A_31 = arith.constant 512 : i32
      %scan3A_32 = arith.addi %scan3A_30, %scan3A_31 : i32
      %scan3A_33 = arith.constant 1 : i32
      %scan3A_34 = scf.for %scan3A_44 = %scan3A_30 to %scan3A_32 step %scan3A_33 iter_args(%scan3A_45 = %scan3A_29) -> (i32)  : i32 {
        %mul3A_46 = arith.constant 16 : i32
        %mul3A_47 = arith.muli %scan3A_44, %mul3A_46 : i32
        %swap3A_48 = arith.index_cast %mul3A_47 : i32 to index
        %swap3A_49 = tpu.vector_load %arg10[%swap3A_48] {strides = array<i32>} : memref<8192xi32, #tpu.memory_space<vmem>>, vector<16xi32>,
        tpu.vector_store %arg10[%swap3A_48], %broadcast_in_dim3A_5 {strides = array<i32>} : memref<8192xi32, #tpu.memory_space<vmem>>, vector<16xi32>,
        %broadcast_in_dim3A_50 = arith.constant 0.000000e+00 : f32
        %broadcast_in_dim3A_51 = vector.broadcast %broadcast_in_dim3A_50 : f32 to vector<16xf32>
        %mul3A_52 = arith.constant 16 : i32
        %mul3A_53 = arith.muli %scan3A_44, %mul3A_52 : i32
        %swap3A_54 = arith.index_cast %mul3A_53 : i32 to index
        %swap3A_55 = tpu.vector_load %arg11[%swap3A_54] {strides = array<i32>} : memref<8192xf32, #tpu.memory_space<vmem>>, vector<16xf32>,
        tpu.vector_store %arg11[%swap3A_54], %broadcast_in_dim3A_51 {strides = array<i32>} : memref<8192xf32, #tpu.memory_space<vmem>>, vector<16xf32>,
        %scan3A_56 = arith.constant 0 : i32
        scf.yield %scan3A_56 : i32
      }
      %scan3A_35 = arith.constant 512 : i32
      %scan3A_36 = arith.constant 0 : i32
      %scan3A_37 = arith.constant 0 : i32
      %scan3A_38 = arith.constant 256 : i32
      %scan3A_39 = arith.addi %scan3A_37, %scan3A_38 : i32
      %scan3A_40 = arith.constant 1 : i32
      %scan3A_41 = scf.for %scan3A_44 = %scan3A_37 to %scan3A_39 step %scan3A_40 iter_args(%scan3A_45 = %scan3A_36) -> (i32)  : i32 {
        %mul3A_46 = arith.constant 16 : i32
        %mul3A_47 = arith.muli %scan3A_44, %mul3A_46 : i32
        %get3A_48 = arith.index_cast %mul3A_47 : i32 to index
        %get3A_49 = tpu.vector_load %arg8[%get3A_48] {strides = array<i32>} : memref<4096xi32, #tpu.memory_space<vmem>>, vector<16xi32>,
        %get3A_50 = arith.index_cast %mul3A_47 : i32 to index
        %get3A_51 = tpu.vector_load %arg9[%get3A_50] {strides = array<i32>} : memref<4096xf32, #tpu.memory_space<vmem>>, vector<16xf32>,
        %broadcast_in_dim3A_52 = arith.constant true
        %broadcast_in_dim3A_53 = vector.broadcast %broadcast_in_dim3A_52 : i1 to vector<16xi1>
        %unique3A, %unique3A_54 = tpu.scan_count mask(%broadcast_in_dim3A_53 : vector<16xi1>) value(%get3A_49 : vector<16xi32>) : vector<16xi1>, vector<16xi32>
        %gather3A = tpu.vector_load_idx %arg13[%get3A_49] : memref<16xi32, #tpu.memory_space<vmem>>[vector<16xi32>], vector<16xi32>,
        %gather3A_55 = tpu.vector_load_idx %arg14[%get3A_49] : memref<16xi32, #tpu.memory_space<vmem>>[vector<16xi32>], vector<16xi32>,
        %add3A_56 = arith.addi %gather3A_55, %gather3A : vector<16xi32>
        %add3A_57 = arith.addi %add3A_56, %unique3A_54 : vector<16xi32>
        %sub3A_58 = arith.constant 1 : i32
        %sub3A_59 = vector.broadcast %sub3A_58 : i32 to vector<16xi32>
        %sub3A_60 = arith.subi %add3A_57, %sub3A_59 : vector<16xi32>
        %add3A_61 = vector.broadcast %mul3A_47 : i32 to vector<16xi32>
        %add3A_62 = arith.addi %add3A_61, %iota3A : vector<16xi32>
        %and3A = arith.constant 2047 : i32
        %and3A_63 = vector.broadcast %and3A : i32 to vector<16xi32>
        %and3A_64 = arith.andi %add3A_62, %and3A_63 : vector<16xi32>
        tpu.vector_store_idx %arg10[%sub3A_60], %and3A_64 : memref<8192xi32, #tpu.memory_space<vmem>>[vector<16xi32>], vector<16xi32>,
        tpu.vector_store_idx %arg11[%sub3A_60], %get3A_51 : memref<8192xf32, #tpu.memory_space<vmem>>[vector<16xi32>], vector<16xf32>,
        %swap3A_65 = arith.index_cast %mul3A_47 : i32 to index
        %swap3A_66 = tpu.vector_load %arg12[%swap3A_65] {strides = array<i32>} : memref<4096xi32, #tpu.memory_space<vmem>>, vector<16xi32>,
        tpu.vector_store %arg12[%swap3A_65], %sub3A_60 {strides = array<i32>} : memref<4096xi32, #tpu.memory_space<vmem>>, vector<16xi32>,
        tpu.vector_store_idx %arg13[%get3A_49], %broadcast_in_dim3A_3 {add = true} : memref<16xi32, #tpu.memory_space<vmem>>[vector<16xi32>], vector<16xi32>,
        %scan3A_67 = arith.constant 0 : i32
        scf.yield %scan3A_67 : i32
      }
      %scan3A_42 = arith.constant 256 : i32
      %delay3A_43 = arith.constant 300 : i32
      tpu.delay %delay3A_43
      "tpu.region"() ({
        %run_scoped3A = tpu.sem_alloc : memref<!tpu.dma_semaphore, #tpu.memory_space<semaphore_mem>>
        tpu.enqueue_dma source(%arg10 : memref<8192xi32, #tpu.memory_space<vmem>>) target(%arg4 : memref<8192xi32, #tpu.memory_space<hbm>>) target_semaphore(%run_scoped3A : memref<!tpu.dma_semaphore, #tpu.memory_space<semaphore_mem>>)
        tpu.wait_dma2 semaphore(%run_scoped3A : memref<!tpu.dma_semaphore, #tpu.memory_space<semaphore_mem>>) src(%arg10 : memref<8192xi32, #tpu.memory_space<vmem>>) dst(%arg4 : memref<8192xi32, #tpu.memory_space<hbm>>)
        tpu.yield
      }) : () -> ()
      "tpu.region"() ({
        %run_scoped3A = tpu.sem_alloc : memref<!tpu.dma_semaphore, #tpu.memory_space<semaphore_mem>>
        tpu.enqueue_dma source(%arg11 : memref<8192xf32, #tpu.memory_space<vmem>>) target(%arg5 : memref<8192xf32, #tpu.memory_space<hbm>>) target_semaphore(%run_scoped3A : memref<!tpu.dma_semaphore, #tpu.memory_space<semaphore_mem>>)
        tpu.wait_dma2 semaphore(%run_scoped3A : memref<!tpu.dma_semaphore, #tpu.memory_space<semaphore_mem>>) src(%arg11 : memref<8192xf32, #tpu.memory_space<vmem>>) dst(%arg5 : memref<8192xf32, #tpu.memory_space<hbm>>)
        tpu.yield
      }) : () -> ()
      "tpu.region"() ({
        %run_scoped3A = tpu.sem_alloc : memref<!tpu.dma_semaphore, #tpu.memory_space<semaphore_mem>>
        tpu.enqueue_dma source(%arg12 : memref<4096xi32, #tpu.memory_space<vmem>>) target(%arg6 : memref<4096xi32, #tpu.memory_space<hbm>>) target_semaphore(%run_scoped3A : memref<!tpu.dma_semaphore, #tpu.memory_space<semaphore_mem>>)
        tpu.wait_dma2 semaphore(%run_scoped3A : memref<!tpu.dma_semaphore, #tpu.memory_space<semaphore_mem>>) src(%arg12 : memref<4096xi32, #tpu.memory_space<vmem>>) dst(%arg6 : memref<4096xi32, #tpu.memory_space<hbm>>)
        tpu.yield
      }) : () -> ()
    } else {
    }
    return
  }
}

module attributes {stable_mosaic.version = 14 : i64} {
  func.func @_plan_body(%arg0: memref<1x16xi32, #tpu.memory_space<vmem>>, %arg1: memref<1x16xi32, #tpu.memory_space<vmem>>, %arg2: memref<1x16xi32, #tpu.memory_space<vmem>>) attributes {dimension_semantics = [], scalar_prefetch = 0 : i64, scratch_operands = 0 : i64, tpu.core_type = #tpu.core_type<tc>} {
    %get3A = arith.constant 0 : index
    %get3A_0 = arith.constant 0 : index
    %get3A_1 = vector.load %arg0[%get3A, %get3A_0] : memref<1x16xi32, #tpu.memory_space<vmem>>, vector<1x16xi32>
    %iota3A = tpu.iota {dimensions = array<i32: 0>} : vector<16x16xi32>
    %iota3A_2 = tpu.iota {dimensions = array<i32: 1>} : vector<16x16xi32>
    %add3A = arith.constant 511 : i32
    %add3A_3 = vector.broadcast %add3A : i32 to vector<1x16xi32>
    %add3A_4 = arith.addi %get3A_1, %add3A_3 : vector<1x16xi32>
    %shift_right_arithmetic3A = arith.constant 9 : i32
    %shift_right_arithmetic3A_5 = vector.broadcast %shift_right_arithmetic3A : i32 to vector<1x16xi32>
    %shift_right_arithmetic3A_6 = arith.shrsi %add3A_4, %shift_right_arithmetic3A_5 : vector<1x16xi32>
    %shift_left3A = arith.constant 9 : i32
    %shift_left3A_7 = vector.broadcast %shift_left3A : i32 to vector<1x16xi32>
    %shift_left3A_8 = arith.shli %shift_right_arithmetic3A_6, %shift_left3A_7 : vector<1x16xi32>
    %broadcast_in_dim3A = vector.shape_cast %shift_left3A_8 : vector<1x16xi32> to vector<1x16xi32>
    %broadcast_in_dim3A_9 = vector.broadcast %broadcast_in_dim3A : vector<1x16xi32> to vector<16x16xi32>
    %broadcast_in_dim3A_10 = vector.shape_cast %get3A_1 : vector<1x16xi32> to vector<1x16xi32>
    %broadcast_in_dim3A_11 = vector.broadcast %broadcast_in_dim3A_10 : vector<1x16xi32> to vector<16x16xi32>
    %lt3A = arith.cmpi slt, %iota3A_2, %iota3A : vector<16x16xi32>
    %jit3A = arith.constant 0 : i32
    %broadcast_in_dim3A_12 = vector.broadcast %jit3A : i32 to vector<16x16xi32>
    %select_n3A = arith.select %lt3A, %broadcast_in_dim3A_9, %broadcast_in_dim3A_12 : vector<16x16xi1>, vector<16x16xi32>
    %reduce_sum3A = arith.constant dense<0> : vector<16xi32>
    %reduce_sum3A_13 = vector.multi_reduction <add>, %select_n3A, %reduce_sum3A [1] : vector<16x16xi32> to vector<16xi32>
    %broadcast_in_dim3A_14 = vector.shape_cast %reduce_sum3A_13 : vector<16xi32> to vector<16x1xi32>
    %shift_right_arithmetic3A_15 = arith.constant 9 : i32
    %shift_right_arithmetic3A_16 = vector.broadcast %shift_right_arithmetic3A_15 : i32 to vector<16x1xi32>
    %shift_right_arithmetic3A_17 = arith.shrsi %broadcast_in_dim3A_14, %shift_right_arithmetic3A_16 : vector<16x1xi32>
    %eq3A = arith.cmpi eq, %iota3A_2, %iota3A : vector<16x16xi32>
    %jit3A_18 = arith.constant 0 : i32
    %broadcast_in_dim3A_19 = vector.broadcast %jit3A_18 : i32 to vector<16x16xi32>
    %select_n3A_20 = arith.select %eq3A, %broadcast_in_dim3A_11, %broadcast_in_dim3A_19 : vector<16x16xi1>, vector<16x16xi32>
    %reduce_sum3A_21 = arith.constant dense<0> : vector<16xi32>
    %reduce_sum3A_22 = vector.multi_reduction <add>, %select_n3A_20, %reduce_sum3A_21 [1] : vector<16x16xi32> to vector<16xi32>
    %broadcast_in_dim3A_23 = vector.shape_cast %reduce_sum3A_22 : vector<16xi32> to vector<16x1xi32>
    %le3A = vector.broadcast %shift_right_arithmetic3A_17 : vector<16x1xi32> to vector<16x16xi32>
    %le3A_24 = arith.cmpi sle, %le3A, %iota3A_2 : vector<16x16xi32>
    %lt3A_25 = arith.constant 8 : i32
    %lt3A_26 = vector.broadcast %lt3A_25 : i32 to vector<16x16xi32>
    %lt3A_27 = arith.cmpi slt, %iota3A, %lt3A_26 : vector<16x16xi32>
    %and3A = arith.andi %le3A_24, %lt3A_27 : vector<16x16xi1>
    %jit3A_28 = arith.constant 1 : i32
    %jit3A_29 = arith.constant 0 : i32
    %broadcast_in_dim3A_30 = vector.broadcast %jit3A_28 : i32 to vector<16x16xi32>
    %broadcast_in_dim3A_31 = vector.broadcast %jit3A_29 : i32 to vector<16x16xi32>
    %select_n3A_32 = arith.select %and3A, %broadcast_in_dim3A_30, %broadcast_in_dim3A_31 : vector<16x16xi1>, vector<16x16xi32>
    %reduce_sum3A_33 = arith.constant dense<0> : vector<16xi32>
    %reduce_sum3A_34 = vector.multi_reduction <add>, %select_n3A_32, %reduce_sum3A_33 [0] : vector<16x16xi32> to vector<16xi32>
    %broadcast_in_dim3A_35 = vector.shape_cast %reduce_sum3A_34 : vector<16xi32> to vector<1x16xi32>
    %iota3A_36 = tpu.iota {dimensions = array<i32: 1>} : vector<1x16xi32>
    %gt3A = arith.constant 0 : i32
    %gt3A_37 = vector.broadcast %gt3A : i32 to vector<1x16xi32>
    %gt3A_38 = arith.cmpi sgt, %get3A_1, %gt3A_37 : vector<1x16xi32>
    %jit3A_39 = arith.constant 0 : i32
    %broadcast_in_dim3A_40 = vector.broadcast %jit3A_39 : i32 to vector<1x16xi32>
    %select_n3A_41 = arith.select %gt3A_38, %iota3A_36, %broadcast_in_dim3A_40 : vector<1x16xi1>, vector<1x16xi32>
    %reduce_max3A = arith.constant dense<-2147483648> : vector<1xi32>
    %reduce_max3A_42 = vector.multi_reduction <maxsi>, %select_n3A_41, %reduce_max3A [1] : vector<1x16xi32> to vector<1xi32>
    %broadcast_in_dim3A_43 = vector.shape_cast %reduce_max3A_42 : vector<1xi32> to vector<1x1xi32>
    %sub3A = arith.constant 1 : i32
    %sub3A_44 = vector.broadcast %sub3A : i32 to vector<1x16xi32>
    %sub3A_45 = arith.subi %broadcast_in_dim3A_35, %sub3A_44 : vector<1x16xi32>
    %min3A = vector.broadcast %broadcast_in_dim3A_43 : vector<1x1xi32> to vector<1x16xi32>
    %min3A_46 = arith.minsi %sub3A_45, %min3A : vector<1x16xi32>
    %sub3A_47 = vector.broadcast %shift_right_arithmetic3A_17 : vector<16x1xi32> to vector<16x16xi32>
    %sub3A_48 = arith.subi %iota3A_2, %sub3A_47 : vector<16x16xi32>
    %shift_left3A_49 = arith.constant 9 : i32
    %shift_left3A_50 = vector.broadcast %shift_left3A_49 : i32 to vector<16x16xi32>
    %shift_left3A_51 = arith.shli %sub3A_48, %shift_left3A_50 : vector<16x16xi32>
    %sub3A_52 = vector.broadcast %broadcast_in_dim3A_23 : vector<16x1xi32> to vector<16x16xi32>
    %sub3A_53 = arith.subi %sub3A_52, %shift_left3A_51 : vector<16x16xi32>
    %jit3A_54 = arith.constant 0 : i32
    %jit3A_55 = arith.constant 512 : i32
    %max3A = vector.broadcast %jit3A_54 : i32 to vector<16x16xi32>
    %max3A_56 = arith.maxsi %max3A, %sub3A_53 : vector<16x16xi32>
    %min3A_57 = vector.broadcast %jit3A_55 : i32 to vector<16x16xi32>
    %min3A_58 = arith.minsi %min3A_57, %max3A_56 : vector<16x16xi32>
    %broadcast_in_dim3A_59 = vector.shape_cast %min3A_46 : vector<1x16xi32> to vector<1x16xi32>
    %broadcast_in_dim3A_60 = vector.broadcast %broadcast_in_dim3A_59 : vector<1x16xi32> to vector<16x16xi32>
    %eq3A_61 = arith.cmpi eq, %broadcast_in_dim3A_60, %iota3A : vector<16x16xi32>
    %jit3A_62 = arith.constant 0 : i32
    %broadcast_in_dim3A_63 = vector.broadcast %jit3A_62 : i32 to vector<16x16xi32>
    %select_n3A_64 = arith.select %eq3A_61, %min3A_58, %broadcast_in_dim3A_63 : vector<16x16xi1>, vector<16x16xi32>
    %reduce_sum3A_65 = arith.constant dense<0> : vector<16xi32>
    %reduce_sum3A_66 = vector.multi_reduction <add>, %select_n3A_64, %reduce_sum3A_65 [0] : vector<16x16xi32> to vector<16xi32>
    %broadcast_in_dim3A_67 = vector.shape_cast %reduce_sum3A_66 : vector<16xi32> to vector<1x16xi32>
    %swap3A = arith.constant 0 : index
    %swap3A_68 = arith.constant 0 : index
    %swap3A_69 = vector.load %arg1[%swap3A, %swap3A_68] : memref<1x16xi32, #tpu.memory_space<vmem>>, vector<1x16xi32>
    tpu.vector_store %arg1[%swap3A, %swap3A_68], %min3A_46 {strides = array<i32>} : memref<1x16xi32, #tpu.memory_space<vmem>>, vector<1x16xi32>,
    %swap3A_70 = arith.constant 0 : index
    %swap3A_71 = arith.constant 0 : index
    %swap3A_72 = vector.load %arg2[%swap3A_70, %swap3A_71] : memref<1x16xi32, #tpu.memory_space<vmem>>, vector<1x16xi32>
    tpu.vector_store %arg2[%swap3A_70, %swap3A_71], %broadcast_in_dim3A_67 {strides = array<i32>} : memref<1x16xi32, #tpu.memory_space<vmem>>, vector<1x16xi32>,
    return
  }
}

module attributes {stable_mosaic.version = 14 : i64} {
  func.func @_router_body(%arg0: memref<2048x1024xf32, #tpu.memory_space<vmem>>, %arg1: memref<8x1024xf32, #tpu.memory_space<vmem>>, %arg2: memref<8xf32, #tpu.memory_space<vmem>>, %arg3: memref<2048x2xi32, #tpu.memory_space<vmem>>, %arg4: memref<2048x2xf32, #tpu.memory_space<vmem>>, %arg5: memref<1x1xf32, #tpu.memory_space<smem>>) attributes {dimension_semantics = [], scalar_prefetch = 0 : i64, scratch_operands = 0 : i64, tpu.core_type = #tpu.core_type<tc>} {
    %get3A = arith.constant 0 : index
    %get3A_0 = arith.constant 0 : index
    %get3A_1 = vector.load %arg0[%get3A, %get3A_0] : memref<2048x1024xf32, #tpu.memory_space<vmem>>, vector<2048x1024xf32>
    %get3A_2 = arith.constant 0 : index
    %get3A_3 = arith.constant 0 : index
    %get3A_4 = vector.load %arg1[%get3A_2, %get3A_3] : memref<8x1024xf32, #tpu.memory_space<vmem>>, vector<8x1024xf32>
    %dot_general3A = arith.constant dense<0.000000e+00> : vector<2048x8xf32>
    %dot_general3A_5 = tpu.matmul %get3A_1, %get3A_4, %dot_general3A {dimension_numbers = #tpu.dot_dimension_numbers<[1], [1], [0], [0], [0, 0, 1, 0], [], []>, transpose_lhs_hint = false} : vector<2048x1024xf32>, vector<8x1024xf32>, vector<2048x8xf32> -> vector<2048x8xf32>
    %get3A_6 = arith.constant 0 : index
    %get3A_7 = vector.load %arg2[%get3A_6] : memref<8xf32, #tpu.memory_space<vmem>>, vector<8xf32>
    %broadcast_in_dim3A = vector.shape_cast %get3A_7 : vector<8xf32> to vector<1x8xf32>
    %add3A = vector.broadcast %broadcast_in_dim3A : vector<1x8xf32> to vector<2048x8xf32>
    %add3A_8 = arith.addf %dot_general3A_5, %add3A : vector<2048x8xf32>
    %mul3A = arith.mulf %add3A_8, %add3A_8 : vector<2048x8xf32>
    %reduce_sum3A = arith.constant dense<0.000000e+00> : vector<8xf32>
    %reduce_sum3A_9 = vector.multi_reduction <add>, %mul3A, %reduce_sum3A [0] : vector<2048x8xf32> to vector<8xf32>
    %broadcast_in_dim3A_10 = vector.shape_cast %reduce_sum3A_9 : vector<8xf32> to vector<1x8xf32>
    %sqrt3A = math.sqrt %broadcast_in_dim3A_10 : vector<1x8xf32>
    %max3A = arith.constant 9.99999996E-13 : f32
    %max3A_11 = vector.broadcast %max3A : f32 to vector<1x8xf32>
    %max3A_12 = arith.maximumf %sqrt3A, %max3A_11 : vector<1x8xf32>
    %div3A = vector.broadcast %max3A_12 : vector<1x8xf32> to vector<2048x8xf32>
    %div3A_13 = arith.divf %add3A_8, %div3A : vector<2048x8xf32>
    %reduce_max3A = arith.constant dense<0xFF800000> : vector<2048xf32>
    %reduce_max3A_14 = vector.multi_reduction <maximumf>, %div3A_13, %reduce_max3A [1] : vector<2048x8xf32> to vector<2048xf32>
    %broadcast_in_dim3A_15 = vector.shape_cast %reduce_max3A_14 : vector<2048xf32> to vector<2048x1xf32>
    %sub3A = vector.broadcast %broadcast_in_dim3A_15 : vector<2048x1xf32> to vector<2048x8xf32>
    %sub3A_16 = arith.subf %div3A_13, %sub3A : vector<2048x8xf32>
    %exp3A = math.exp %sub3A_16 : vector<2048x8xf32>
    %reduce_sum3A_17 = arith.constant dense<0.000000e+00> : vector<2048xf32>
    %reduce_sum3A_18 = vector.multi_reduction <add>, %exp3A, %reduce_sum3A_17 [1] : vector<2048x8xf32> to vector<2048xf32>
    %broadcast_in_dim3A_19 = vector.shape_cast %reduce_sum3A_18 : vector<2048xf32> to vector<2048x1xf32>
    %div3A_20 = vector.broadcast %broadcast_in_dim3A_19 : vector<2048x1xf32> to vector<2048x8xf32>
    %div3A_21 = arith.divf %exp3A, %div3A_20 : vector<2048x8xf32>
    %iota3A = tpu.iota {dimensions = array<i32: 1>} : vector<2048x8xi32>
    %reduce_max3A_22 = arith.constant dense<0xFF800000> : vector<2048xf32>
    %reduce_max3A_23 = vector.multi_reduction <maximumf>, %div3A_21, %reduce_max3A_22 [1] : vector<2048x8xf32> to vector<2048xf32>
    %broadcast_in_dim3A_24 = vector.shape_cast %reduce_max3A_23 : vector<2048xf32> to vector<2048x1xf32>
    %eq3A = vector.broadcast %broadcast_in_dim3A_24 : vector<2048x1xf32> to vector<2048x8xf32>
    %eq3A_25 = arith.cmpf oeq, %div3A_21, %eq3A : vector<2048x8xf32>
    %jit3A = arith.constant 8 : i32
    %broadcast_in_dim3A_26 = vector.broadcast %jit3A : i32 to vector<2048x8xi32>
    %select_n3A = arith.select %eq3A_25, %iota3A, %broadcast_in_dim3A_26 : vector<2048x8xi1>, vector<2048x8xi32>
    %reduce_min3A = arith.constant dense<2147483647> : vector<2048xi32>
    %reduce_min3A_27 = vector.multi_reduction <minsi>, %select_n3A, %reduce_min3A [1] : vector<2048x8xi32> to vector<2048xi32>
    %broadcast_in_dim3A_28 = vector.shape_cast %reduce_min3A_27 : vector<2048xi32> to vector<2048x1xi32>
    %eq3A_29 = vector.broadcast %broadcast_in_dim3A_28 : vector<2048x1xi32> to vector<2048x8xi32>
    %eq3A_30 = arith.cmpi eq, %iota3A, %eq3A_29 : vector<2048x8xi32>
    %jit3A_31 = arith.constant 0xFF800000 : f32
    %broadcast_in_dim3A_32 = vector.broadcast %jit3A_31 : f32 to vector<2048x8xf32>
    %select_n3A_33 = arith.select %eq3A_30, %broadcast_in_dim3A_32, %div3A_21 : vector<2048x8xi1>, vector<2048x8xf32>
    %reduce_max3A_34 = arith.constant dense<0xFF800000> : vector<2048xf32>
    %reduce_max3A_35 = vector.multi_reduction <maximumf>, %select_n3A_33, %reduce_max3A_34 [1] : vector<2048x8xf32> to vector<2048xf32>
    %broadcast_in_dim3A_36 = vector.shape_cast %reduce_max3A_35 : vector<2048xf32> to vector<2048x1xf32>
    %eq3A_37 = vector.broadcast %broadcast_in_dim3A_36 : vector<2048x1xf32> to vector<2048x8xf32>
    %eq3A_38 = arith.cmpf oeq, %select_n3A_33, %eq3A_37 : vector<2048x8xf32>
    %jit3A_39 = arith.constant 8 : i32
    %broadcast_in_dim3A_40 = vector.broadcast %jit3A_39 : i32 to vector<2048x8xi32>
    %select_n3A_41 = arith.select %eq3A_38, %iota3A, %broadcast_in_dim3A_40 : vector<2048x8xi1>, vector<2048x8xi32>
    %reduce_min3A_42 = arith.constant dense<2147483647> : vector<2048xi32>
    %reduce_min3A_43 = vector.multi_reduction <minsi>, %select_n3A_41, %reduce_min3A_42 [1] : vector<2048x8xi32> to vector<2048xi32>
    %broadcast_in_dim3A_44 = vector.shape_cast %reduce_min3A_43 : vector<2048xi32> to vector<2048x1xi32>
    %concatenate3A = tpu.concatenate %broadcast_in_dim3A_28, %broadcast_in_dim3A_44 in 1 : vector<2048x1xi32>, vector<2048x1xi32> -> vector<2048x2xi32>
    %swap3A = arith.constant 0 : index
    %swap3A_45 = arith.constant 0 : index
    %swap3A_46 = vector.load %arg3[%swap3A, %swap3A_45] : memref<2048x2xi32, #tpu.memory_space<vmem>>, vector<2048x2xi32>
    tpu.vector_store %arg3[%swap3A, %swap3A_45], %concatenate3A {strides = array<i32>} : memref<2048x2xi32, #tpu.memory_space<vmem>>, vector<2048x2xi32>,
    %concatenate3A_47 = tpu.concatenate %broadcast_in_dim3A_24, %broadcast_in_dim3A_36 in 1 : vector<2048x1xf32>, vector<2048x1xf32> -> vector<2048x2xf32>
    %swap3A_48 = arith.constant 0 : index
    %swap3A_49 = arith.constant 0 : index
    %swap3A_50 = vector.load %arg4[%swap3A_48, %swap3A_49] : memref<2048x2xf32, #tpu.memory_space<vmem>>, vector<2048x2xf32>
    tpu.vector_store %arg4[%swap3A_48, %swap3A_49], %concatenate3A_47 {strides = array<i32>} : memref<2048x2xf32, #tpu.memory_space<vmem>>, vector<2048x2xf32>,
    %sub3A_51 = arith.constant 1.250000e-01 : f32
    %sub3A_52 = vector.broadcast %sub3A_51 : f32 to vector<2048x8xf32>
    %sub3A_53 = arith.subf %sub3A_52, %div3A_21 : vector<2048x8xf32>
    %integer_pow3A = arith.mulf %sub3A_53, %sub3A_53 : vector<2048x8xf32>
    %reduce_sum3A_54 = vector.shape_cast %integer_pow3A : vector<2048x8xf32> to vector<1x2048x8xf32>
    %reduce_sum3A_55 = arith.constant dense<0.000000e+00> : vector<1xf32>
    %reduce_sum3A_56 = vector.multi_reduction <add>, %reduce_sum3A_54, %reduce_sum3A_55 [1, 2] : vector<1x2048x8xf32> to vector<1xf32>
    %reduce_sum3A_57 = vector.shape_cast %reduce_sum3A_56 : vector<1xf32> to vector<1x1x1xf32>
    %reduce_sum3A_58 = vector.extract %reduce_sum3A_57[0, 0, 0] : f32 from vector<1x1x1xf32>
    %swap3A_59 = arith.constant 0 : index
    %swap3A_60 = arith.constant 0 : index
    %swap3A_61 = memref.load %arg5[%swap3A_59, %swap3A_60] : memref<1x1xf32, #tpu.memory_space<smem>>
    memref.store %reduce_sum3A_58, %arg5[%swap3A_59, %swap3A_60] : memref<1x1xf32, #tpu.memory_space<smem>>
    return
  }
}

module attributes {stable_mosaic.version = 14 : i64} {
  func.func @_ffn_body(%arg0: i32, %arg1: i32, %arg2: memref<16xi32, #tpu.memory_space<smem>>, %arg3: memref<16xi32, #tpu.memory_space<smem>>, %arg4: memref<512x1024xf32, #tpu.memory_space<vmem>>, %arg5: memref<1x1408x1024xf32, #tpu.memory_space<vmem>>, %arg6: memref<1x1408x1024xf32, #tpu.memory_space<vmem>>, %arg7: memref<1x1024x1408xf32, #tpu.memory_space<vmem>>, %arg8: memref<1x512x1xf32, #tpu.memory_space<vmem>>, %arg9: memref<512x1024xf32, #tpu.memory_space<vmem>>) attributes {dimension_semantics = [#tpu.dimension_semantics<arbitrary>, #tpu.dimension_semantics<arbitrary>], iteration_bounds = array<i64: 16, 2>, scalar_prefetch = 2 : i64, scratch_operands = 0 : i64, tpu.core_type = #tpu.core_type<tc>, window_params = [{transform_indices = @transform_0, window_bounds = array<i64: 512, 1024>}, {transform_indices = @transform_1, window_bounds = array<i64: 1, 1408, 1024>}, {transform_indices = @transform_2, window_bounds = array<i64: 1, 1408, 1024>}, {transform_indices = @transform_3, window_bounds = array<i64: 1, 1024, 1408>}, {transform_indices = @transform_4, window_bounds = array<i64: 1, 512, 1>}, {transform_indices = @transform_5, window_bounds = array<i64: 512, 1024>}]} {
    %eq3A = arith.constant 0 : i32
    %eq3A_0 = arith.cmpi eq, %arg1, %eq3A : i32
    %convert_element_type3A = arith.extui %eq3A_0 : i1 to i32
    %cond3A = arith.constant 0 : i32
    %cond3A_1 = arith.cmpi ne, %convert_element_type3A, %cond3A : i32
    scf.if %cond3A_1 {
      %broadcast_in_dim3A = arith.constant 0.000000e+00 : f32
      %broadcast_in_dim3A_7 = vector.broadcast %broadcast_in_dim3A : f32 to vector<512x1024xf32>
      %swap3A = arith.constant 0 : index
      %swap3A_8 = arith.constant 0 : index
      %swap3A_9 = vector.load %arg9[%swap3A, %swap3A_8] : memref<512x1024xf32, #tpu.memory_space<vmem>>, vector<512x1024xf32>
      tpu.vector_store %arg9[%swap3A, %swap3A_8], %broadcast_in_dim3A_7 {strides = array<i32>} : memref<512x1024xf32, #tpu.memory_space<vmem>>, vector<512x1024xf32>,
    } else {
    }
    %get3A = arith.index_cast %arg0 : i32 to index
    %get3A_2 = memref.load %arg3[%get3A] : memref<16xi32, #tpu.memory_space<smem>>
    %gt3A = arith.constant 0 : i32
    %gt3A_3 = arith.cmpi sgt, %get3A_2, %gt3A : i32
    %convert_element_type3A_4 = arith.extui %gt3A_3 : i1 to i32
    %cond3A_5 = arith.constant 0 : i32
    %cond3A_6 = arith.cmpi ne, %convert_element_type3A_4, %cond3A_5 : i32
    scf.if %cond3A_6 {
      %get3A_7 = arith.constant 0 : index
      %get3A_8 = arith.constant 0 : index
      %get3A_9 = vector.load %arg4[%get3A_7, %get3A_8] : memref<512x1024xf32, #tpu.memory_space<vmem>>, vector<512x1024xf32>
      %get3A_10 = arith.constant 0 : index
      %get3A_11 = arith.constant 0 : index
      %get3A_12 = arith.constant 0 : index
      %get3A_13 = vector.load %arg5[%get3A_10, %get3A_11, %get3A_12] : memref<1x1408x1024xf32, #tpu.memory_space<vmem>>, vector<1x1408x1024xf32>
      %get3A_14 = vector.shape_cast %get3A_13 : vector<1x1408x1024xf32> to vector<1408x1024xf32>
      %dot_general3A = arith.constant dense<0.000000e+00> : vector<512x1408xf32>
      %dot_general3A_15 = tpu.matmul %get3A_9, %get3A_14, %dot_general3A {dimension_numbers = #tpu.dot_dimension_numbers<[1], [1], [0], [0], [0, 0, 1, 0], [], []>, transpose_lhs_hint = false} : vector<512x1024xf32>, vector<1408x1024xf32>, vector<512x1408xf32> -> vector<512x1408xf32>
      %get3A_16 = arith.constant 0 : index
      %get3A_17 = arith.constant 0 : index
      %get3A_18 = arith.constant 0 : index
      %get3A_19 = vector.load %arg6[%get3A_16, %get3A_17, %get3A_18] : memref<1x1408x1024xf32, #tpu.memory_space<vmem>>, vector<1x1408x1024xf32>
      %get3A_20 = vector.shape_cast %get3A_19 : vector<1x1408x1024xf32> to vector<1408x1024xf32>
      %dot_general3A_21 = arith.constant dense<0.000000e+00> : vector<512x1408xf32>
      %dot_general3A_22 = tpu.matmul %get3A_9, %get3A_20, %dot_general3A_21 {dimension_numbers = #tpu.dot_dimension_numbers<[1], [1], [0], [0], [0, 0, 1, 0], [], []>, transpose_lhs_hint = false} : vector<512x1024xf32>, vector<1408x1024xf32>, vector<512x1408xf32> -> vector<512x1408xf32>
      %sin3A = math.sin %dot_general3A_15 : vector<512x1408xf32>
      %mul3A = arith.mulf %sin3A, %dot_general3A_22 : vector<512x1408xf32>
      %get3A_23 = arith.constant 0 : index
      %get3A_24 = arith.constant 0 : index
      %get3A_25 = arith.constant 0 : index
      %get3A_26 = vector.load %arg8[%get3A_23, %get3A_24, %get3A_25] : memref<1x512x1xf32, #tpu.memory_space<vmem>>, vector<1x512x1xf32>
      %get3A_27 = vector.shape_cast %get3A_26 : vector<1x512x1xf32> to vector<512x1xf32>
      %mul3A_28 = vector.broadcast %get3A_27 : vector<512x1xf32> to vector<512x1408xf32>
      %mul3A_29 = arith.mulf %mul3A, %mul3A_28 : vector<512x1408xf32>
      %get3A_30 = arith.constant 0 : index
      %get3A_31 = arith.constant 0 : index
      %get3A_32 = vector.load %arg9[%get3A_30, %get3A_31] : memref<512x1024xf32, #tpu.memory_space<vmem>>, vector<512x1024xf32>
      %get3A_33 = arith.constant 0 : index
      %get3A_34 = arith.constant 0 : index
      %get3A_35 = arith.constant 0 : index
      %get3A_36 = vector.load %arg7[%get3A_33, %get3A_34, %get3A_35] : memref<1x1024x1408xf32, #tpu.memory_space<vmem>>, vector<1x1024x1408xf32>
      %get3A_37 = vector.shape_cast %get3A_36 : vector<1x1024x1408xf32> to vector<1024x1408xf32>
      %dot_general3A_38 = arith.constant dense<0.000000e+00> : vector<512x1024xf32>
      %dot_general3A_39 = tpu.matmul %mul3A_29, %get3A_37, %dot_general3A_38 {dimension_numbers = #tpu.dot_dimension_numbers<[1], [1], [0], [0], [0, 0, 1, 0], [], []>, transpose_lhs_hint = false} : vector<512x1408xf32>, vector<1024x1408xf32>, vector<512x1024xf32> -> vector<512x1024xf32>
      %add3A = arith.addf %get3A_32, %dot_general3A_39 : vector<512x1024xf32>
      %swap3A = arith.constant 0 : index
      %swap3A_40 = arith.constant 0 : index
      %swap3A_41 = vector.load %arg9[%swap3A, %swap3A_40] : memref<512x1024xf32, #tpu.memory_space<vmem>>, vector<512x1024xf32>
      tpu.vector_store %arg9[%swap3A, %swap3A_40], %add3A {strides = array<i32>} : memref<512x1024xf32, #tpu.memory_space<vmem>>, vector<512x1024xf32>,
    } else {
    }
    return
  }
  func.func @transform_0(%arg0: i32, %arg1: i32, %arg2: memref<16xi32, #tpu.memory_space<smem>>, %arg3: memref<16xi32, #tpu.memory_space<smem>>) -> (i32, i32) {
    %c0_i32 = arith.constant 0 : i32
    %c0_i32_0 = arith.constant 0 : i32
    return %arg0, %c0_i32 : i32, i32
  }
  func.func @transform_1(%arg0: i32, %arg1: i32, %arg2: memref<16xi32, #tpu.memory_space<smem>>, %arg3: memref<16xi32, #tpu.memory_space<smem>>) -> (i32, i32, i32) {
    %get3A = arith.index_cast %arg0 : i32 to index
    %get3A_0 = memref.load %arg2[%get3A] : memref<16xi32, #tpu.memory_space<smem>>
    %c0_i32 = arith.constant 0 : i32
    %c0_i32_1 = arith.constant 0 : i32
    return %get3A_0, %arg1, %c0_i32 : i32, i32, i32
  }
  func.func @transform_2(%arg0: i32, %arg1: i32, %arg2: memref<16xi32, #tpu.memory_space<smem>>, %arg3: memref<16xi32, #tpu.memory_space<smem>>) -> (i32, i32, i32) {
    %get3A = arith.index_cast %arg0 : i32 to index
    %get3A_0 = memref.load %arg2[%get3A] : memref<16xi32, #tpu.memory_space<smem>>
    %c0_i32 = arith.constant 0 : i32
    %c0_i32_1 = arith.constant 0 : i32
    return %get3A_0, %arg1, %c0_i32 : i32, i32, i32
  }
  func.func @transform_3(%arg0: i32, %arg1: i32, %arg2: memref<16xi32, #tpu.memory_space<smem>>, %arg3: memref<16xi32, #tpu.memory_space<smem>>) -> (i32, i32, i32) {
    %get3A = arith.index_cast %arg0 : i32 to index
    %get3A_0 = memref.load %arg2[%get3A] : memref<16xi32, #tpu.memory_space<smem>>
    %c0_i32 = arith.constant 0 : i32
    %c0_i32_1 = arith.constant 0 : i32
    return %get3A_0, %c0_i32, %arg1 : i32, i32, i32
  }
  func.func @transform_4(%arg0: i32, %arg1: i32, %arg2: memref<16xi32, #tpu.memory_space<smem>>, %arg3: memref<16xi32, #tpu.memory_space<smem>>) -> (i32, i32, i32) {
    %c0_i32 = arith.constant 0 : i32
    %c0_i32_0 = arith.constant 0 : i32
    %c0_i32_1 = arith.constant 0 : i32
    return %arg0, %c0_i32, %c0_i32_0 : i32, i32, i32
  }
  func.func @transform_5(%arg0: i32, %arg1: i32, %arg2: memref<16xi32, #tpu.memory_space<smem>>, %arg3: memref<16xi32, #tpu.memory_space<smem>>) -> (i32, i32) {
    %c0_i32 = arith.constant 0 : i32
    %c0_i32_0 = arith.constant 0 : i32
    return %arg0, %c0_i32 : i32, i32
  }
}

</mosaic_0001>

<sc_bundles>
// kernel: kernel.11.cloned.1.call-start
scs
__scs_entry_jumppad:
0x0: {  	(pc) =	sbr.rel $0x88, $3  }
0x1: {  	(tag) =	ssettag $0x0;
	lr =	simm.s32 $0x1  }
0x2: {  	[smem:$0x3F9B] =	sst lr;
	_ =	strace $0xD0000000  }
0x3: {  	_ = 	snop  }
0x4: {  	_ = 	snop  }
0x5: {  	_ = 	snop  }
0x6: {  	_ = 	snop  }
0x7: {  	_ = 	snop  }
__scs_overlays_trampoline_lowered:
0x8: {  	[smem:$0x3FAA] =	sst s0  }
0x9: {  	[smem:$0x3FAB] =	sst s1  }
0xa: {  	[smem:$0x3FAC] =	sst s2  }
0xb: {  	[smem:$0x3FAD] =	sst s3  }
0xc: {  	[smem:$0x3FAE] =	sst s4  }
0xd: {  	[smem:$0x3FAF] =	sst s5  }
0xe: {  	[smem:$0x3FB0] =	sst s6  }
0xf: {  	[smem:$0x3FB1] =	sst s7  }
0x10: {  	[smem:$0x3FB2] =	sst s8  }
0x11: {  	[smem:$0x3FB3] =	sst s9;
	s0 =	simm.s32 @!p0 $0x0  }
0x12: {  	s1 =	sld [smem:$0x3F99];
	s0 =	simm.s32 @p0 $0x1  }
0x13: {  	[smem:$0x3FB4] =	sst s0;
	s0 =	simm.s32 @!p1 $0x0  }
0x14: {  	s2 =	sld [smem:$0x3F98];
	s0 =	simm.s32 @p1 $0x1  }
0x15: {  	[smem:$0x3FB5] =	sst s0;
	s0 =	simm.s32 @!p2 $0x0  }
0x16: {  	s3 =	sld [smem:$0x3FDB];
	s0 =	simm.s32 @p2 $0x1  }
0x17: {  	s4 =	simm.s32 $0x1BF5;
	[smem:$0x3FB7] =	sst s0  }
0x18: {  	s0 =	sld [smem:$0x3F9A];
	_ =	swait.ge [sflag:s4], $0x0  }
0x19: {  	s7 =	sld [smem:$0x3F9B]  }
0x1a: {  	s8 =	sadd.s32 $0xFFFFE003, lr  }
0x1b: {  	s9 =	sadd.s32 $0xFFFFFEF7, lr;
	s5 =	simm.s32 $0xFFFFFFFF;
	p2 =	slt.u32 s8, $0xFFFFF086  }
0x1c: {  	p1 =	slt.u32 s9, $0xF7A;
	s5 =	simm.s32 @!p2 $0x0  }
0x1d: {  	s5 =	simm.s32 @p1 $0x1;
	p0 =	seq.s32 s7, s2  }
0x1e: {  	s7 =	smul.u32 @!p0 $0xF7A, s2;
	p2 =	seq.s32 @!p0 s5, $0x0  }
0x1f: {  	s9 =	smul.u32 $0xF7A, s1;
	s8 =	simm.s32 @!p0 $0x1BF5;
	p2 =	por !p2, p0  }
0x20: {  	[sflag:s8] =	ssyncset.s32 @!p0 $0xFFFFF086;
	s6 =	sadd.s32 @!p0 s3, s7;
	s7 =	simm.s32 @!p0 $0x108  }
0x21: {  	s3 =	sadd.s32 s3, s9;
	s6 =	sadd.s32 @!p0 $0x88, s6;
	s7 =	simm.s32 @p2 $0x1082  }
0x22: {  	[simem:s7], [sflag:s8] =	dma.local @!p0 [hbm:s6], $0xF7A  }
0x23: {  	s9 =	sor.u32 $0xD0000000, s2;
	s6 =	simm.s32 $0x108;
	_ =	swait.ge @!p0 [sflag:s8], $0x0  }
0x24: {  	s3 =	sadd.s32 $0x88, s3;
	s6 =	simm.s32 @!p1 $0x1082;
	[sflag:s4] =	ssyncset.s32 $0xFFFFF086  }
0x25: {  	[simem:s6], [sflag:s4] =	dma.local [hbm:s3], $0xF7A  }
0x26: {  	[smem:$0x3F9B] =	sst s1;
	(tag) =	ssettag s2;
	_ =	strace s9  }
0x27: {  	s1 =	sld [smem:$0x3FAB]  }
0x28: {  	s2 =	sld [smem:$0x3FAC]  }
0x29: {  	s4 =	sld [smem:$0x3FAE]  }
0x2a: {  	p0 =	seq.s32 s5, $0x0;
	s5 =	sld [smem:$0x3FAF]  }
0x2b: {  	s6 =	sld [smem:$0x3FB0]  }
0x2c: {  	s7 =	sld [smem:$0x3FB1]  }
0x2d: {  	s3 =	simm.s32 $0x108;
	s8 =	sld [smem:$0x3FB2]  }
0x2e: {  	s3 =	simm.s32 @!p0 $0x1082;
	s9 =	sld [smem:$0x3FB3]  }
0x2f: {  	lr =	sadd.s32 s0, s3;
	s0 =	sld [smem:$0x3FAA]  }
0x30: {  	s3 =	sld [smem:$0x3FAD]  }
0x31: {  	[smem:$0x3FB6] =	sst s10  }
0x32: {  	s10 =	sld [smem:$0x3FB4];
	_ =	sdelay $0x3  }
0x33: {  	p0 =	seq.s32 s10, $0x1;
	s10 =	sld [smem:$0x3FB6];
	_ =	sdelay $0x3  }
0x34: {  	[smem:$0x3FB6] =	sst s10  }
0x35: {  	s10 =	sld [smem:$0x3FB5];
	_ =	sdelay $0x3  }
0x36: {  	p1 =	seq.s32 s10, $0x1;
	s10 =	sld [smem:$0x3FB6];
	_ =	sdelay $0x3  }
0x37: {  	[smem:$0x3FB6] =	sst s10  }
0x38: {  	s10 =	sld [smem:$0x3FB7]  }
0x39: {  	_ = 	snop;
	(pc) =	sbr.ind lr, $3  }
0x3a: {  	_ = 	snop  }
0x3b: {  	_ = 	snop  }
0x3c: {  	p2 =	seq.s32 s10, $0x1;
	s10 =	sld [smem:$0x3FB6]  }
0x3d: {  	_ =	shalt  }
0x3e: {  	_ =	shalt  }
0x3f: {  	_ =	shalt  }
0x40: {  	_ =	shalt  }
0x41: {  	_ =	shalt  }
0x42: {  	_ =	shalt  }
0x43: {  	_ =	shalt  }
0x44: {  	_ =	shalt  }
0x45: {  	_ =	shalt  }
0x46: {  	_ =	shalt  }
0x47: {  	_ =	shalt  }
0x48: {  	_ =	shalt  }
0x49: {  	_ =	shalt  }
0x4a: {  	_ =	shalt  }
0x4b: {  	_ =	shalt  }
0x4c: {  	_ =	shalt  }
0x4d: {  	_ =	shalt  }
0x4e: {  	_ =	shalt  }
0x4f: {  	_ =	shalt  }
0x50: {  	_ =	shalt  }
0x51: {  	_ =	shalt  }
0x52: {  	_ =	shalt  }
0x53: {  	_ =	shalt  }
0x54: {  	_ =	shalt  }
0x55: {  	_ =	shalt  }
0x56: {  	_ =	shalt  }
0x57: {  	_ =	shalt  }
0x58: {  	_ =	shalt  }
0x59: {  	_ =	shalt  }
0x5a: {  	_ =	shalt  }
0x5b: {  	_ =	shalt  }
0x5c: {  	_ =	shalt  }
0x5d: {  	_ =	shalt  }
0x5e: {  	_ =	shalt  }
0x5f: {  	_ =	shalt  }
0x60: {  	_ =	shalt  }
0x61: {  	_ =	shalt  }
0x62: {  	_ =	shalt  }
0x63: {  	_ =	shalt  }
0x64: {  	_ =	shalt  }
0x65: {  	_ =	shalt  }
0x66: {  	_ =	shalt  }
0x67: {  	_ =	shalt  }
0x68: {  	_ =	shalt  }
0x69: {  	_ =	shalt  }
0x6a: {  	_ =	shalt  }
0x6b: {  	_ =	shalt  }
0x6c: {  	_ =	shalt  }
0x6d: {  	_ =	shalt  }
0x6e: {  	_ =	shalt  }
0x6f: {  	_ =	shalt  }
0x70: {  	_ =	shalt  }
0x71: {  	_ =	shalt  }
0x72: {  	_ =	shalt  }
0x73: {  	_ =	shalt  }
0x74: {  	_ =	shalt  }
0x75: {  	_ =	shalt  }
0x76: {  	_ =	shalt  }
0x77: {  	_ =	shalt  }
0x78: {  	_ =	shalt  }
0x79: {  	_ =	shalt  }
0x7a: {  	_ =	shalt  }
0x7b: {  	_ =	shalt  }
0x7c: {  	_ =	shalt  }
0x7d: {  	_ =	shalt  }
0x7e: {  	_ =	shalt  }
0x7f: {  	_ =	shalt  }
0x80: {  	_ =	shalt  }
0x81: {  	_ =	shalt  }
0x82: {  	_ =	shalt  }
0x83: {  	_ =	shalt  }
0x84: {  	_ =	shalt  }
0x85: {  	_ =	shalt  }
0x86: {  	_ =	shalt  }
0x87: {  	_ =	shalt  }
.Lfunc_end0:
.L_simem_size_0:
called_computation.1_lowered:
.L_overlay_start_0:
0x88: {  	s2 =	sld [smem:$0x3FD9]  }
0x89: {  	s3 =	sld [smem:$0x3FFE];
	_ =	sdelay $0x1  }
0x8a: {  	s1 =	srdreg.scid  }
0x8b: {  	s0 =	sand.u32 $0x1, s1  }
0x8c: {  	s17 =	sshll.u32 s0, $0xA;
	s2 =	sadd.s32 s3, s2  }
0x8d: {  	s2 =	sadd.s32 s2, s17  }
0x8e: {  	[smem:$0x3FC2] =	sst s2  }
0x8f: {  	_ = 	snop  }
0x90: {  	s2 =	sld [smem:$0x3FC9];
	(tm) =	ssettm $0x1  }
0x91: {  	s18 =	sld [smem:$0x3FFB];
	_ =	sdelay $0x3  }
0x92: {  	_ =	strace s18  }
0x93: {  	s3 =	sld [smem:$0x3FFC];
	_ =	sdelay $0x3  }
0x94: {  	_ =	strace s3  }
0x95: {  	s3 =	sld [smem:$0x3FFD];
	_ =	sdelay $0x3  }
0x96: {  	_ =	strace s3  }
0x97: {  	_ =	strace $0x8FFFFFFF  }
0x98: {  	s19 =	sld [smem:$0x3FDB];
	_ =	sdelay $0x1  }
0x99: {  	s4 =	simm.s32 $_scs_section_size  }
0x9a: {  	s5 =	simm.s32 $_size__tile_overlayer_lowered;
	s6 =	simm.s32 $_tile_overlayer_lowered  }
0x9b: {  	s22 =	simm.s32 $0x1BFF;
	s21 =	sshll.u32 s6, $0x1;
	s3 =	sadd.s32 s4, s19  }
0x9c: {  	s7 =	simm.s32 $0x0;
	s20 =	sshll.u32 s5, $0x1;
	s5 =	sadd.s32 s21, s3  }
0x9d: {  	[timem:s7], [sflag:s22] =	dma.local [hbm:s5], s20  }
0x9e: {  	_ =	swait.ge [sflag:s22], s20  }
0x9f: {  	s4 =	ssub.s32 $0x0, s20;
	[sflag:s22] =	ssyncset.done $0x0  }
0xa0: {  	[sflag:s22] =	ssyncadd.s32 s4;
	_ =	sdelay $0x1  }
0xa1: {  	s23 =	simm.s32 $0x1B8B  }
0xa2: {  	_ =	swait.ge [sflag:s23], $0x1  }
0xa3: {  	[sflag:s23] =	ssyncset.done $0x0  }
0xa4: {  	s25 =	simm.s32 $0x1B8E;
	s24 =	sld [smem:$0x3FFE];
	[sflag:s23] =	ssyncadd.s32 $0xFFFFFFFF  }
0xa5: {  	s26 =	simm.s32 $execute0_lowered;
	[smem:$0x3FD2] =	sst s25  }
0xa6: {  	s5 =	sshll.u32 s26, $0x1;
	_ =	strace $0x80000049;
	[dreg:$0x1] =	wrdreg $0xFFFFFFFF  }
0xa7: {  	s28 =	simm.s32 $_size_execute0_lowered;
	s3 =	sadd.s32 s3, s5;
	[dreg:$0x0] =	wrdreg $0x0  }
0xa8: {  	s5 =	sshll.u32 s28, $0x1;
	[dreg:$0x2] =	wrdreg s3  }
0xa9: {  	[dreg:$0x3] =	wrdreg s5  }
0xaa: {  	[dreg:$0x4] =	wrdreg $0xC0  }
0xab: {  	_ =	task [dreg:s7], $0x5FFFF  }
0xac: {  	[dreg:$0x1] =	wrdreg $0xFFFFFFFF  }
0xad: {  	[dreg:$0x0] =	wrdreg $0x60  }
0xae: {  	[dreg:$0x2] =	wrdreg s2  }
0xaf: {  	[dreg:$0x3] =	wrdreg s24  }
0xb0: {  	[dreg:$0x4] =	wrdreg $0x9  }
0xb1: {  	_ =	task.clear_ibuf [dreg:s7], $0x5FFFF;
	_ =	strace $0x90000049  }
0xb2: {  	s29 =	simm.s32 $0x9;
	_ =	strace $0x8000004B  }
0xb3: {  	_ =	swait.ge [sflag:s29], $0x1  }
0xb4: {  	[sflag:s29] =	ssyncadd.s32 $0xFFFFFFFF  }
0xb5: {  	_ =	strace $0x9000004B  }
0xb6: {  	_ =	sfence  }
0xb7: {  	s30 =	sld [smem:$0x0];
	_ =	sdelay $0x2  }
0xb8: {  	s31 =	sshll.u32 s1, $0xD;
	s1 =	sshrl.u32 s1, $0x2  }
0xb9: {  	s3 =	sand.u32 $0x4000, s31;
	s1 =	sadd.s32 s1, s30  }
0xba: {  	s0 =	sor.u32 s3, s0;
	s1 =	sshll.u32 s1, $0x11  }
0xbb: {  	s0 =	sor.u32 s1, s0  }
0xbc: {  	s0 =	sadd.s32 $0x8F2B, s0  }
0xbd: {  	[sflag:s0] =	ssyncadd.remote.s32 $0x1  }
0xbe: {  	_ =	sfence.sel $0xFFFF  }
0xbf: {  	[dreg:$0x0] =	wrdreg $0xFFFFFFFF;
	(pc) =	sbr.abs _section_cstart, $3  }
0xc0: {  	[dreg:$0x1] =	wrdreg $0xFFFFFFFF  }
0xc1: {  	_ =	task.clear_ibuf [dreg:s7], $0x2FFFF;
	_ =	strace $0x9FFFFFFF  }
0xc2: {  	(tm) =	ssettm $0x7FFFFFFF  }
0xc3: {  	_ =	shalt  }
tec
execute0_lowered:
.L_overlay_start_1:
0x0: {  	(tag) =	ssettag $0x1  }
0x1: {  	s0 =	rddreg [dreg:$0x1];
	s2 =	srdreg.scid;
	s1 =	simm.s32 $0x0  }
0x2: {  	s3 =	stileid.u32;
	s2 =	sand.u32 $0x1, s2;
	[smem:$0x7FF] =	sst s1  }
0x3: {  	s3 =	sshll.u32 s3, $0x9;
	s5 =	sadd.s32 $0x2800, s0;
	s4 =	sshll.u32 s2, $0x8  }
0x4: {  	s29 =	sadd.s32 $0x2200, s0;
	s6 =	ssub.s32 $0x2, s2;
	s2 =	sor.u32 s4, s3  }
0x5: {  	s4 =	sadd.s32 $0x2E00, s0;
	s7 =	sshrl.u32 s6, $0x1;
	s3 =	sor.u32 $0x20, s2  }
0x6: {  	s8 =	ssub.s32 s6, s7;
	s14 =	sshrl.u32 s2, $0x3;
	s10 =	sshll.u32 s2, $0x7  }
0x7: {  	s7 =	sor.u32 $0x60, s2;
	s11 =	sor.u32 $0x80, s2;
	s13 =	sor.u32 $0xA0, s2  }
0x8: {  	s15 =	sshrl.u32 s3, $0x3;
	s6 =	sadd.s32 s5, s14;
	s17 =	sadd.s32 s4, s10  }
0x9: {  	s18 =	sshrl.u32 s7, $0x3;
	s20 =	sshll.u32 s3, $0x7;
	s22 =	sshrl.u32 s11, $0x3  }
0xa: {  	s14 =	sshrl.u32 s13, $0x3;
	s30 =	smax.u32 s8, $0x1;
	[dreg:$0x3] =	wrdreg s6  }
0xb: {  	s10 =	simm.s32 $0x5;
	s16 =	sadd.s32 s5, s15;
	[dreg:$0x6] =	wrdreg s17  }
0xc: {  	s6 =	sor.u32 $0x40, s2;
	s19 =	sadd.s32 s5, s18;
	[dreg:$0x4] =	wrdreg s16  }
0xd: {  	s21 =	sadd.s32 s4, s20;
	s23 =	sadd.s32 s5, s22;
	[dreg:$0x7] =	wrdreg s19  }
0xe: {  	s26 =	sadd.s32 s5, s14;
	s17 =	sor.u32 $0xC0, s2;
	[dreg:$0x8] =	wrdreg s21  }
0xf: {  	s18 =	sor.u32 $0xE0, s2;
	s20 =	sshll.u32 s13, $0x7;
	[dreg:$0x9] =	wrdreg s23  }
0x10: {  	s9 =	sshrl.u32 s6, $0x3;
	s24 =	sshll.u32 s6, $0x7;
	[dreg:$0xb] =	wrdreg s26  }
0x11: {  	s12 =	sshrl.u32 s17, $0x3;
	s15 =	sshrl.u32 s18, $0x3;
	s16 =	sshll.u32 s11, $0x7  }
0x12: {  	s21 =	sshll.u32 s17, $0x7;
	s22 =	sshll.u32 s18, $0x7;
	s9 =	sadd.s32 s5, s9  }
0x13: {  	s25 =	sadd.s32 s4, s24;
	s14 =	sadd.s32 s5, s12;
	[dreg:$0x5] =	wrdreg s9  }
0x14: {  	s5 =	sadd.s32 s5, s15;
	s23 =	sadd.s32 s4, s16;
	[dreg:$0xa] =	wrdreg s25  }
.Ltmp0:
0x15: {  	s24 =	sadd.s32 s4, s20;
	[dreg:$0xc] =	wrdreg s14;
	(pc) =	sbr.rel .LBB2_1-.Ltmp0, $4  }
0x16: {  	s26 =	sadd.s32 s4, s21;
	s28 =	sadd.s32 s4, s22;
	[dreg:$0xd] =	wrdreg s5  }
0x17: {  	v3 =	vlaneseq.u32;
	s16 =	simm.s32 $0x4;
	s9 =	sshll.u32 s7, $0x7;
	s25 =	rddreg [dreg:$0x0]  }
0x18: {  	v0 =	vimm.s32 $0x0;
	vm0 =	vmmov $0xffff;
	v2 =	vshrl.u32 v3, $0x3;
	s14 =	simm.s32 $0x7;
	s19 =	sadd.s32 s4, s9;
	_ =	strace $0x8000004A  }
0x19: {  	v1 =	vand.u32 $0x7, v3;
	v3 =	vor.u32 $0x8, v3;
	v2 =	vmul.u32 $0x8, v2;
	s31 =	sadd.s32 $0x100, s25;
	s21 =	sadd.s32 $0x200, s25;
	s0 =	sadd.s32 $0x300, s25  }
.LBB2_11:
0x1a: {  	s4 =	simm.s32 @!p5 $0x3  }
0x1b: {  	_ =	swait.ge @!p5 [sflag:s4], $0x8000  }
0x1c: {  	[sflag:s4] =	ssyncset.done @!p5 $0x0  }
0x1d: {  	s5 =	simm.s32 @!p5 $0x10180;
	[sflag:s4] =	ssyncadd.s32 @!p5 $0xFFFF8000;
	s4 =	simm.s32 @!p5 $0x0  }
0x1e: {  	[hbm4b:s24+s4] =	stream.linear.scatter @!p5 [tilespmem:s5], [sflag:$0x6], $0x8000, $0x38;
	[tilespmem:$0x18200] =	vst v63  }
0x1f: {  	s4 =	simm.s32 @!p6 $0x1  }
0x20: {  	_ =	swait.ge @!p6 [sflag:s4], $0x8000  }
0x21: {  	[sflag:s4] =	ssyncset.done @!p6 $0x0  }
0x22: {  	s5 =	simm.s32 @!p6 $0x180;
	[sflag:s4] =	ssyncadd.s32 @!p6 $0xFFFF8000;
	s4 =	simm.s32 @!p6 $0x0  }
0x23: {  	[hbm4b:s26+s4] =	stream.linear.scatter @!p6 [tilespmem:s5], [sflag:$0x4], $0x8000, $0x38;
	[tilespmem:$0x18200] =	vst v63  }
0x24: {  	s4 =	simm.s32 @!p3 $0x2  }
0x25: {  	p4 =	slt.s32 @!p0 s7, s22;
	_ =	swait.ge @!p3 [sflag:s4], $0x8000  }
0x26: {  	p0 =	por p4, p0;
	[sflag:s4] =	ssyncset.done @!p3 $0x0  }
0x27: {  	s5 =	simm.s32 @!p3 $0x8180;
	[sflag:s4] =	ssyncadd.s32 @!p3 $0xFFFF8000;
	s4 =	simm.s32 @!p3 $0x0  }
0x28: {  	[hbm4b:s28+s4] =	stream.linear.scatter @!p3 [tilespmem:s5], [sflag:$0x5], $0x8000, $0x38;
	[tilespmem:$0x18200] =	vst v63  }
0x29: {  	s4 =	simm.s32 @!p0 $0x4  }
0x2a: {  	p4 =	slt.s32 @!p1 s11, s22;
	_ =	swait.ge @!p0 [sflag:s4], $0x8000  }
0x2b: {  	p1 =	por p4, p1;
	[sflag:s4] =	ssyncset.done @!p0 $0x0  }
0x2c: {  	[sflag:s4] =	ssyncadd.s32 @!p0 $0xFFFF8000;
	s4 =	simm.s32 @!p1 $0x5  }
0x2d: {  	p0 =	slt.s32 @!p2 s13, s22;
	_ =	swait.ge @!p1 [sflag:s4], $0x8000  }
0x2e: {  	p0 =	por p0, p2;
	[sflag:s4] =	ssyncset.done @!p1 $0x0  }
0x2f: {  	[sflag:s4] =	ssyncadd.s32 @!p1 $0xFFFF8000;
	s4 =	simm.s32 @!p0 $0x6  }
0x30: {  	_ =	swait.ge @!p0 [sflag:s4], $0x8000  }
0x31: {  	s15 =	sld [smem:$0x7FD];
	_ =	sdelay $0x2  }
0x32: {  	p2 =	seq.s32 s15, $0x1  }
0x33: {  	p1 =	slt.s32 @!p2 s17, s22  }
0x34: {  	[sflag:s4] =	ssyncset.done @!p0 $0x0;
	p1 =	por p1, p2  }
0x35: {  	[sflag:s4] =	ssyncadd.s32 @!p0 $0xFFFF8000;
	s4 =	simm.s32 @!p1 $0x4  }
0x36: {  	_ =	swait.ge @!p1 [sflag:s4], $0x8000  }
0x37: {  	s20 =	sld [smem:$0x7FC];
	_ =	sdelay $0x2  }
0x38: {  	p2 =	seq.s32 s20, $0x1  }
0x39: {  	p0 =	slt.s32 @!p2 s18, s22  }
0x3a: {  	[sflag:s4] =	ssyncset.done @!p1 $0x0;
	p0 =	por p0, p2  }
0x3b: {  	[sflag:s4] =	ssyncadd.s32 @!p1 $0xFFFF8000;
	s4 =	simm.s32 @!p0 $0x5  }
0x3c: {  	_ =	swait.ge @!p0 [sflag:s4], $0x8000  }
0x3d: {  	[sflag:s4] =	ssyncset.done @!p0 $0x0  }
0x3e: {  	[sflag:s4] =	ssyncadd.s32 @!p0 $0xFFFF8000;
	s4 =	simm.s32 @!p5 $0x6  }
0x3f: {  	_ =	swait.ge @!p5 [sflag:s4], $0x8000  }
0x40: {  	[sflag:s4] =	ssyncset.done @!p5 $0x0  }
0x41: {  	s30 =	sadd.s32 $0xFFFFFFFF, s30;
	[sflag:s4] =	ssyncadd.s32 @!p5 $0xFFFF8000;
	s4 =	simm.s32 @!p6 $0x4  }
0x42: {  	p0 =	sne.s32 s30, $0x0;
	_ =	swait.ge @!p6 [sflag:s4], $0x8000  }
.Ltmp1:
0x43: {  	[sflag:s4] =	ssyncset.done @!p6 $0x0;
	(pc) =	sbr.rel @!p0 .LBB2_12-.Ltmp1, $4  }
0x44: {  	[sflag:s4] =	ssyncadd.s32 @!p6 $0xFFFF8000;
	s4 =	simm.s32 @!p3 $0x5  }
0x45: {  	_ =	swait.ge @!p3 [sflag:s4], $0x8000  }
0x46: {  	[sflag:s4] =	ssyncset.done @!p3 $0x0  }
0x47: {  	[sflag:s4] =	ssyncadd.s32 @!p3 $0xFFFF8000  }
.LBB2_1:
0x48: {  	s4 =	simm.s32 $0x18180  }
0x49: {  	[tilespmem:s4], [sflag:$0x7] =	stream.linear.gather [hbm4b:s29+s1], $0x80, $0x38;
	[tilespmem:$0x18200] =	vst v63  }
0x4a: {  	_ =	swait.ge [sflag:s14], $0x80  }
0x4b: {  	[sflag:s14] =	ssyncset.done $0x0  }
0x4c: {  	[sflag:s14] =	ssyncadd.s32 $0xFFFFFF80  }
0x4d: {  	v4 =	vld [tilespmem:$0x18180];
	_ =	sdelay $0x4  }
0x4e: {  	vm1 =	vgt.s32 v4, $0x0  }
0x4f: {  	v4 =	vsel vm1, $0x1, v0  }
0x50: {  	(xrf0) =	vadd.scan.msk.s32 $0xffff, v4;
	_ =	sdelay $0x5  }
0x51: {  	v4, _, _ =	vpop (xrf0)  }
0x52: {  	(v2sf) =	vpush v4, $0xF;
	_ =	sdelay $0xe  }
0x53: {  	s22 =	spop (v2sf)  }
0x54: {  	s22 =	sshll.u32 s22, $0x9  }
0x55: {  	p0 =	sge.s32 s2, s22  }
0x56: {  	s4 =	rddreg [dreg:$0x3];
	s20 =	simm.s32 @!p0 $0x0  }
0x57: {  	[tilespmem:s20], [sflag:$0x7] =	stream.linear.gather @!p0 [hbm4b:s4+s20], $0x20, $0x38;
	[tilespmem:$0x18200] =	vst v63  }
0x58: {  	s4 =	simm.s32 @!p0 $0x7  }
0x59: {  	_ =	swait.ge @!p0 [sflag:s4], $0x20  }
0x5a: {  	[sflag:s4] =	ssyncset.done @!p0 $0x0  }
0x5b: {  	[sflag:s4] =	ssyncadd.s32 @!p0 $0xFFFFFFE0  }
0x5c: {  	v4 =	vld @!p0 [tilespmem:$0x0];
	_ =	sdelay $0x4  }
0x5d: {  	v5 =	vshll.u32 @!p0 v4, $0x3  }
0x5e: {  	v6 =	vlaneseq.u32 @!p0;
	v4 =	vand.u32 @!p0 $0x7, v4;
	v5 =	vand.u32 @!p0 $0xFFFFFFC0, v5  }
0x5f: {  	v7 =	vshrl.u32 @!p0 v6, $0x3;
	v4 =	vor.u32 @!p0 v4, v5;
	v5 =	vand.u32 @!p0 $0x7, v6  }
0x60: {  	v7 =	vmul.u32 @!p0 $0x8, v7;
	v8 =	vperm.xlane @!p0 v4, v5;
	_ =	sdelay $0x1  }
0x61: {  	v8 =	vadd.s32 @!p0 v7, v8;
	_ =	sdelay $0x3  }
0x62: {  	vm1 =	vmmov @!p0 $0xffff;
	s5 =	simm.s32 @!p0 $0x180  }
0x63: {  	v6 =	vor.u32 @!p0 $0x8, v6;
	[tilespmem:s5], [sflag:$0x1] =	stream.indirect_vreg.gather @!p0 [hbm4b:s25+s20], $0x80, v8, vm1, $0xb8;
	[tilespmem:$0x18200] =	vst v63  }
0x64: {  	s4 =	simm.s32 @!p0 $0x980;
	v4 =	vperm.xlane @!p0 v4, v6  }
0x65: {  	[tilespmem:s4], [sflag:$0x1] =	stream.indirect_vreg.gather @!p0 [hbm4b:s31+s20], $0x80, v8, vm1, $0xb8;
	[tilespmem:$0x18200] =	vst v63  }
0x66: {  	v4 =	vadd.s32 @!p0 v7, v4;
	s4 =	simm.s32 @!p0 $0x1180  }
0x67: {  	[tilespmem:s4], [sflag:$0x1] =	stream.indirect_vreg.gather @!p0 [hbm4b:s21+s20], $0x80, v8, vm1, $0xb8;
	[tilespmem:$0x18200] =	vst v63  }
0x68: {  	s4 =	simm.s32 @!p0 $0x1980  }
0x69: {  	[tilespmem:s4], [sflag:$0x1] =	stream.indirect_vreg.gather @!p0 [hbm4b:s0+s20], $0x80, v8, vm1, $0xb8;
	[tilespmem:$0x18200] =	vst v63  }
0x6a: {  	s4 =	simm.s32 @!p0 $0x2180  }
0x6b: {  	[tilespmem:s4], [sflag:$0x1] =	stream.indirect_vreg.gather @!p0 [hbm4b:s25+s20], $0x80, v4, vm1, $0xb8;
	[tilespmem:$0x18200] =	vst v63  }
0x6c: {  	s4 =	simm.s32 @!p0 $0x2980  }
0x6d: {  	[tilespmem:s4], [sflag:$0x1] =	stream.indirect_vreg.gather @!p0 [hbm4b:s31+s20], $0x80, v4, vm1, $0xb8;
	[tilespmem:$0x18200] =	vst v63  }
0x6e: {  	s4 =	simm.s32 @!p0 $0x3180  }
0x6f: {  	[tilespmem:s4], [sflag:$0x1] =	stream.indirect_vreg.gather @!p0 [hbm4b:s21+s20], $0x80, v4, vm1, $0xb8;
	[tilespmem:$0x18200] =	vst v63  }
0x70: {  	s4 =	simm.s32 @!p0 $0x3980  }
0x71: {  	[tilespmem:s4], [sflag:$0x1] =	stream.indirect_vreg.gather @!p0 [hbm4b:s0+s20], $0x80, v4, vm1, $0xb8;
	[tilespmem:$0x18200] =	vst v63  }
0x72: {  	v4 =	vld @!p0 [tilespmem:$0x10];
	_ =	sdelay $0x4  }
0x73: {  	v8 =	vshll.u32 @!p0 v4, $0x3  }
0x74: {  	v4 =	vand.u32 @!p0 $0x7, v4;
	v8 =	vand.u32 @!p0 $0xFFFFFFC0, v8  }
0x75: {  	v4 =	vor.u32 @!p0 v4, v8  }
0x76: {  	v5 =	vperm.xlane @!p0 v4, v5;
	_ =	sdelay $0x1  }
0x77: {  	v5 =	vadd.s32 @!p0 v7, v5;
	_ =	sdelay $0x3  }
0x78: {  	s4 =	simm.s32 @!p0 $0x4180  }
0x79: {  	[tilespmem:s4], [sflag:$0x1] =	stream.indirect_vreg.gather @!p0 [hbm4b:s25+s20], $0x80, v5, vm1, $0xb8;
	[tilespmem:$0x18200] =	vst v63  }
0x7a: {  	v4 =	vperm.xlane @!p0 v4, v6;
	s4 =	simm.s32 @!p0 $0x4980  }
0x7b: {  	[tilespmem:s4], [sflag:$0x1] =	stream.indirect_vreg.gather @!p0 [hbm4b:s31+s20], $0x80, v5, vm1, $0xb8;
	[tilespmem:$0x18200] =	vst v63  }
0x7c: {  	v4 =	vadd.s32 @!p0 v7, v4;
	s4 =	simm.s32 @!p0 $0x5180  }
0x7d: {  	[tilespmem:s4], [sflag:$0x1] =	stream.indirect_vreg.gather @!p0 [hbm4b:s21+s20], $0x80, v5, vm1, $0xb8;
	[tilespmem:$0x18200] =	vst v63  }
0x7e: {  	s4 =	simm.s32 @!p0 $0x5980  }
0x7f: {  	[tilespmem:s4], [sflag:$0x1] =	stream.indirect_vreg.gather @!p0 [hbm4b:s0+s20], $0x80, v5, vm1, $0xb8;
	[tilespmem:$0x18200] =	vst v63  }
0x80: {  	s4 =	simm.s32 @!p0 $0x6180  }
0x81: {  	[tilespmem:s4], [sflag:$0x1] =	stream.indirect_vreg.gather @!p0 [hbm4b:s25+s20], $0x80, v4, vm1, $0xb8;
	[tilespmem:$0x18200] =	vst v63  }
0x82: {  	s4 =	simm.s32 @!p0 $0x6980  }
0x83: {  	[tilespmem:s4], [sflag:$0x1] =	stream.indirect_vreg.gather @!p0 [hbm4b:s31+s20], $0x80, v4, vm1, $0xb8;
	[tilespmem:$0x18200] =	vst v63  }
0x84: {  	s4 =	simm.s32 @!p0 $0x7180  }
0x85: {  	[tilespmem:s4], [sflag:$0x1] =	stream.indirect_vreg.gather @!p0 [hbm4b:s21+s20], $0x80, v4, vm1, $0xb8;
	[tilespmem:$0x18200] =	vst v63  }
0x86: {  	p1 =	sge.s32 s3, s22;
	s4 =	simm.s32 @!p0 $0x7980  }
0x87: {  	[tilespmem:s4], [sflag:$0x1] =	stream.indirect_vreg.gather @!p0 [hbm4b:s0+s20], $0x80, v4, vm1, $0xb8;
	[tilespmem:$0x18200] =	vst v63  }
0x88: {  	s8 =	simm.s32 @!p1 $0x80;
	s9 =	rddreg [dreg:$0x4];
	s4 =	simm.s32 @!p1 $0x0  }
0x89: {  	[tilespmem:s8], [sflag:$0x7] =	stream.linear.gather @!p1 [hbm4b:s9+s4], $0x20, $0x38;
	[tilespmem:$0x18200] =	vst v63  }
0x8a: {  	s8 =	simm.s32 @!p1 $0x7  }
0x8b: {  	_ =	swait.ge @!p1 [sflag:s8], $0x20  }
0x8c: {  	[sflag:s8] =	ssyncset.done @!p1 $0x0  }
0x8d: {  	[sflag:s8] =	ssyncadd.s32 @!p1 $0xFFFFFFE0  }
0x8e: {  	v4 =	vld @!p1 [tilespmem:$0x80];
	_ =	sdelay $0x4  }
0x8f: {  	v5 =	vshll.u32 @!p1 v4, $0x3  }
0x90: {  	v6 =	vlaneseq.u32 @!p1;
	v4 =	vand.u32 @!p1 $0x7, v4;
	v5 =	vand.u32 @!p1 $0xFFFFFFC0, v5  }
0x91: {  	v7 =	vshrl.u32 @!p1 v6, $0x3;
	v4 =	vor.u32 @!p1 v4, v5;
	v5 =	vand.u32 @!p1 $0x7, v6  }
0x92: {  	v7 =	vmul.u32 @!p1 $0x8, v7;
	v8 =	vperm.xlane @!p1 v4, v5;
	_ =	sdelay $0x1  }
0x93: {  	v8 =	vadd.s32 @!p1 v7, v8;
	_ =	sdelay $0x3  }
0x94: {  	vm1 =	vmmov @!p1 $0xffff;
	s8 =	simm.s32 @!p1 $0x8180  }
0x95: {  	v6 =	vor.u32 @!p1 $0x8, v6;
	[tilespmem:s8], [sflag:$0x2] =	stream.indirect_vreg.gather @!p1 [hbm4b:s25+s4], $0x80, v8, vm1, $0xb8;
	[tilespmem:$0x18200] =	vst v63  }
0x96: {  	s9 =	simm.s32 @!p1 $0x8980;
	v4 =	vperm.xlane @!p1 v4, v6  }
0x97: {  	[tilespmem:s9], [sflag:$0x2] =	stream.indirect_vreg.gather @!p1 [hbm4b:s31+s4], $0x80, v8, vm1, $0xb8;
	[tilespmem:$0x18200] =	vst v63  }
0x98: {  	v4 =	vadd.s32 @!p1 v7, v4;
	s9 =	simm.s32 @!p1 $0x9180  }
0x99: {  	[tilespmem:s9], [sflag:$0x2] =	stream.indirect_vreg.gather @!p1 [hbm4b:s21+s4], $0x80, v8, vm1, $0xb8;
	[tilespmem:$0x18200] =	vst v63  }
0x9a: {  	s9 =	simm.s32 @!p1 $0x9980  }
0x9b: {  	[tilespmem:s9], [sflag:$0x2] =	stream.indirect_vreg.gather @!p1 [hbm4b:s0+s4], $0x80, v8, vm1, $0xb8;
	[tilespmem:$0x18200] =	vst v63  }
0x9c: {  	s9 =	simm.s32 @!p1 $0xA180  }
0x9d: {  	[tilespmem:s9], [sflag:$0x2] =	stream.indirect_vreg.gather @!p1 [hbm4b:s25+s4], $0x80, v4, vm1, $0xb8;
	[tilespmem:$0x18200] =	vst v63  }
0x9e: {  	s9 =	simm.s32 @!p1 $0xA980  }
0x9f: {  	[tilespmem:s9], [sflag:$0x2] =	stream.indirect_vreg.gather @!p1 [hbm4b:s31+s4], $0x80, v4, vm1, $0xb8;
	[tilespmem:$0x18200] =	vst v63  }
0xa0: {  	s9 =	simm.s32 @!p1 $0xB180  }
0xa1: {  	[tilespmem:s9], [sflag:$0x2] =	stream.indirect_vreg.gather @!p1 [hbm4b:s21+s4], $0x80, v4, vm1, $0xb8;
	[tilespmem:$0x18200] =	vst v63  }
0xa2: {  	s9 =	simm.s32 @!p1 $0xB980  }
0xa3: {  	[tilespmem:s9], [sflag:$0x2] =	stream.indirect_vreg.gather @!p1 [hbm4b:s0+s4], $0x80, v4, vm1, $0xb8;
	[tilespmem:$0x18200] =	vst v63  }
0xa4: {  	v4 =	vld @!p1 [tilespmem:$0x90];
	_ =	sdelay $0x4  }
0xa5: {  	v8 =	vshll.u32 @!p1 v4, $0x3  }
0xa6: {  	v4 =	vand.u32 @!p1 $0x7, v4;
	v8 =	vand.u32 @!p1 $0xFFFFFFC0, v8  }
0xa7: {  	v4 =	vor.u32 @!p1 v4, v8  }
0xa8: {  	v5 =	vperm.xlane @!p1 v4, v5;
	_ =	sdelay $0x1  }
0xa9: {  	v5 =	vadd.s32 @!p1 v7, v5;
	_ =	sdelay $0x3  }
0xaa: {  	s9 =	simm.s32 @!p1 $0xC180  }
0xab: {  	[tilespmem:s9], [sflag:$0x2] =	stream.indirect_vreg.gather @!p1 [hbm4b:s25+s4], $0x80, v5, vm1, $0xb8;
	[tilespmem:$0x18200] =	vst v63  }
0xac: {  	v4 =	vperm.xlane @!p1 v4, v6;
	s9 =	simm.s32 @!p1 $0xC980  }
0xad: {  	[tilespmem:s9], [sflag:$0x2] =	stream.indirect_vreg.gather @!p1 [hbm4b:s31+s4], $0x80, v5, vm1, $0xb8;
	[tilespmem:$0x18200] =	vst v63  }
0xae: {  	v4 =	vadd.s32 @!p1 v7, v4;
	s9 =	simm.s32 @!p1 $0xD180  }
0xaf: {  	[tilespmem:s9], [sflag:$0x2] =	stream.indirect_vreg.gather @!p1 [hbm4b:s21+s4], $0x80, v5, vm1, $0xb8;
	[tilespmem:$0x18200] =	vst v63  }
0xb0: {  	s9 =	simm.s32 @!p1 $0xD980  }
0xb1: {  	[tilespmem:s9], [sflag:$0x2] =	stream.indirect_vreg.gather @!p1 [hbm4b:s0+s4], $0x80, v5, vm1, $0xb8;
	[tilespmem:$0x18200] =	vst v63  }
0xb2: {  	s9 =	simm.s32 @!p1 $0xE180  }
0xb3: {  	[tilespmem:s9], [sflag:$0x2] =	stream.indirect_vreg.gather @!p1 [hbm4b:s25+s4], $0x80, v4, vm1, $0xb8;
	[tilespmem:$0x18200] =	vst v63  }
0xb4: {  	s9 =	simm.s32 @!p1 $0xE980  }
0xb5: {  	[tilespmem:s9], [sflag:$0x2] =	stream.indirect_vreg.gather @!p1 [hbm4b:s31+s4], $0x80, v4, vm1, $0xb8;
	[tilespmem:$0x18200] =	vst v63  }
0xb6: {  	s9 =	simm.s32 @!p1 $0xF180  }
0xb7: {  	[tilespmem:s9], [sflag:$0x2] =	stream.indirect_vreg.gather @!p1 [hbm4b:s21+s4], $0x80, v4, vm1, $0xb8;
	[tilespmem:$0x18200] =	vst v63  }
0xb8: {  	p2 =	sge.s32 s6, s22;
	s9 =	simm.s32 @!p1 $0xF980  }
0xb9: {  	[tilespmem:s9], [sflag:$0x2] =	stream.indirect_vreg.gather @!p1 [hbm4b:s0+s4], $0x80, v4, vm1, $0xb8;
	[tilespmem:$0x18200] =	vst v63  }
0xba: {  	s12 =	simm.s32 @!p2 $0x100;
	s15 =	rddreg [dreg:$0x5];
	s9 =	simm.s32 @!p2 $0x0  }
0xbb: {  	[tilespmem:s12], [sflag:$0x7] =	stream.linear.gather @!p2 [hbm4b:s15+s9], $0x20, $0x38;
	[tilespmem:$0x18200] =	vst v63  }
0xbc: {  	s12 =	simm.s32 @!p2 $0x7  }
0xbd: {  	_ =	swait.ge @!p2 [sflag:s12], $0x20  }
0xbe: {  	[sflag:s12] =	ssyncset.done @!p2 $0x0  }
0xbf: {  	[sflag:s12] =	ssyncadd.s32 @!p2 $0xFFFFFFE0  }
0xc0: {  	v4 =	vld @!p2 [tilespmem:$0x100];
	_ =	sdelay $0x4  }
0xc1: {  	v5 =	vshll.u32 @!p2 v4, $0x3  }
0xc2: {  	v6 =	vlaneseq.u32 @!p2;
	v4 =	vand.u32 @!p2 $0x7, v4;
	v5 =	vand.u32 @!p2 $0xFFFFFFC0, v5  }
0xc3: {  	v7 =	vshrl.u32 @!p2 v6, $0x3;
	v4 =	vor.u32 @!p2 v4, v5;
	v5 =	vand.u32 @!p2 $0x7, v6  }
0xc4: {  	v7 =	vmul.u32 @!p2 $0x8, v7;
	v8 =	vperm.xlane @!p2 v4, v5;
	_ =	sdelay $0x1  }
0xc5: {  	v8 =	vadd.s32 @!p2 v7, v8;
	_ =	sdelay $0x3  }
0xc6: {  	vm1 =	vmmov @!p2 $0xffff;
	s12 =	simm.s32 @!p2 $0x10180  }
0xc7: {  	v6 =	vor.u32 @!p2 $0x8, v6;
	[tilespmem:s12], [sflag:$0x3] =	stream.indirect_vreg.gather @!p2 [hbm4b:s25+s9], $0x80, v8, vm1, $0xb8;
	[tilespmem:$0x18200] =	vst v63  }
0xc8: {  	v4 =	vperm.xlane @!p2 v4, v6;
	s12 =	simm.s32 @!p2 $0x10980  }
0xc9: {  	[tilespmem:s12], [sflag:$0x3] =	stream.indirect_vreg.gather @!p2 [hbm4b:s31+s9], $0x80, v8, vm1, $0xb8;
	[tilespmem:$0x18200] =	vst v63  }
0xca: {  	v4 =	vadd.s32 @!p2 v7, v4;
	s12 =	simm.s32 @!p2 $0x11180  }
0xcb: {  	[tilespmem:s12], [sflag:$0x3] =	stream.indirect_vreg.gather @!p2 [hbm4b:s21+s9], $0x80, v8, vm1, $0xb8;
	[tilespmem:$0x18200] =	vst v63  }
0xcc: {  	s12 =	simm.s32 @!p2 $0x11980  }
0xcd: {  	[tilespmem:s12], [sflag:$0x3] =	stream.indirect_vreg.gather @!p2 [hbm4b:s0+s9], $0x80, v8, vm1, $0xb8;
	[tilespmem:$0x18200] =	vst v63  }
0xce: {  	s12 =	simm.s32 @!p2 $0x12180  }
0xcf: {  	[tilespmem:s12], [sflag:$0x3] =	stream.indirect_vreg.gather @!p2 [hbm4b:s25+s9], $0x80, v4, vm1, $0xb8;
	[tilespmem:$0x18200] =	vst v63  }
0xd0: {  	s12 =	simm.s32 @!p2 $0x12980  }
0xd1: {  	[tilespmem:s12], [sflag:$0x3] =	stream.indirect_vreg.gather @!p2 [hbm4b:s31+s9], $0x80, v4, vm1, $0xb8;
	[tilespmem:$0x18200] =	vst v63  }
0xd2: {  	s12 =	simm.s32 @!p2 $0x13180  }
0xd3: {  	[tilespmem:s12], [sflag:$0x3] =	stream.indirect_vreg.gather @!p2 [hbm4b:s21+s9], $0x80, v4, vm1, $0xb8;
	[tilespmem:$0x18200] =	vst v63  }
0xd4: {  	s12 =	simm.s32 @!p2 $0x13980  }
0xd5: {  	[tilespmem:s12], [sflag:$0x3] =	stream.indirect_vreg.gather @!p2 [hbm4b:s0+s9], $0x80, v4, vm1, $0xb8;
	[tilespmem:$0x18200] =	vst v63  }
0xd6: {  	v4 =	vld @!p2 [tilespmem:$0x110];
	_ =	sdelay $0x4  }
0xd7: {  	v8 =	vshll.u32 @!p2 v4, $0x3  }
0xd8: {  	v4 =	vand.u32 @!p2 $0x7, v4;
	v8 =	vand.u32 @!p2 $0xFFFFFFC0, v8  }
0xd9: {  	v4 =	vor.u32 @!p2 v4, v8  }
0xda: {  	v5 =	vperm.xlane @!p2 v4, v5;
	_ =	sdelay $0x1  }
0xdb: {  	v5 =	vadd.s32 @!p2 v7, v5;
	_ =	sdelay $0x3  }
0xdc: {  	s12 =	simm.s32 @!p2 $0x14180  }
0xdd: {  	[tilespmem:s12], [sflag:$0x3] =	stream.indirect_vreg.gather @!p2 [hbm4b:s25+s9], $0x80, v5, vm1, $0xb8;
	[tilespmem:$0x18200] =	vst v63  }
0xde: {  	v4 =	vperm.xlane @!p2 v4, v6;
	s12 =	simm.s32 @!p2 $0x14980  }
0xdf: {  	[tilespmem:s12], [sflag:$0x3] =	stream.indirect_vreg.gather @!p2 [hbm4b:s31+s9], $0x80, v5, vm1, $0xb8;
	[tilespmem:$0x18200] =	vst v63  }
0xe0: {  	v4 =	vadd.s32 @!p2 v7, v4;
	s12 =	simm.s32 @!p2 $0x15180  }
0xe1: {  	[tilespmem:s12], [sflag:$0x3] =	stream.indirect_vreg.gather @!p2 [hbm4b:s21+s9], $0x80, v5, vm1, $0xb8;
	[tilespmem:$0x18200] =	vst v63  }
0xe2: {  	s12 =	simm.s32 @!p2 $0x15980  }
0xe3: {  	[tilespmem:s12], [sflag:$0x3] =	stream.indirect_vreg.gather @!p2 [hbm4b:s0+s9], $0x80, v5, vm1, $0xb8;
	[tilespmem:$0x18200] =	vst v63  }
0xe4: {  	s12 =	simm.s32 @!p2 $0x16180  }
0xe5: {  	[tilespmem:s12], [sflag:$0x3] =	stream.indirect_vreg.gather @!p2 [hbm4b:s25+s9], $0x80, v4, vm1, $0xb8;
	[tilespmem:$0x18200] =	vst v63  }
0xe6: {  	s12 =	simm.s32 @!p2 $0x16980  }
0xe7: {  	[tilespmem:s12], [sflag:$0x3] =	stream.indirect_vreg.gather @!p2 [hbm4b:s31+s9], $0x80, v4, vm1, $0xb8;
	[tilespmem:$0x18200] =	vst v63  }
0xe8: {  	s12 =	simm.s32 @!p2 $0x17180  }
0xe9: {  	[tilespmem:s12], [sflag:$0x3] =	stream.indirect_vreg.gather @!p2 [hbm4b:s21+s9], $0x80, v4, vm1, $0xb8;
	[tilespmem:$0x18200] =	vst v63  }
0xea: {  	p3 =	sge.s32 s7, s22;
	s12 =	simm.s32 @!p2 $0x17980  }
0xeb: {  	[tilespmem:s12], [sflag:$0x3] =	stream.indirect_vreg.gather @!p2 [hbm4b:s0+s9], $0x80, v4, vm1, $0xb8;
	[tilespmem:$0x18200] =	vst v63  }
.Ltmp2:
0xec: {  	s9 =	simm.s32 @!p0 $0x1;
	(pc) =	sbr.rel @p3 .LBB2_3-.Ltmp2, $4  }
0xed: {  	_ =	swait.ge @!p0 [sflag:s9], $0x8000  }
0xee: {  	[sflag:s9] =	ssyncset.done @!p0 $0x0  }
0xef: {  	[sflag:s9] =	ssyncadd.s32 @!p0 $0xFFFF8000;
	s9 =	rddreg [dreg:$0x6]  }
0xf0: {  	[hbm4b:s9+s20] =	stream.linear.scatter @!p0 [tilespmem:s5], [sflag:$0x4], $0x8000, $0x38;
	[tilespmem:$0x18200] =	vst v63  }
0xf1: {  	_ =	swait.ge [sflag:s16], $0x8000  }
0xf2: {  	[sflag:s16] =	ssyncset.done $0x0  }
0xf3: {  	s5 =	rddreg [dreg:$0x7];
	[sflag:s16] =	ssyncadd.s32 $0xFFFF8000  }
0xf4: {  	[tilespmem:s1], [sflag:$0x7] =	stream.linear.gather [hbm4b:s5+s1], $0x20, $0x38;
	[tilespmem:$0x18200] =	vst v63  }
0xf5: {  	_ =	swait.ge [sflag:s14], $0x20  }
0xf6: {  	[sflag:s14] =	ssyncset.done $0x0  }
0xf7: {  	[sflag:s14] =	ssyncadd.s32 $0xFFFFFFE0  }
0xf8: {  	v4 =	vld [tilespmem:$0x0];
	_ =	sdelay $0x4  }
0xf9: {  	v5 =	vshll.u32 v4, $0x3  }
0xfa: {  	v4 =	vand.u32 $0x7, v4;
	v5 =	vand.u32 $0xFFFFFFC0, v5  }
0xfb: {  	v4 =	vor.u32 v4, v5  }
0xfc: {  	v5 =	vperm.xlane v4, v1;
	_ =	sdelay $0x1  }
0xfd: {  	v5 =	vadd.s32 v2, v5;
	_ =	sdelay $0x3  }
0xfe: {  	s9 =	simm.s32 $0x180  }
0xff: {  	[tilespmem:s9], [sflag:$0x1] =	stream.indirect_vreg.gather [hbm4b:s25+s1], $0x80, v5, vm0, $0xb8;
	[tilespmem:$0x18200] =	vst v63  }
0x100: {  	s12 =	simm.s32 $0x980;
	v4 =	vperm.xlane v4, v3  }
0x101: {  	[tilespmem:s12], [sflag:$0x1] =	stream.indirect_vreg.gather [hbm4b:s31+s1], $0x80, v5, vm0, $0xb8;
	[tilespmem:$0x18200] =	vst v63  }
0x102: {  	s15 =	simm.s32 $0x1180;
	v4 =	vadd.s32 v2, v4  }
0x103: {  	[tilespmem:s15], [sflag:$0x1] =	stream.indirect_vreg.gather [hbm4b:s21+s1], $0x80, v5, vm0, $0xb8;
	[tilespmem:$0x18200] =	vst v63  }
0x104: {  	s20 =	simm.s32 $0x1980  }
0x105: {  	[tilespmem:s20], [sflag:$0x1] =	stream.indirect_vreg.gather [hbm4b:s0+s1], $0x80, v5, vm0, $0xb8;
	[tilespmem:$0x18200] =	vst v63  }
0x106: {  	s9 =	simm.s32 $0x2180  }
0x107: {  	[tilespmem:s9], [sflag:$0x1] =	stream.indirect_vreg.gather [hbm4b:s25+s1], $0x80, v4, vm0, $0xb8;
	[tilespmem:$0x18200] =	vst v63  }
0x108: {  	s12 =	simm.s32 $0x2980  }
0x109: {  	[tilespmem:s12], [sflag:$0x1] =	stream.indirect_vreg.gather [hbm4b:s31+s1], $0x80, v4, vm0, $0xb8;
	[tilespmem:$0x18200] =	vst v63  }
0x10a: {  	s15 =	simm.s32 $0x3180  }
0x10b: {  	[tilespmem:s15], [sflag:$0x1] =	stream.indirect_vreg.gather [hbm4b:s21+s1], $0x80, v4, vm0, $0xb8;
	[tilespmem:$0x18200] =	vst v63  }
0x10c: {  	s20 =	simm.s32 $0x3980  }
0x10d: {  	[tilespmem:s20], [sflag:$0x1] =	stream.indirect_vreg.gather [hbm4b:s0+s1], $0x80, v4, vm0, $0xb8;
	[tilespmem:$0x18200] =	vst v63  }
0x10e: {  	v4 =	vld [tilespmem:$0x10];
	_ =	sdelay $0x4  }
0x10f: {  	v5 =	vshll.u32 v4, $0x3  }
0x110: {  	v4 =	vand.u32 $0x7, v4;
	v5 =	vand.u32 $0xFFFFFFC0, v5  }
0x111: {  	v4 =	vor.u32 v4, v5  }
0x112: {  	v5 =	vperm.xlane v4, v1;
	_ =	sdelay $0x1  }
0x113: {  	v5 =	vadd.s32 v2, v5;
	_ =	sdelay $0x3  }
0x114: {  	s9 =	simm.s32 $0x4180  }
0x115: {  	[tilespmem:s9], [sflag:$0x1] =	stream.indirect_vreg.gather [hbm4b:s25+s1], $0x80, v5, vm0, $0xb8;
	[tilespmem:$0x18200] =	vst v63  }
0x116: {  	s12 =	simm.s32 $0x4980;
	v4 =	vperm.xlane v4, v3  }
0x117: {  	[tilespmem:s12], [sflag:$0x1] =	stream.indirect_vreg.gather [hbm4b:s31+s1], $0x80, v5, vm0, $0xb8;
	[tilespmem:$0x18200] =	vst v63  }
0x118: {  	s15 =	simm.s32 $0x5180;
	v4 =	vadd.s32 v2, v4  }
0x119: {  	[tilespmem:s15], [sflag:$0x1] =	stream.indirect_vreg.gather [hbm4b:s21+s1], $0x80, v5, vm0, $0xb8;
	[tilespmem:$0x18200] =	vst v63  }
0x11a: {  	s20 =	simm.s32 $0x5980  }
0x11b: {  	[tilespmem:s20], [sflag:$0x1] =	stream.indirect_vreg.gather [hbm4b:s0+s1], $0x80, v5, vm0, $0xb8;
	[tilespmem:$0x18200] =	vst v63  }
0x11c: {  	s9 =	simm.s32 $0x6180  }
0x11d: {  	[tilespmem:s9], [sflag:$0x1] =	stream.indirect_vreg.gather [hbm4b:s25+s1], $0x80, v4, vm0, $0xb8;
	[tilespmem:$0x18200] =	vst v63  }
0x11e: {  	s12 =	simm.s32 $0x6980  }
0x11f: {  	[tilespmem:s12], [sflag:$0x1] =	stream.indirect_vreg.gather [hbm4b:s31+s1], $0x80, v4, vm0, $0xb8;
	[tilespmem:$0x18200] =	vst v63  }
0x120: {  	s15 =	simm.s32 $0x7180  }
0x121: {  	[tilespmem:s15], [sflag:$0x1] =	stream.indirect_vreg.gather [hbm4b:s21+s1], $0x80, v4, vm0, $0xb8;
	[tilespmem:$0x18200] =	vst v63  }
0x122: {  	s20 =	simm.s32 $0x7980  }
0x123: {  	[tilespmem:s20], [sflag:$0x1] =	stream.indirect_vreg.gather [hbm4b:s0+s1], $0x80, v4, vm0, $0xb8;
	[tilespmem:$0x18200] =	vst v63  }
.LBB2_3:
0x124: {  	p4 =	sge.s32 s11, s22  }
.Ltmp3:
0x125: {  	s5 =	simm.s32 @!p1 $0x2;
	(pc) =	sbr.rel @p4 .LBB2_5-.Ltmp3, $4  }
0x126: {  	_ =	swait.ge @!p1 [sflag:s5], $0x8000  }
0x127: {  	[sflag:s5] =	ssyncset.done @!p1 $0x0  }
0x128: {  	[sflag:s5] =	ssyncadd.s32 @!p1 $0xFFFF8000;
	s5 =	rddreg [dreg:$0x8]  }
0x129: {  	[hbm4b:s5+s4] =	stream.linear.scatter @!p1 [tilespmem:s8], [sflag:$0x5], $0x8000, $0x38;
	[tilespmem:$0x18200] =	vst v63  }
0x12a: {  	_ =	swait.ge [sflag:s10], $0x8000  }
0x12b: {  	[sflag:s10] =	ssyncset.done $0x0  }
0x12c: {  	s5 =	simm.s32 $0x80;
	s4 =	rddreg [dreg:$0x9];
	[sflag:s10] =	ssyncadd.s32 $0xFFFF8000  }
0x12d: {  	[tilespmem:s5], [sflag:$0x7] =	stream.linear.gather [hbm4b:s4+s1], $0x20, $0x38;
	[tilespmem:$0x18200] =	vst v63  }
0x12e: {  	_ =	swait.ge [sflag:s14], $0x20  }
0x12f: {  	[sflag:s14] =	ssyncset.done $0x0  }
0x130: {  	[sflag:s14] =	ssyncadd.s32 $0xFFFFFFE0  }
0x131: {  	v4 =	vld [tilespmem:$0x80];
	_ =	sdelay $0x4  }
0x132: {  	v5 =	vshll.u32 v4, $0x3  }
0x133: {  	v4 =	vand.u32 $0x7, v4;
	v5 =	vand.u32 $0xFFFFFFC0, v5  }
0x134: {  	v4 =	vor.u32 v4, v5  }
0x135: {  	v5 =	vperm.xlane v4, v1;
	_ =	sdelay $0x1  }
0x136: {  	v5 =	vadd.s32 v2, v5;
	_ =	sdelay $0x3  }
0x137: {  	s9 =	simm.s32 $0x8180  }
0x138: {  	[tilespmem:s9], [sflag:$0x2] =	stream.indirect_vreg.gather [hbm4b:s25+s1], $0x80, v5, vm0, $0xb8;
	[tilespmem:$0x18200] =	vst v63  }
0x139: {  	s12 =	simm.s32 $0x8980;
	v4 =	vperm.xlane v4, v3  }
0x13a: {  	[tilespmem:s12], [sflag:$0x2] =	stream.indirect_vreg.gather [hbm4b:s31+s1], $0x80, v5, vm0, $0xb8;
	[tilespmem:$0x18200] =	vst v63  }
0x13b: {  	s15 =	simm.s32 $0x9180;
	v4 =	vadd.s32 v2, v4  }
0x13c: {  	[tilespmem:s15], [sflag:$0x2] =	stream.indirect_vreg.gather [hbm4b:s21+s1], $0x80, v5, vm0, $0xb8;
	[tilespmem:$0x18200] =	vst v63  }
0x13d: {  	s20 =	simm.s32 $0x9980  }
0x13e: {  	[tilespmem:s20], [sflag:$0x2] =	stream.indirect_vreg.gather [hbm4b:s0+s1], $0x80, v5, vm0, $0xb8;
	[tilespmem:$0x18200] =	vst v63  }
0x13f: {  	s5 =	simm.s32 $0xA180  }
0x140: {  	[tilespmem:s5], [sflag:$0x2] =	stream.indirect_vreg.gather [hbm4b:s25+s1], $0x80, v4, vm0, $0xb8;
	[tilespmem:$0x18200] =	vst v63  }
0x141: {  	s8 =	simm.s32 $0xA980  }
0x142: {  	[tilespmem:s8], [sflag:$0x2] =	stream.indirect_vreg.gather [hbm4b:s31+s1], $0x80, v4, vm0, $0xb8;
	[tilespmem:$0x18200] =	vst v63  }
0x143: {  	s9 =	simm.s32 $0xB180  }
0x144: {  	[tilespmem:s9], [sflag:$0x2] =	stream.indirect_vreg.gather [hbm4b:s21+s1], $0x80, v4, vm0, $0xb8;
	[tilespmem:$0x18200] =	vst v63  }
0x145: {  	s12 =	simm.s32 $0xB980  }
0x146: {  	[tilespmem:s12], [sflag:$0x2] =	stream.indirect_vreg.gather [hbm4b:s0+s1], $0x80, v4, vm0, $0xb8;
	[tilespmem:$0x18200] =	vst v63  }
0x147: {  	v4 =	vld [tilespmem:$0x90];
	_ =	sdelay $0x4  }
0x148: {  	v5 =	vshll.u32 v4, $0x3  }
0x149: {  	v4 =	vand.u32 $0x7, v4;
	v5 =	vand.u32 $0xFFFFFFC0, v5  }
0x14a: {  	v4 =	vor.u32 v4, v5  }
0x14b: {  	v5 =	vperm.xlane v4, v1;
	_ =	sdelay $0x1  }
0x14c: {  	v5 =	vadd.s32 v2, v5;
	_ =	sdelay $0x3  }
0x14d: {  	s15 =	simm.s32 $0xC180  }
0x14e: {  	[tilespmem:s15], [sflag:$0x2] =	stream.indirect_vreg.gather [hbm4b:s25+s1], $0x80, v5, vm0, $0xb8;
	[tilespmem:$0x18200] =	vst v63  }
0x14f: {  	s20 =	simm.s32 $0xC980;
	v4 =	vperm.xlane v4, v3  }
0x150: {  	[tilespmem:s20], [sflag:$0x2] =	stream.indirect_vreg.gather [hbm4b:s31+s1], $0x80, v5, vm0, $0xb8;
	[tilespmem:$0x18200] =	vst v63  }
0x151: {  	s5 =	simm.s32 $0xD180;
	v4 =	vadd.s32 v2, v4  }
0x152: {  	[tilespmem:s5], [sflag:$0x2] =	stream.indirect_vreg.gather [hbm4b:s21+s1], $0x80, v5, vm0, $0xb8;
	[tilespmem:$0x18200] =	vst v63  }
0x153: {  	s8 =	simm.s32 $0xD980  }
0x154: {  	[tilespmem:s8], [sflag:$0x2] =	stream.indirect_vreg.gather [hbm4b:s0+s1], $0x80, v5, vm0, $0xb8;
	[tilespmem:$0x18200] =	vst v63  }
0x155: {  	s9 =	simm.s32 $0xE180  }
0x156: {  	[tilespmem:s9], [sflag:$0x2] =	stream.indirect_vreg.gather [hbm4b:s25+s1], $0x80, v4, vm0, $0xb8;
	[tilespmem:$0x18200] =	vst v63  }
0x157: {  	s12 =	simm.s32 $0xE980  }
0x158: {  	[tilespmem:s12], [sflag:$0x2] =	stream.indirect_vreg.gather [hbm4b:s31+s1], $0x80, v4, vm0, $0xb8;
	[tilespmem:$0x18200] =	vst v63  }
0x159: {  	s15 =	simm.s32 $0xF180  }
0x15a: {  	[tilespmem:s15], [sflag:$0x2] =	stream.indirect_vreg.gather [hbm4b:s21+s1], $0x80, v4, vm0, $0xb8;
	[tilespmem:$0x18200] =	vst v63  }
0x15b: {  	s20 =	simm.s32 $0xF980  }
0x15c: {  	[tilespmem:s20], [sflag:$0x2] =	stream.indirect_vreg.gather [hbm4b:s0+s1], $0x80, v4, vm0, $0xb8;
	[tilespmem:$0x18200] =	vst v63  }
.LBB2_5:
0x15d: {  	p5 =	sge.s32 s13, s22  }
.Ltmp4:
0x15e: {  	s4 =	simm.s32 @!p2 $0x3;
	(pc) =	sbr.rel @p5 .LBB2_7-.Ltmp4, $4  }
0x15f: {  	_ =	swait.ge @!p2 [sflag:s4], $0x8000  }
0x160: {  	s5 =	simm.s32 @!p2 $0x10180;
	[sflag:s4] =	ssyncset.done @!p2 $0x0  }
0x161: {  	s8 =	rddreg [dreg:$0xa];
	[sflag:s4] =	ssyncadd.s32 @!p2 $0xFFFF8000;
	s4 =	simm.s32 @!p2 $0x0  }
0x162: {  	[hbm4b:s8+s4] =	stream.linear.scatter @!p2 [tilespmem:s5], [sflag:$0x6], $0x8000, $0x38;
	[tilespmem:$0x18200] =	vst v63  }
0x163: {  	s4 =	simm.s32 $0x6  }
0x164: {  	_ =	swait.ge [sflag:s4], $0x8000  }
0x165: {  	[sflag:s4] =	ssyncset.done $0x0  }
0x166: {  	s5 =	simm.s32 $0x100;
	s8 =	rddreg [dreg:$0xb];
	[sflag:s4] =	ssyncadd.s32 $0xFFFF8000  }
0x167: {  	[tilespmem:s5], [sflag:$0x7] =	stream.linear.gather [hbm4b:s8+s1], $0x20, $0x38;
	[tilespmem:$0x18200] =	vst v63  }
0x168: {  	_ =	swait.ge [sflag:s14], $0x20  }
0x169: {  	[sflag:s14] =	ssyncset.done $0x0  }
0x16a: {  	[sflag:s14] =	ssyncadd.s32 $0xFFFFFFE0  }
0x16b: {  	v4 =	vld [tilespmem:$0x100];
	_ =	sdelay $0x4  }
0x16c: {  	v5 =	vshll.u32 v4, $0x3  }
0x16d: {  	v4 =	vand.u32 $0x7, v4;
	v5 =	vand.u32 $0xFFFFFFC0, v5  }
0x16e: {  	v4 =	vor.u32 v4, v5  }
0x16f: {  	v5 =	vperm.xlane v4, v1;
	_ =	sdelay $0x1  }
0x170: {  	v5 =	vadd.s32 v2, v5;
	_ =	sdelay $0x3  }
0x171: {  	s9 =	simm.s32 $0x10180  }
0x172: {  	[tilespmem:s9], [sflag:$0x3] =	stream.indirect_vreg.gather [hbm4b:s25+s1], $0x80, v5, vm0, $0xb8;
	[tilespmem:$0x18200] =	vst v63  }
0x173: {  	s12 =	simm.s32 $0x10980;
	v4 =	vperm.xlane v4, v3  }
0x174: {  	[tilespmem:s12], [sflag:$0x3] =	stream.indirect_vreg.gather [hbm4b:s31+s1], $0x80, v5, vm0, $0xb8;
	[tilespmem:$0x18200] =	vst v63  }
0x175: {  	s15 =	simm.s32 $0x11180;
	v4 =	vadd.s32 v2, v4  }
0x176: {  	[tilespmem:s15], [sflag:$0x3] =	stream.indirect_vreg.gather [hbm4b:s21+s1], $0x80, v5, vm0, $0xb8;
	[tilespmem:$0x18200] =	vst v63  }
0x177: {  	s20 =	simm.s32 $0x11980  }
0x178: {  	[tilespmem:s20], [sflag:$0x3] =	stream.indirect_vreg.gather [hbm4b:s0+s1], $0x80, v5, vm0, $0xb8;
	[tilespmem:$0x18200] =	vst v63  }
0x179: {  	s5 =	simm.s32 $0x12180  }
0x17a: {  	[tilespmem:s5], [sflag:$0x3] =	stream.indirect_vreg.gather [hbm4b:s25+s1], $0x80, v4, vm0, $0xb8;
	[tilespmem:$0x18200] =	vst v63  }
0x17b: {  	s8 =	simm.s32 $0x12980  }
0x17c: {  	[tilespmem:s8], [sflag:$0x3] =	stream.indirect_vreg.gather [hbm4b:s31+s1], $0x80, v4, vm0, $0xb8;
	[tilespmem:$0x18200] =	vst v63  }
0x17d: {  	s9 =	simm.s32 $0x13180  }
0x17e: {  	[tilespmem:s9], [sflag:$0x3] =	stream.indirect_vreg.gather [hbm4b:s21+s1], $0x80, v4, vm0, $0xb8;
	[tilespmem:$0x18200] =	vst v63  }
0x17f: {  	s12 =	simm.s32 $0x13980  }
0x180: {  	[tilespmem:s12], [sflag:$0x3] =	stream.indirect_vreg.gather [hbm4b:s0+s1], $0x80, v4, vm0, $0xb8;
	[tilespmem:$0x18200] =	vst v63  }
0x181: {  	v4 =	vld [tilespmem:$0x110];
	_ =	sdelay $0x4  }
0x182: {  	v5 =	vshll.u32 v4, $0x3  }
0x183: {  	v4 =	vand.u32 $0x7, v4;
	v5 =	vand.u32 $0xFFFFFFC0, v5  }
0x184: {  	v4 =	vor.u32 v4, v5  }
0x185: {  	v5 =	vperm.xlane v4, v1;
	_ =	sdelay $0x1  }
0x186: {  	v5 =	vadd.s32 v2, v5;
	_ =	sdelay $0x3  }
0x187: {  	s15 =	simm.s32 $0x14180  }
0x188: {  	[tilespmem:s15], [sflag:$0x3] =	stream.indirect_vreg.gather [hbm4b:s25+s1], $0x80, v5, vm0, $0xb8;
	[tilespmem:$0x18200] =	vst v63  }
0x189: {  	s20 =	simm.s32 $0x14980;
	v4 =	vperm.xlane v4, v3  }
0x18a: {  	[tilespmem:s20], [sflag:$0x3] =	stream.indirect_vreg.gather [hbm4b:s31+s1], $0x80, v5, vm0, $0xb8;
	[tilespmem:$0x18200] =	vst v63  }
0x18b: {  	s5 =	simm.s32 $0x15180;
	v4 =	vadd.s32 v2, v4  }
0x18c: {  	[tilespmem:s5], [sflag:$0x3] =	stream.indirect_vreg.gather [hbm4b:s21+s1], $0x80, v5, vm0, $0xb8;
	[tilespmem:$0x18200] =	vst v63  }
0x18d: {  	s8 =	simm.s32 $0x15980  }
0x18e: {  	[tilespmem:s8], [sflag:$0x3] =	stream.indirect_vreg.gather [hbm4b:s0+s1], $0x80, v5, vm0, $0xb8;
	[tilespmem:$0x18200] =	vst v63  }
0x18f: {  	s9 =	simm.s32 $0x16180  }
0x190: {  	[tilespmem:s9], [sflag:$0x3] =	stream.indirect_vreg.gather [hbm4b:s25+s1], $0x80, v4, vm0, $0xb8;
	[tilespmem:$0x18200] =	vst v63  }
0x191: {  	s12 =	simm.s32 $0x16980  }
0x192: {  	[tilespmem:s12], [sflag:$0x3] =	stream.indirect_vreg.gather [hbm4b:s31+s1], $0x80, v4, vm0, $0xb8;
	[tilespmem:$0x18200] =	vst v63  }
0x193: {  	s15 =	simm.s32 $0x17180  }
0x194: {  	[tilespmem:s15], [sflag:$0x3] =	stream.indirect_vreg.gather [hbm4b:s21+s1], $0x80, v4, vm0, $0xb8;
	[tilespmem:$0x18200] =	vst v63  }
0x195: {  	s20 =	simm.s32 $0x17980  }
0x196: {  	[tilespmem:s20], [sflag:$0x3] =	stream.indirect_vreg.gather [hbm4b:s0+s1], $0x80, v4, vm0, $0xb8;
	[tilespmem:$0x18200] =	vst v63  }
.LBB2_7:
0x197: {  	p6 =	sge.s32 s17, s22  }
.Ltmp5:
0x198: {  	s4 =	simm.s32 @!p3 $0x1;
	(pc) =	sbr.rel @p6 .LBB2_9-.Ltmp5, $4  }
0x199: {  	s8 =	simm.s32 @!p3 $0x0;
	_ =	swait.ge @!p3 [sflag:s4], $0x8000  }
0x19a: {  	s5 =	simm.s32 @!p3 $0x180;
	s8 =	simm.s32 @p3 $0x1;
	[sflag:s4] =	ssyncset.done @!p3 $0x0  }
0x19b: {  	[smem:$0x7FD] =	sst s8;
	[sflag:s4] =	ssyncadd.s32 @!p3 $0xFFFF8000;
	s4 =	simm.s32 @!p3 $0x0  }
0x19c: {  	[hbm4b:s19+s4] =	stream.linear.scatter @!p3 [tilespmem:s5], [sflag:$0x4], $0x8000, $0x38;
	[tilespmem:$0x18200] =	vst v63  }
0x19d: {  	_ =	swait.ge [sflag:s16], $0x8000  }
0x19e: {  	[sflag:s16] =	ssyncset.done $0x0  }
0x19f: {  	s4 =	rddreg [dreg:$0xc];
	[sflag:s16] =	ssyncadd.s32 $0xFFFF8000  }
0x1a0: {  	[tilespmem:s1], [sflag:$0x7] =	stream.linear.gather [hbm4b:s4+s1], $0x20, $0x38;
	[tilespmem:$0x18200] =	vst v63  }
0x1a1: {  	_ =	swait.ge [sflag:s14], $0x20  }
0x1a2: {  	[sflag:s14] =	ssyncset.done $0x0  }
0x1a3: {  	[sflag:s14] =	ssyncadd.s32 $0xFFFFFFE0  }
0x1a4: {  	v4 =	vld [tilespmem:$0x0];
	_ =	sdelay $0x4  }
0x1a5: {  	v5 =	vshll.u32 v4, $0x3  }
0x1a6: {  	v4 =	vand.u32 $0x7, v4;
	v5 =	vand.u32 $0xFFFFFFC0, v5  }
0x1a7: {  	v4 =	vor.u32 v4, v5  }
0x1a8: {  	v5 =	vperm.xlane v4, v1;
	_ =	sdelay $0x1  }
0x1a9: {  	v5 =	vadd.s32 v2, v5;
	_ =	sdelay $0x3  }
0x1aa: {  	s9 =	simm.s32 $0x180  }
0x1ab: {  	[tilespmem:s9], [sflag:$0x1] =	stream.indirect_vreg.gather [hbm4b:s25+s1], $0x80, v5, vm0, $0xb8;
	[tilespmem:$0x18200] =	vst v63  }
0x1ac: {  	s12 =	simm.s32 $0x980;
	v4 =	vperm.xlane v4, v3  }
0x1ad: {  	[tilespmem:s12], [sflag:$0x1] =	stream.indirect_vreg.gather [hbm4b:s31+s1], $0x80, v5, vm0, $0xb8;
	[tilespmem:$0x18200] =	vst v63  }
0x1ae: {  	s15 =	simm.s32 $0x1180;
	v4 =	vadd.s32 v2, v4  }
0x1af: {  	[tilespmem:s15], [sflag:$0x1] =	stream.indirect_vreg.gather [hbm4b:s21+s1], $0x80, v5, vm0, $0xb8;
	[tilespmem:$0x18200] =	vst v63  }
0x1b0: {  	s20 =	simm.s32 $0x1980  }
0x1b1: {  	[tilespmem:s20], [sflag:$0x1] =	stream.indirect_vreg.gather [hbm4b:s0+s1], $0x80, v5, vm0, $0xb8;
	[tilespmem:$0x18200] =	vst v63  }
0x1b2: {  	s5 =	simm.s32 $0x2180  }
0x1b3: {  	[tilespmem:s5], [sflag:$0x1] =	stream.indirect_vreg.gather [hbm4b:s25+s1], $0x80, v4, vm0, $0xb8;
	[tilespmem:$0x18200] =	vst v63  }
0x1b4: {  	s8 =	simm.s32 $0x2980  }
0x1b5: {  	[tilespmem:s8], [sflag:$0x1] =	stream.indirect_vreg.gather [hbm4b:s31+s1], $0x80, v4, vm0, $0xb8;
	[tilespmem:$0x18200] =	vst v63  }
0x1b6: {  	s9 =	simm.s32 $0x3180  }
0x1b7: {  	[tilespmem:s9], [sflag:$0x1] =	stream.indirect_vreg.gather [hbm4b:s21+s1], $0x80, v4, vm0, $0xb8;
	[tilespmem:$0x18200] =	vst v63  }
0x1b8: {  	s12 =	simm.s32 $0x3980  }
0x1b9: {  	[tilespmem:s12], [sflag:$0x1] =	stream.indirect_vreg.gather [hbm4b:s0+s1], $0x80, v4, vm0, $0xb8;
	[tilespmem:$0x18200] =	vst v63  }
0x1ba: {  	v4 =	vld [tilespmem:$0x10];
	_ =	sdelay $0x4  }
0x1bb: {  	v5 =	vshll.u32 v4, $0x3  }
0x1bc: {  	v4 =	vand.u32 $0x7, v4;
	v5 =	vand.u32 $0xFFFFFFC0, v5  }
0x1bd: {  	v4 =	vor.u32 v4, v5  }
0x1be: {  	v5 =	vperm.xlane v4, v1;
	_ =	sdelay $0x1  }
0x1bf: {  	v5 =	vadd.s32 v2, v5;
	_ =	sdelay $0x3  }
0x1c0: {  	s15 =	simm.s32 $0x4180  }
0x1c1: {  	[tilespmem:s15], [sflag:$0x1] =	stream.indirect_vreg.gather [hbm4b:s25+s1], $0x80, v5, vm0, $0xb8;
	[tilespmem:$0x18200] =	vst v63  }
0x1c2: {  	s20 =	simm.s32 $0x4980;
	v4 =	vperm.xlane v4, v3  }
0x1c3: {  	[tilespmem:s20], [sflag:$0x1] =	stream.indirect_vreg.gather [hbm4b:s31+s1], $0x80, v5, vm0, $0xb8;
	[tilespmem:$0x18200] =	vst v63  }
0x1c4: {  	s5 =	simm.s32 $0x5180;
	v4 =	vadd.s32 v2, v4  }
0x1c5: {  	[tilespmem:s5], [sflag:$0x1] =	stream.indirect_vreg.gather [hbm4b:s21+s1], $0x80, v5, vm0, $0xb8;
	[tilespmem:$0x18200] =	vst v63  }
0x1c6: {  	s8 =	simm.s32 $0x5980  }
0x1c7: {  	[tilespmem:s8], [sflag:$0x1] =	stream.indirect_vreg.gather [hbm4b:s0+s1], $0x80, v5, vm0, $0xb8;
	[tilespmem:$0x18200] =	vst v63  }
0x1c8: {  	s9 =	simm.s32 $0x6180  }
0x1c9: {  	[tilespmem:s9], [sflag:$0x1] =	stream.indirect_vreg.gather [hbm4b:s25+s1], $0x80, v4, vm0, $0xb8;
	[tilespmem:$0x18200] =	vst v63  }
0x1ca: {  	s12 =	simm.s32 $0x6980  }
0x1cb: {  	[tilespmem:s12], [sflag:$0x1] =	stream.indirect_vreg.gather [hbm4b:s31+s1], $0x80, v4, vm0, $0xb8;
	[tilespmem:$0x18200] =	vst v63  }
0x1cc: {  	s15 =	simm.s32 $0x7180  }
0x1cd: {  	[tilespmem:s15], [sflag:$0x1] =	stream.indirect_vreg.gather [hbm4b:s21+s1], $0x80, v4, vm0, $0xb8;
	[tilespmem:$0x18200] =	vst v63  }
0x1ce: {  	s20 =	simm.s32 $0x7980  }
0x1cf: {  	[tilespmem:s20], [sflag:$0x1] =	stream.indirect_vreg.gather [hbm4b:s0+s1], $0x80, v4, vm0, $0xb8;
	[tilespmem:$0x18200] =	vst v63  }
.LBB2_9:
0x1d0: {  	p3 =	sge.s32 s18, s22  }
.Ltmp6:
0x1d1: {  	s4 =	simm.s32 @!p4 $0x2;
	(pc) =	sbr.rel @p3 .LBB2_11-.Ltmp6, $4  }
0x1d2: {  	s8 =	simm.s32 @!p4 $0x0;
	_ =	swait.ge @!p4 [sflag:s4], $0x8000  }
0x1d3: {  	s5 =	simm.s32 @!p4 $0x8180;
	s8 =	simm.s32 @p4 $0x1;
	[sflag:s4] =	ssyncset.done @!p4 $0x0  }
0x1d4: {  	[smem:$0x7FC] =	sst s8;
	[sflag:s4] =	ssyncadd.s32 @!p4 $0xFFFF8000;
	s4 =	simm.s32 @!p4 $0x0  }
0x1d5: {  	[hbm4b:s23+s4] =	stream.linear.scatter @!p4 [tilespmem:s5], [sflag:$0x5], $0x8000, $0x38;
	[tilespmem:$0x18200] =	vst v63  }
0x1d6: {  	_ =	swait.ge [sflag:s10], $0x8000  }
0x1d7: {  	[sflag:s10] =	ssyncset.done $0x0  }
0x1d8: {  	s5 =	simm.s32 $0x80;
	s4 =	rddreg [dreg:$0xd];
	[sflag:s10] =	ssyncadd.s32 $0xFFFF8000  }
0x1d9: {  	[tilespmem:s5], [sflag:$0x7] =	stream.linear.gather [hbm4b:s4+s1], $0x20, $0x38;
	[tilespmem:$0x18200] =	vst v63  }
0x1da: {  	_ =	swait.ge [sflag:s14], $0x20  }
0x1db: {  	[sflag:s14] =	ssyncset.done $0x0  }
0x1dc: {  	[sflag:s14] =	ssyncadd.s32 $0xFFFFFFE0  }
0x1dd: {  	v4 =	vld [tilespmem:$0x80];
	_ =	sdelay $0x4  }
0x1de: {  	v5 =	vshll.u32 v4, $0x3  }
0x1df: {  	v4 =	vand.u32 $0x7, v4;
	v5 =	vand.u32 $0xFFFFFFC0, v5  }
0x1e0: {  	v4 =	vor.u32 v4, v5  }
0x1e1: {  	v5 =	vperm.xlane v4, v1;
	_ =	sdelay $0x1  }
0x1e2: {  	v5 =	vadd.s32 v2, v5;
	_ =	sdelay $0x3  }
0x1e3: {  	s9 =	simm.s32 $0x8180  }
0x1e4: {  	[tilespmem:s9], [sflag:$0x2] =	stream.indirect_vreg.gather [hbm4b:s25+s1], $0x80, v5, vm0, $0xb8;
	[tilespmem:$0x18200] =	vst v63  }
0x1e5: {  	s12 =	simm.s32 $0x8980;
	v4 =	vperm.xlane v4, v3  }
0x1e6: {  	[tilespmem:s12], [sflag:$0x2] =	stream.indirect_vreg.gather [hbm4b:s31+s1], $0x80, v5, vm0, $0xb8;
	[tilespmem:$0x18200] =	vst v63  }
0x1e7: {  	s15 =	simm.s32 $0x9180;
	v4 =	vadd.s32 v2, v4  }
0x1e8: {  	[tilespmem:s15], [sflag:$0x2] =	stream.indirect_vreg.gather [hbm4b:s21+s1], $0x80, v5, vm0, $0xb8;
	[tilespmem:$0x18200] =	vst v63  }
0x1e9: {  	s20 =	simm.s32 $0x9980  }
0x1ea: {  	[tilespmem:s20], [sflag:$0x2] =	stream.indirect_vreg.gather [hbm4b:s0+s1], $0x80, v5, vm0, $0xb8;
	[tilespmem:$0x18200] =	vst v63  }
0x1eb: {  	s5 =	simm.s32 $0xA180  }
0x1ec: {  	[tilespmem:s5], [sflag:$0x2] =	stream.indirect_vreg.gather [hbm4b:s25+s1], $0x80, v4, vm0, $0xb8;
	[tilespmem:$0x18200] =	vst v63  }
0x1ed: {  	s8 =	simm.s32 $0xA980  }
0x1ee: {  	[tilespmem:s8], [sflag:$0x2] =	stream.indirect_vreg.gather [hbm4b:s31+s1], $0x80, v4, vm0, $0xb8;
	[tilespmem:$0x18200] =	vst v63  }
0x1ef: {  	s9 =	simm.s32 $0xB180  }
0x1f0: {  	[tilespmem:s9], [sflag:$0x2] =	stream.indirect_vreg.gather [hbm4b:s21+s1], $0x80, v4, vm0, $0xb8;
	[tilespmem:$0x18200] =	vst v63  }
0x1f1: {  	s12 =	simm.s32 $0xB980  }
0x1f2: {  	[tilespmem:s12], [sflag:$0x2] =	stream.indirect_vreg.gather [hbm4b:s0+s1], $0x80, v4, vm0, $0xb8;
	[tilespmem:$0x18200] =	vst v63  }
0x1f3: {  	v4 =	vld [tilespmem:$0x90];
	_ =	sdelay $0x4  }
0x1f4: {  	v5 =	vshll.u32 v4, $0x3  }
0x1f5: {  	v4 =	vand.u32 $0x7, v4;
	v5 =	vand.u32 $0xFFFFFFC0, v5  }
0x1f6: {  	v4 =	vor.u32 v4, v5  }
0x1f7: {  	v5 =	vperm.xlane v4, v1;
	_ =	sdelay $0x1  }
0x1f8: {  	v5 =	vadd.s32 v2, v5;
	_ =	sdelay $0x3  }
0x1f9: {  	s15 =	simm.s32 $0xC180  }
0x1fa: {  	[tilespmem:s15], [sflag:$0x2] =	stream.indirect_vreg.gather [hbm4b:s25+s1], $0x80, v5, vm0, $0xb8;
	[tilespmem:$0x18200] =	vst v63  }
0x1fb: {  	s20 =	simm.s32 $0xC980;
	v4 =	vperm.xlane v4, v3  }
0x1fc: {  	[tilespmem:s20], [sflag:$0x2] =	stream.indirect_vreg.gather [hbm4b:s31+s1], $0x80, v5, vm0, $0xb8;
	[tilespmem:$0x18200] =	vst v63  }
0x1fd: {  	s5 =	simm.s32 $0xD180;
	v4 =	vadd.s32 v2, v4  }
0x1fe: {  	[tilespmem:s5], [sflag:$0x2] =	stream.indirect_vreg.gather [hbm4b:s21+s1], $0x80, v5, vm0, $0xb8;
	[tilespmem:$0x18200] =	vst v63  }
0x1ff: {  	s8 =	simm.s32 $0xD980  }
0x200: {  	[tilespmem:s8], [sflag:$0x2] =	stream.indirect_vreg.gather [hbm4b:s0+s1], $0x80, v5, vm0, $0xb8;
	[tilespmem:$0x18200] =	vst v63  }
0x201: {  	s9 =	simm.s32 $0xE180  }
0x202: {  	[tilespmem:s9], [sflag:$0x2] =	stream.indirect_vreg.gather [hbm4b:s25+s1], $0x80, v4, vm0, $0xb8;
	[tilespmem:$0x18200] =	vst v63  }
0x203: {  	s12 =	simm.s32 $0xE980  }
0x204: {  	[tilespmem:s12], [sflag:$0x2] =	stream.indirect_vreg.gather [hbm4b:s31+s1], $0x80, v4, vm0, $0xb8;
	[tilespmem:$0x18200] =	vst v63  }
.Ltmp7:
0x205: {  	_ = 	snop;
	(pc) =	sbr.rel .LBB2_11-.Ltmp7, $4  }
0x206: {  	s15 =	simm.s32 $0xF180  }
0x207: {  	[tilespmem:s15], [sflag:$0x2] =	stream.indirect_vreg.gather [hbm4b:s21+s1], $0x80, v4, vm0, $0xb8;
	[tilespmem:$0x18200] =	vst v63  }
0x208: {  	s20 =	simm.s32 $0xF980  }
0x209: {  	[tilespmem:s20], [sflag:$0x2] =	stream.indirect_vreg.gather [hbm4b:s0+s1], $0x80, v4, vm0, $0xb8;
	[tilespmem:$0x18200] =	vst v63  }
.LBB2_12:
0x20a: {  	_ =	sfence.sel $0x180000  }
0x20b: {  	[bflag:$0x0] =	sbarrier.arrive $0xFFFF  }
0x20c: {  	_ =	strace $0x9000004A  }
0x20d: {  	s0 =	stileid.u32;
	[bflag:$0x2] =	sbarrier.arrive $0xFFFF  }
0x20e: {  	p0 =	sne.s32 s0, $0x0;
	s0 =	rddreg [dreg:$0x2]  }
0x20f: {  	s0 =	sadd.s32 @!p0 $0x100000, s0  }
0x210: {  	[sflag:s0] =	ssyncadd.tile.s32 @!p0 $0x1;
	_ =	shalt  }
.Lfunc_end2:
_tile_overlayer_lowered:
.L_overlay_start_2:
0x211: {  	(tag) =	ssettag $0x2  }
0x212: {  	s0 =	rddreg [dreg:$0x0];
	s2 =	stileid.u32  }
0x213: {  	s1 =	rddreg [dreg:$0x1];
	p0 =	sne.s32 s2, $0x0  }
0x214: {  	s3 =	rddreg [dreg:$0x2];
	[bflag:$0x3] =	sbarrier.arrive $0xFFFF;
	s2 =	simm.s32 @!p0 $0x1C07  }
0x215: {  	[timem:s3], [sflag:s2] =	dma.local @!p0 [hbm:s0], s1  }
0x216: {  	s0 =	simm.s32 @!p0 $0x7  }
0x217: {  	_ =	swait.ge @!p0 [sflag:s0], s1  }
0x218: {  	s1 =	ssub.s32 @!p0 $0x0, s1;
	[sflag:s0] =	ssyncset.done @!p0 $0x0  }
0x219: {  	[sflag:s0] =	ssyncadd.s32 @!p0 s1  }
0x21a: {  	[bflag:$0x3] =	sbarrier.arrive $0xFFFF  }
0x21b: {  	_ =	shalt  }

// kernel: kernel.14.cloned.1.call-start
scs
__scs_entry_jumppad:
0x0: {  	(pc) =	sbr.rel $0x88, $3  }
0x1: {  	(tag) =	ssettag $0x0;
	lr =	simm.s32 $0x1  }
0x2: {  	[smem:$0x3F9B] =	sst lr;
	_ =	strace $0xD0000000  }
0x3: {  	_ = 	snop  }
0x4: {  	_ = 	snop  }
0x5: {  	_ = 	snop  }
0x6: {  	_ = 	snop  }
0x7: {  	_ = 	snop  }
__scs_overlays_trampoline_lowered:
0x8: {  	[smem:$0x3FAA] =	sst s0  }
0x9: {  	[smem:$0x3FAB] =	sst s1  }
0xa: {  	[smem:$0x3FAC] =	sst s2  }
0xb: {  	[smem:$0x3FAD] =	sst s3  }
0xc: {  	[smem:$0x3FAE] =	sst s4  }
0xd: {  	[smem:$0x3FAF] =	sst s5  }
0xe: {  	[smem:$0x3FB0] =	sst s6  }
0xf: {  	[smem:$0x3FB1] =	sst s7  }
0x10: {  	[smem:$0x3FB2] =	sst s8  }
0x11: {  	[smem:$0x3FB3] =	sst s9;
	s0 =	simm.s32 @!p0 $0x0  }
0x12: {  	s1 =	sld [smem:$0x3F99];
	s0 =	simm.s32 @p0 $0x1  }
0x13: {  	[smem:$0x3FB4] =	sst s0;
	s0 =	simm.s32 @!p1 $0x0  }
0x14: {  	s2 =	sld [smem:$0x3F98];
	s0 =	simm.s32 @p1 $0x1  }
0x15: {  	[smem:$0x3FB5] =	sst s0;
	s0 =	simm.s32 @!p2 $0x0  }
0x16: {  	s3 =	sld [smem:$0x3FDB];
	s0 =	simm.s32 @p2 $0x1  }
0x17: {  	s4 =	simm.s32 $0x1BF5;
	[smem:$0x3FB7] =	sst s0  }
0x18: {  	s0 =	sld [smem:$0x3F9A];
	_ =	swait.ge [sflag:s4], $0x0  }
0x19: {  	s7 =	sld [smem:$0x3F9B]  }
0x1a: {  	s8 =	sadd.s32 $0xFFFFE003, lr  }
0x1b: {  	s9 =	sadd.s32 $0xFFFFFEF7, lr;
	s5 =	simm.s32 $0xFFFFFFFF;
	p2 =	slt.u32 s8, $0xFFFFF086  }
0x1c: {  	p1 =	slt.u32 s9, $0xF7A;
	s5 =	simm.s32 @!p2 $0x0  }
0x1d: {  	s5 =	simm.s32 @p1 $0x1;
	p0 =	seq.s32 s7, s2  }
0x1e: {  	s7 =	smul.u32 @!p0 $0xF7A, s2;
	p2 =	seq.s32 @!p0 s5, $0x0  }
0x1f: {  	s9 =	smul.u32 $0xF7A, s1;
	s8 =	simm.s32 @!p0 $0x1BF5;
	p2 =	por !p2, p0  }
0x20: {  	[sflag:s8] =	ssyncset.s32 @!p0 $0xFFFFF086;
	s6 =	sadd.s32 @!p0 s3, s7;
	s7 =	simm.s32 @!p0 $0x108  }
0x21: {  	s3 =	sadd.s32 s3, s9;
	s6 =	sadd.s32 @!p0 $0x88, s6;
	s7 =	simm.s32 @p2 $0x1082  }
0x22: {  	[simem:s7], [sflag:s8] =	dma.local @!p0 [hbm:s6], $0xF7A  }
0x23: {  	s9 =	sor.u32 $0xD0000000, s2;
	s6 =	simm.s32 $0x108;
	_ =	swait.ge @!p0 [sflag:s8], $0x0  }
0x24: {  	s3 =	sadd.s32 $0x88, s3;
	s6 =	simm.s32 @!p1 $0x1082;
	[sflag:s4] =	ssyncset.s32 $0xFFFFF086  }
0x25: {  	[simem:s6], [sflag:s4] =	dma.local [hbm:s3], $0xF7A  }
0x26: {  	[smem:$0x3F9B] =	sst s1;
	(tag) =	ssettag s2;
	_ =	strace s9  }
0x27: {  	s1 =	sld [smem:$0x3FAB]  }
0x28: {  	s2 =	sld [smem:$0x3FAC]  }
0x29: {  	s4 =	sld [smem:$0x3FAE]  }
0x2a: {  	p0 =	seq.s32 s5, $0x0;
	s5 =	sld [smem:$0x3FAF]  }
0x2b: {  	s6 =	sld [smem:$0x3FB0]  }
0x2c: {  	s7 =	sld [smem:$0x3FB1]  }
0x2d: {  	s3 =	simm.s32 $0x108;
	s8 =	sld [smem:$0x3FB2]  }
0x2e: {  	s3 =	simm.s32 @!p0 $0x1082;
	s9 =	sld [smem:$0x3FB3]  }
0x2f: {  	lr =	sadd.s32 s0, s3;
	s0 =	sld [smem:$0x3FAA]  }
0x30: {  	s3 =	sld [smem:$0x3FAD]  }
0x31: {  	[smem:$0x3FB6] =	sst s10  }
0x32: {  	s10 =	sld [smem:$0x3FB4];
	_ =	sdelay $0x3  }
0x33: {  	p0 =	seq.s32 s10, $0x1;
	s10 =	sld [smem:$0x3FB6];
	_ =	sdelay $0x3  }
0x34: {  	[smem:$0x3FB6] =	sst s10  }
0x35: {  	s10 =	sld [smem:$0x3FB5];
	_ =	sdelay $0x3  }
0x36: {  	p1 =	seq.s32 s10, $0x1;
	s10 =	sld [smem:$0x3FB6];
	_ =	sdelay $0x3  }
0x37: {  	[smem:$0x3FB6] =	sst s10  }
0x38: {  	s10 =	sld [smem:$0x3FB7]  }
0x39: {  	_ = 	snop;
	(pc) =	sbr.ind lr, $3  }
0x3a: {  	_ = 	snop  }
0x3b: {  	_ = 	snop  }
0x3c: {  	p2 =	seq.s32 s10, $0x1;
	s10 =	sld [smem:$0x3FB6]  }
0x3d: {  	_ =	shalt  }
0x3e: {  	_ =	shalt  }
0x3f: {  	_ =	shalt  }
0x40: {  	_ =	shalt  }
0x41: {  	_ =	shalt  }
0x42: {  	_ =	shalt  }
0x43: {  	_ =	shalt  }
0x44: {  	_ =	shalt  }
0x45: {  	_ =	shalt  }
0x46: {  	_ =	shalt  }
0x47: {  	_ =	shalt  }
0x48: {  	_ =	shalt  }
0x49: {  	_ =	shalt  }
0x4a: {  	_ =	shalt  }
0x4b: {  	_ =	shalt  }
0x4c: {  	_ =	shalt  }
0x4d: {  	_ =	shalt  }
0x4e: {  	_ =	shalt  }
0x4f: {  	_ =	shalt  }
0x50: {  	_ =	shalt  }
0x51: {  	_ =	shalt  }
0x52: {  	_ =	shalt  }
0x53: {  	_ =	shalt  }
0x54: {  	_ =	shalt  }
0x55: {  	_ =	shalt  }
0x56: {  	_ =	shalt  }
0x57: {  	_ =	shalt  }
0x58: {  	_ =	shalt  }
0x59: {  	_ =	shalt  }
0x5a: {  	_ =	shalt  }
0x5b: {  	_ =	shalt  }
0x5c: {  	_ =	shalt  }
0x5d: {  	_ =	shalt  }
0x5e: {  	_ =	shalt  }
0x5f: {  	_ =	shalt  }
0x60: {  	_ =	shalt  }
0x61: {  	_ =	shalt  }
0x62: {  	_ =	shalt  }
0x63: {  	_ =	shalt  }
0x64: {  	_ =	shalt  }
0x65: {  	_ =	shalt  }
0x66: {  	_ =	shalt  }
0x67: {  	_ =	shalt  }
0x68: {  	_ =	shalt  }
0x69: {  	_ =	shalt  }
0x6a: {  	_ =	shalt  }
0x6b: {  	_ =	shalt  }
0x6c: {  	_ =	shalt  }
0x6d: {  	_ =	shalt  }
0x6e: {  	_ =	shalt  }
0x6f: {  	_ =	shalt  }
0x70: {  	_ =	shalt  }
0x71: {  	_ =	shalt  }
0x72: {  	_ =	shalt  }
0x73: {  	_ =	shalt  }
0x74: {  	_ =	shalt  }
0x75: {  	_ =	shalt  }
0x76: {  	_ =	shalt  }
0x77: {  	_ =	shalt  }
0x78: {  	_ =	shalt  }
0x79: {  	_ =	shalt  }
0x7a: {  	_ =	shalt  }
0x7b: {  	_ =	shalt  }
0x7c: {  	_ =	shalt  }
0x7d: {  	_ =	shalt  }
0x7e: {  	_ =	shalt  }
0x7f: {  	_ =	shalt  }
0x80: {  	_ =	shalt  }
0x81: {  	_ =	shalt  }
0x82: {  	_ =	shalt  }
0x83: {  	_ =	shalt  }
0x84: {  	_ =	shalt  }
0x85: {  	_ =	shalt  }
0x86: {  	_ =	shalt  }
0x87: {  	_ =	shalt  }
.Lfunc_end0:
.L_simem_size_0:
called_computation.2_lowered:
.L_overlay_start_0:
0x88: {  	s2 =	sld [smem:$0x3FD9]  }
0x89: {  	s3 =	sld [smem:$0x3FFE];
	_ =	sdelay $0x1  }
0x8a: {  	s1 =	srdreg.scid  }
0x8b: {  	s0 =	sand.u32 $0x1, s1  }
0x8c: {  	s14 =	sshll.u32 s0, $0xA;
	s2 =	sadd.s32 s3, s2  }
0x8d: {  	s2 =	sadd.s32 s2, s14  }
0x8e: {  	[smem:$0x3FC2] =	sst s2  }
0x8f: {  	_ = 	snop  }
0x90: {  	s2 =	sld [smem:$0x3FD0];
	_ =	sdelay $0x2  }
0x91: {  	s15 =	simm.s32 $0xA;
	s4 =	simm.s32 $0x10  }
0x92: {  	[smem:s4], [sflag:s15] =	dma.local [hbm:s2], $0x1  }
0x93: {  	_ =	swait.eq [sflag:s15], $0x1  }
0x94: {  	[sflag:s15] =	ssyncset.done $0x0  }
0x95: {  	[sflag:s15] =	ssyncadd.s32 $0xFFFFFFFF  }
0x96: {  	s16 =	sld [smem:$0x10];
	(tm) =	ssettm $0x1  }
0x97: {  	s17 =	sld [smem:$0x3FFB];
	_ =	sdelay $0x3  }
0x98: {  	_ =	strace s17  }
0x99: {  	s3 =	sld [smem:$0x3FFC];
	_ =	sdelay $0x3  }
0x9a: {  	_ =	strace s3  }
0x9b: {  	s3 =	sld [smem:$0x3FFD];
	_ =	sdelay $0x3  }
0x9c: {  	_ =	strace s3  }
0x9d: {  	_ =	strace $0x8FFFFFFF  }
0x9e: {  	s18 =	sld [smem:$0x3FDB];
	_ =	sdelay $0x1  }
0x9f: {  	s19 =	simm.s32 $_scs_section_size  }
0xa0: {  	s5 =	simm.s32 $_size__tile_overlayer_lowered;
	s6 =	simm.s32 $_tile_overlayer_lowered  }
0xa1: {  	s22 =	simm.s32 $0x1BFF;
	s21 =	sshll.u32 s6, $0x1;
	s3 =	sadd.s32 s19, s18  }
0xa2: {  	s7 =	simm.s32 $0x0;
	s20 =	sshll.u32 s5, $0x1;
	s5 =	sadd.s32 s21, s3  }
0xa3: {  	[timem:s7], [sflag:s22] =	dma.local [hbm:s5], s20  }
0xa4: {  	_ =	swait.ge [sflag:s22], s20  }
0xa5: {  	s4 =	ssub.s32 $0x0, s20;
	[sflag:s22] =	ssyncset.done $0x0  }
0xa6: {  	[sflag:s22] =	ssyncadd.s32 s4;
	_ =	sdelay $0x1  }
0xa7: {  	s23 =	simm.s32 $0x1B8B  }
0xa8: {  	_ =	swait.ge [sflag:s23], $0x1  }
0xa9: {  	[sflag:s23] =	ssyncset.done $0x0  }
0xaa: {  	s25 =	simm.s32 $0x1B8E;
	s24 =	sld [smem:$0x3FFE];
	[sflag:s23] =	ssyncadd.s32 $0xFFFFFFFF  }
0xab: {  	s26 =	simm.s32 $execute0_lowered;
	[smem:$0x3FD2] =	sst s25  }
0xac: {  	s5 =	sshll.u32 s26, $0x1;
	_ =	strace $0x8000004C;
	[dreg:$0x1] =	wrdreg $0xFFFFFFFF  }
0xad: {  	s28 =	simm.s32 $_size_execute0_lowered;
	s3 =	sadd.s32 s3, s5;
	[dreg:$0x0] =	wrdreg $0x0  }
0xae: {  	s5 =	sshll.u32 s28, $0x1;
	[dreg:$0x2] =	wrdreg s3  }
0xaf: {  	[dreg:$0x3] =	wrdreg s5  }
0xb0: {  	[dreg:$0x4] =	wrdreg $0xC0  }
0xb1: {  	_ =	task [dreg:s7], $0x5FFFF  }
0xb2: {  	[dreg:$0x1] =	wrdreg $0xFFFFFFFF  }
0xb3: {  	[dreg:$0x0] =	wrdreg $0x60  }
0xb4: {  	[dreg:$0x2] =	wrdreg s24  }
0xb5: {  	[dreg:$0x3] =	wrdreg s16  }
0xb6: {  	[dreg:$0x4] =	wrdreg $0x9  }
0xb7: {  	_ =	task.clear_ibuf [dreg:s7], $0x5FFFF;
	_ =	strace $0x9000004C  }
0xb8: {  	s29 =	simm.s32 $0x9;
	_ =	strace $0x8000004E  }
0xb9: {  	_ =	swait.ge [sflag:s29], $0x1  }
0xba: {  	[sflag:s29] =	ssyncadd.s32 $0xFFFFFFFF  }
0xbb: {  	_ =	strace $0x9000004E  }
0xbc: {  	_ =	sfence  }
0xbd: {  	s30 =	sld [smem:$0x0];
	_ =	sdelay $0x2  }
0xbe: {  	s31 =	sshll.u32 s1, $0xD;
	s1 =	sshrl.u32 s1, $0x2  }
0xbf: {  	s3 =	sand.u32 $0x4000, s31;
	s1 =	sadd.s32 s1, s30  }
0xc0: {  	s0 =	sor.u32 s3, s0;
	s1 =	sshll.u32 s1, $0x11  }
0xc1: {  	s0 =	sor.u32 s1, s0  }
0xc2: {  	s0 =	sadd.s32 $0x8F2B, s0  }
0xc3: {  	[sflag:s0] =	ssyncadd.remote.s32 $0x1  }
0xc4: {  	_ =	sfence.sel $0xFFFF  }
0xc5: {  	[dreg:$0x0] =	wrdreg $0xFFFFFFFF;
	(pc) =	sbr.abs _section_cstart, $3  }
0xc6: {  	[dreg:$0x1] =	wrdreg $0xFFFFFFFF  }
0xc7: {  	_ =	task.clear_ibuf [dreg:s7], $0x2FFFF;
	_ =	strace $0x9FFFFFFF  }
0xc8: {  	(tm) =	ssettm $0x7FFFFFFF  }
0xc9: {  	_ =	shalt  }
tec
execute0_lowered:
.L_overlay_start_1:
0x0: {  	(tag) =	ssettag $0x1  }
0x1: {  	s0 =	rddreg [dreg:$0x0]  }
0x2: {  	s1 =	simm.s32 $0x0;
	s29 =	srdreg.scid;
	s6 =	stileid.u32  }
0x3: {  	s12 =	simm.s32 $0x2;
	s13 =	simm.s32 $0x80;
	s30 =	simm.s32 $0x1  }
0x4: {  	s14 =	simm.s32 $0xB080;
	s15 =	simm.s32 $0xB880;
	s16 =	simm.s32 $0xC080  }
0x5: {  	s17 =	simm.s32 $0xC880;
	s18 =	simm.s32 $0xD080;
	s19 =	simm.s32 $0xD880  }
0x6: {  	s20 =	simm.s32 $0xE080;
	s21 =	simm.s32 $0xE880;
	s22 =	simm.s32 $0xF080  }
0x7: {  	s23 =	simm.s32 $0xF880;
	[smem:$0x7FF] =	sst s1;
	s4 =	sadd.s32 $0x102E00, s0  }
0x8: {  	s1 =	sand.u32 $0x1, s29;
	s5 =	sadd.s32 $0x2C00, s0;
	s6 =	sshll.u32 s6, $0x7  }
0x9: {  	s7 =	sadd.s32 $0x102F00, s0;
	s8 =	sadd.s32 $0x103000, s0;
	s2 =	ssub.s32 $0x2, s1  }
0xa: {  	s9 =	sadd.s32 $0x103100, s0;
	s10 =	sadd.s32 $0x2D00, s0;
	s3 =	sshrl.u32 s2, $0x1  }
0xb: {  	v2 =	vlaneseq.u32;
	_ =	strace $0x8000004D;
	s1 =	sshll.u32 s1, $0x6;
	s2 =	ssub.s32 s2, s3  }
0xc: {  	vm0 =	vmmov $0xffff;
	v1 =	vshrl.u32 v2, $0x3;
	s6 =	sor.u32 s1, s6;
	s1 =	simm.s32 $0xA080;
	s31 =	smax.u32 s2, $0x1  }
0xd: {  	v0 =	vand.u32 $0x7, v2;
	v2 =	vor.u32 $0x8, v2;
	v1 =	vmul.u32 $0x8, v1;
	s3 =	simm.s32 $0x0;
	s2 =	simm.s32 $0xA880;
	[dreg:$0x3] =	wrdreg s31  }
.LBB2_1:
0xe: {  	[dreg:$0x4] =	wrdreg s3;
	p0 =	por $0x1, $0x1;
	s0 =	simm.s32 $0x0  }
.LBB2_2:
0xf: {  	s24 =	sor.u32 s6, s0  }
0x10: {  	s0 =	sshrl.u32 s24, $0x3  }
0x11: {  	s25 =	simm.s32 $0x0;
	s3 =	sadd.s32 s5, s0  }
0x12: {  	[tilespmem:s25], [sflag:$0x2] =	stream.linear.gather [hbm4b:s3+s25], $0x20, $0x38;
	[tilespmem:$0x10080] =	vst v63  }
0x13: {  	_ =	swait.ge [sflag:s12], $0x20  }
0x14: {  	[sflag:s12] =	ssyncset.done $0x0  }
0x15: {  	[sflag:s12] =	ssyncadd.s32 $0xFFFFFFE0  }
0x16: {  	v3 =	vld [tilespmem:$0x0];
	_ =	sdelay $0x4  }
0x17: {  	v4 =	vshll.u32 v3, $0x3  }
0x18: {  	v3 =	vand.u32 $0x7, v3;
	v4 =	vand.u32 $0xFFFFFFC0, v4  }
0x19: {  	v3 =	vor.u32 v3, v4  }
0x1a: {  	v4 =	vperm.xlane v3, v0;
	_ =	sdelay $0x1  }
0x1b: {  	v4 =	vadd.s32 v1, v4;
	_ =	sdelay $0x4  }
0x1c: {  	[tilespmem:s13], [sflag:$0x1] =	stream.indirect_vreg.gather [hbm4b:s4+s25], $0x80, v4, vm0, $0xb8;
	[tilespmem:$0x10080] =	vst v63  }
0x1d: {  	s26 =	simm.s32 $0x880;
	v3 =	vperm.xlane v3, v2  }
0x1e: {  	[tilespmem:s26], [sflag:$0x1] =	stream.indirect_vreg.gather [hbm4b:s7+s25], $0x80, v4, vm0, $0xb8;
	[tilespmem:$0x10080] =	vst v63  }
0x1f: {  	s11 =	simm.s32 $0x1080;
	v3 =	vadd.s32 v1, v3  }
0x20: {  	[tilespmem:s11], [sflag:$0x1] =	stream.indirect_vreg.gather [hbm4b:s8+s25], $0x80, v4, vm0, $0xb8;
	[tilespmem:$0x10080] =	vst v63  }
0x21: {  	s26 =	simm.s32 $0x1880  }
0x22: {  	[tilespmem:s26], [sflag:$0x1] =	stream.indirect_vreg.gather [hbm4b:s9+s25], $0x80, v4, vm0, $0xb8;
	[tilespmem:$0x10080] =	vst v63  }
0x23: {  	s11 =	simm.s32 $0x2080  }
0x24: {  	[tilespmem:s11], [sflag:$0x1] =	stream.indirect_vreg.gather [hbm4b:s4+s25], $0x80, v3, vm0, $0xb8;
	[tilespmem:$0x10080] =	vst v63  }
0x25: {  	s26 =	simm.s32 $0x2880  }
0x26: {  	[tilespmem:s26], [sflag:$0x1] =	stream.indirect_vreg.gather [hbm4b:s7+s25], $0x80, v3, vm0, $0xb8;
	[tilespmem:$0x10080] =	vst v63  }
0x27: {  	s11 =	simm.s32 $0x3080  }
0x28: {  	[tilespmem:s11], [sflag:$0x1] =	stream.indirect_vreg.gather [hbm4b:s8+s25], $0x80, v3, vm0, $0xb8;
	[tilespmem:$0x10080] =	vst v63  }
0x29: {  	s26 =	simm.s32 $0x3880  }
0x2a: {  	[tilespmem:s26], [sflag:$0x1] =	stream.indirect_vreg.gather [hbm4b:s9+s25], $0x80, v3, vm0, $0xb8;
	[tilespmem:$0x10080] =	vst v63  }
0x2b: {  	v3 =	vld [tilespmem:$0x10];
	_ =	sdelay $0x4  }
0x2c: {  	v4 =	vshll.u32 v3, $0x3  }
0x2d: {  	v3 =	vand.u32 $0x7, v3;
	v4 =	vand.u32 $0xFFFFFFC0, v4  }
0x2e: {  	v3 =	vor.u32 v3, v4  }
0x2f: {  	v4 =	vperm.xlane v3, v0;
	_ =	sdelay $0x1  }
0x30: {  	v4 =	vadd.s32 v1, v4;
	_ =	sdelay $0x3  }
0x31: {  	s11 =	simm.s32 $0x4080  }
0x32: {  	[tilespmem:s11], [sflag:$0x1] =	stream.indirect_vreg.gather [hbm4b:s4+s25], $0x80, v4, vm0, $0xb8;
	[tilespmem:$0x10080] =	vst v63  }
0x33: {  	s26 =	simm.s32 $0x4880;
	v3 =	vperm.xlane v3, v2  }
0x34: {  	[tilespmem:s26], [sflag:$0x1] =	stream.indirect_vreg.gather [hbm4b:s7+s25], $0x80, v4, vm0, $0xb8;
	[tilespmem:$0x10080] =	vst v63  }
0x35: {  	v3 =	vadd.s32 v1, v3;
	s11 =	simm.s32 $0x5080  }
0x36: {  	[tilespmem:s11], [sflag:$0x1] =	stream.indirect_vreg.gather [hbm4b:s8+s25], $0x80, v4, vm0, $0xb8;
	[tilespmem:$0x10080] =	vst v63  }
0x37: {  	s26 =	simm.s32 $0x5880  }
0x38: {  	[tilespmem:s26], [sflag:$0x1] =	stream.indirect_vreg.gather [hbm4b:s9+s25], $0x80, v4, vm0, $0xb8;
	[tilespmem:$0x10080] =	vst v63  }
0x39: {  	s11 =	simm.s32 $0x6080  }
0x3a: {  	[tilespmem:s11], [sflag:$0x1] =	stream.indirect_vreg.gather [hbm4b:s4+s25], $0x80, v3, vm0, $0xb8;
	[tilespmem:$0x10080] =	vst v63  }
0x3b: {  	s26 =	simm.s32 $0x6880  }
0x3c: {  	[tilespmem:s26], [sflag:$0x1] =	stream.indirect_vreg.gather [hbm4b:s7+s25], $0x80, v3, vm0, $0xb8;
	[tilespmem:$0x10080] =	vst v63  }
0x3d: {  	s11 =	simm.s32 $0x7080  }
0x3e: {  	[tilespmem:s11], [sflag:$0x1] =	stream.indirect_vreg.gather [hbm4b:s8+s25], $0x80, v3, vm0, $0xb8;
	[tilespmem:$0x10080] =	vst v63  }
0x3f: {  	s26 =	simm.s32 $0x7880  }
0x40: {  	[tilespmem:s26], [sflag:$0x1] =	stream.indirect_vreg.gather [hbm4b:s9+s25], $0x80, v3, vm0, $0xb8;
	[tilespmem:$0x10080] =	vst v63  }
0x41: {  	_ =	swait.ge [sflag:s30], $0x8000  }
0x42: {  	[sflag:s30] =	ssyncset.done $0x0  }
0x43: {  	s0 =	sadd.s32 s0, s10;
	[sflag:s30] =	ssyncadd.s32 $0xFFFF8000  }
0x44: {  	[tilespmem:s25], [sflag:$0x2] =	stream.linear.gather [hbm4b:s0+s25], $0x20, $0x38;
	[tilespmem:$0x10080] =	vst v63  }
0x45: {  	_ =	swait.ge [sflag:s12], $0x20  }
0x46: {  	[sflag:s12] =	ssyncset.done $0x0  }
0x47: {  	[sflag:s12] =	ssyncadd.s32 $0xFFFFFFE0  }
0x48: {  	v3 =	vld [tilespmem:$0x0];
	_ =	sdelay $0x4  }
0x49: {  	v4 =	vshll.u32 v3, $0x3  }
0x4a: {  	v3 =	vand.u32 $0x7, v3;
	v4 =	vand.u32 $0xFFFFFFC0, v4  }
0x4b: {  	v3 =	vor.u32 v3, v4  }
0x4c: {  	v4 =	vperm.xlane v3, v0;
	_ =	sdelay $0x1  }
0x4d: {  	v4 =	vadd.s32 v1, v4;
	_ =	sdelay $0x3  }
0x4e: {  	s3 =	simm.s32 $0x8080  }
0x4f: {  	[tilespmem:s3], [sflag:$0x1] =	stream.indirect_vreg.gather [hbm4b:s4+s25], $0x80, v4, vm0, $0xb8;
	[tilespmem:$0x10080] =	vst v63  }
0x50: {  	s11 =	simm.s32 $0x8880;
	v3 =	vperm.xlane v3, v2  }
0x51: {  	[tilespmem:s11], [sflag:$0x1] =	stream.indirect_vreg.gather [hbm4b:s7+s25], $0x80, v4, vm0, $0xb8;
	[tilespmem:$0x10080] =	vst v63  }
0x52: {  	s26 =	simm.s32 $0x9080;
	v3 =	vadd.s32 v1, v3  }
0x53: {  	[tilespmem:s26], [sflag:$0x1] =	stream.indirect_vreg.gather [hbm4b:s8+s25], $0x80, v4, vm0, $0xb8;
	[tilespmem:$0x10080] =	vst v63  }
0x54: {  	s3 =	simm.s32 $0x9880  }
0x55: {  	[tilespmem:s3], [sflag:$0x1] =	stream.indirect_vreg.gather [hbm4b:s9+s25], $0x80, v4, vm0, $0xb8;
	[tilespmem:$0x10080] =	vst v63  }
0x56: {  	_ = 	snop  }
0x57: {  	[tilespmem:s1], [sflag:$0x1] =	stream.indirect_vreg.gather [hbm4b:s4+s25], $0x80, v3, vm0, $0xb8;
	[tilespmem:$0x10080] =	vst v63  }
0x58: {  	_ = 	snop  }
0x59: {  	[tilespmem:s2], [sflag:$0x1] =	stream.indirect_vreg.gather [hbm4b:s7+s25], $0x80, v3, vm0, $0xb8;
	[tilespmem:$0x10080] =	vst v63  }
0x5a: {  	_ = 	snop  }
0x5b: {  	[tilespmem:s14], [sflag:$0x1] =	stream.indirect_vreg.gather [hbm4b:s8+s25], $0x80, v3, vm0, $0xb8;
	[tilespmem:$0x10080] =	vst v63  }
0x5c: {  	_ = 	snop  }
0x5d: {  	[tilespmem:s15], [sflag:$0x1] =	stream.indirect_vreg.gather [hbm4b:s9+s25], $0x80, v3, vm0, $0xb8;
	[tilespmem:$0x10080] =	vst v63  }
0x5e: {  	v3 =	vld [tilespmem:$0x10];
	_ =	sdelay $0x4  }
0x5f: {  	v4 =	vshll.u32 v3, $0x3  }
0x60: {  	v3 =	vand.u32 $0x7, v3;
	v4 =	vand.u32 $0xFFFFFFC0, v4  }
0x61: {  	v3 =	vor.u32 v3, v4  }
0x62: {  	v4 =	vperm.xlane v3, v0;
	_ =	sdelay $0x1  }
0x63: {  	v4 =	vadd.s32 v1, v4;
	_ =	sdelay $0x4  }
0x64: {  	[tilespmem:s16], [sflag:$0x1] =	stream.indirect_vreg.gather [hbm4b:s4+s25], $0x80, v4, vm0, $0xb8;
	[tilespmem:$0x10080] =	vst v63  }
0x65: {  	v3 =	vperm.xlane v3, v2  }
0x66: {  	[tilespmem:s17], [sflag:$0x1] =	stream.indirect_vreg.gather [hbm4b:s7+s25], $0x80, v4, vm0, $0xb8;
	[tilespmem:$0x10080] =	vst v63  }
0x67: {  	v3 =	vadd.s32 v1, v3  }
0x68: {  	[tilespmem:s18], [sflag:$0x1] =	stream.indirect_vreg.gather [hbm4b:s8+s25], $0x80, v4, vm0, $0xb8;
	[tilespmem:$0x10080] =	vst v63  }
0x69: {  	_ = 	snop  }
0x6a: {  	[tilespmem:s19], [sflag:$0x1] =	stream.indirect_vreg.gather [hbm4b:s9+s25], $0x80, v4, vm0, $0xb8;
	[tilespmem:$0x10080] =	vst v63  }
0x6b: {  	_ = 	snop  }
0x6c: {  	[tilespmem:s20], [sflag:$0x1] =	stream.indirect_vreg.gather [hbm4b:s4+s25], $0x80, v3, vm0, $0xb8;
	[tilespmem:$0x10080] =	vst v63  }
0x6d: {  	_ = 	snop  }
0x6e: {  	[tilespmem:s21], [sflag:$0x1] =	stream.indirect_vreg.gather [hbm4b:s7+s25], $0x80, v3, vm0, $0xb8;
	[tilespmem:$0x10080] =	vst v63  }
0x6f: {  	_ = 	snop  }
0x70: {  	[tilespmem:s22], [sflag:$0x1] =	stream.indirect_vreg.gather [hbm4b:s8+s25], $0x80, v3, vm0, $0xb8;
	[tilespmem:$0x10080] =	vst v63  }
0x71: {  	s0 =	sand.u32 $0x70, s25  }
0x72: {  	[tilespmem:s23], [sflag:$0x1] =	stream.indirect_vreg.gather [hbm4b:s9+s25], $0x80, v3, vm0, $0xb8;
	[tilespmem:$0x10080] =	vst v63  }
0x73: {  	s11 =	simm.s32 $0x0;
	s26 =	simm.s32 $0x0;
	s25 =	sand.u32 $0x1C00, s25  }
0x74: {  	s3 =	sand.u32 $0x6000, s11;
	_ =	swait.ge [sflag:s30], $0x8000;
	s0 =	sor.u32 s25, s0  }
0x75: {  	s26 =	sand.u32 $0x380, s26;
	[sflag:s30] =	ssyncset.done $0x0;
	s0 =	sor.u32 s3, s0  }
0x76: {  	[sflag:s30] =	ssyncadd.s32 $0xFFFF8000;
	s25 =	sor.u32 s26, s0  }
0x77: {  	v3 =	vld [tilespmem:s25+$0x8080]  }
0x78: {  	v4 =	vld [tilespmem:s25+$0x80]  }
0x79: {  	s31 =	simm.s32 $0x2  }
0x7a: {  	s28 =	simm.s32 $0x10;
	p1 =	por p0, p0;
	s26 =	simm.s32 $0x80  }
0x7b: {  	s11 =	simm.s32 $0x10;
	s3 =	sand.u32 $0x70, s28;
	s29 =	sand.u32 $0x1C00, s26  }
0x7c: {  	s0 =	sand.u32 $0x6000, s11;
	s3 =	sor.u32 s29, s3;
	s29 =	simm.s32 $0x2  }
.LBB2_3:
0x7d: {  	p0 =	sne.s32 s29, $0x7FF;
	s31 =	sand.u32 $0x380, s31;
	s0 =	sor.u32 s0, s3;
	v4 =	vadd.f32 v3, v4  }
0x7e: {  	s0 =	sor.u32 s31, s0  }
0x7f: {  	v3 =	vld [tilespmem:s0+$0x8080];
	[tilespmem:s25+$0x80] =	vst v4;
	s25 =	smov.u32 s0  }
.Ltmp0:
0x80: {  	v4 =	vld [tilespmem:s25+$0x80];
	(pc) =	sbr.rel @p0 .LBB2_3-.Ltmp0, $4  }
0x81: {  	_ = 	snop  }
0x82: {  	s26 =	sadd.s32 $0x80, s26;
	s28 =	sadd.s32 $0x10, s28;
	s31 =	sshll.u32 s29, $0x1  }
0x83: {  	s3 =	sand.u32 $0x70, s28;
	s11 =	sand.u32 $0x1C00, s26;
	s0 =	sshll.u32 s29, $0x4  }
0x84: {  	s3 =	sor.u32 s11, s3;
	s29 =	sadd.s32 $0x1, s29;
	s0 =	sand.u32 $0x6000, s0  }
0x85: {  	s11 =	sand.u32 $0x380, s31;
	s0 =	sor.u32 s0, s3;
	v3 =	vadd.f32 v3, v4  }
0x86: {  	s0 =	sor.u32 s11, s0  }
0x87: {  	v63 =	vld [tilespmem:s0+$0x8080];
	[tilespmem:s25+$0x80] =	vst v3  }
0x88: {  	v3 =	vld [tilespmem:s0+$0x80];
	_ =	sdelay $0x4  }
0x89: {  	v3 =	vadd.f32 v63, v3  }
0x8a: {  	s28 =	sshll.u32 s24, $0x7;
	s29 =	rddreg [dreg:$0x1]  }
.Ltmp1:
0x8b: {  	s31 =	simm.s32 $0x0;
	[tilespmem:s0+$0x80] =	vst v3;
	s0 =	sadd.s32 s29, s28;
	(pc) =	sbr.rel @p1 .LBB2_2-.Ltmp1, $4  }
0x8c: {  	[hbm4b:s0+s31] =	stream.linear.scatter [tilespmem:s13], [sflag:$0x2], $0x8000, $0x38;
	[tilespmem:$0x10080] =	vst v63  }
0x8d: {  	_ =	swait.ge [sflag:s12], $0x8000  }
0x8e: {  	[sflag:s12] =	ssyncset.done $0x0  }
0x8f: {  	p0 =	por $0x0, $0x0;
	s0 =	simm.s32 $0x20;
	[sflag:s12] =	ssyncadd.s32 $0xFFFF8000  }
0x90: {  	s3 =	rddreg [dreg:$0x4]  }
0x91: {  	s0 =	rddreg [dreg:$0x3];
	s3 =	sadd.s32 $0x1, s3  }
0x92: {  	p0 =	sne.s32 s3, s0  }
.Ltmp2:
0x93: {  	_ = 	snop;
	(pc) =	sbr.rel @p0 .LBB2_1-.Ltmp2, $1  }
0x94: {  	_ =	sdelay $0x3  }
0x95: {  	_ =	sfence.sel $0x180000  }
0x96: {  	[bflag:$0x0] =	sbarrier.arrive $0xFFFF  }
0x97: {  	_ =	strace $0x9000004D  }
0x98: {  	s0 =	stileid.u32;
	[bflag:$0x2] =	sbarrier.arrive $0xFFFF  }
0x99: {  	p0 =	sne.s32 s0, $0x0;
	s0 =	rddreg [dreg:$0x2]  }
0x9a: {  	s0 =	sadd.s32 @!p0 $0x100000, s0  }
0x9b: {  	[sflag:s0] =	ssyncadd.tile.s32 @!p0 $0x1;
	_ =	shalt  }
.Lfunc_end2:
_tile_overlayer_lowered:
.L_overlay_start_2:
0x9c: {  	(tag) =	ssettag $0x2  }
0x9d: {  	s0 =	rddreg [dreg:$0x0];
	s2 =	stileid.u32  }
0x9e: {  	s1 =	rddreg [dreg:$0x1];
	p0 =	sne.s32 s2, $0x0  }
0x9f: {  	s3 =	rddreg [dreg:$0x2];
	[bflag:$0x3] =	sbarrier.arrive $0xFFFF;
	s2 =	simm.s32 @!p0 $0x1C02  }
0xa0: {  	[timem:s3], [sflag:s2] =	dma.local @!p0 [hbm:s0], s1  }
0xa1: {  	s0 =	simm.s32 @!p0 $0x2  }
0xa2: {  	_ =	swait.ge @!p0 [sflag:s0], s1  }
0xa3: {  	s1 =	ssub.s32 @!p0 $0x0, s1;
	[sflag:s0] =	ssyncset.done @!p0 $0x0  }
0xa4: {  	[sflag:s0] =	ssyncadd.s32 @!p0 s1  }
0xa5: {  	[bflag:$0x3] =	sbarrier.arrive $0xFFFF  }
0xa6: {  	_ =	shalt  }

// kernel: kernel.8.cloned.1.call-start
scs
__scs_entry_jumppad:
0x0: {  	(pc) =	sbr.rel $0x88, $3  }
0x1: {  	(tag) =	ssettag $0x0;
	lr =	simm.s32 $0x1  }
0x2: {  	[smem:$0x3F9B] =	sst lr;
	_ =	strace $0xD0000000  }
0x3: {  	_ = 	snop  }
0x4: {  	_ = 	snop  }
0x5: {  	_ = 	snop  }
0x6: {  	_ = 	snop  }
0x7: {  	_ = 	snop  }
__scs_overlays_trampoline_lowered:
0x8: {  	[smem:$0x3FAA] =	sst s0  }
0x9: {  	[smem:$0x3FAB] =	sst s1  }
0xa: {  	[smem:$0x3FAC] =	sst s2  }
0xb: {  	[smem:$0x3FAD] =	sst s3  }
0xc: {  	[smem:$0x3FAE] =	sst s4  }
0xd: {  	[smem:$0x3FAF] =	sst s5  }
0xe: {  	[smem:$0x3FB0] =	sst s6  }
0xf: {  	[smem:$0x3FB1] =	sst s7  }
0x10: {  	[smem:$0x3FB2] =	sst s8  }
0x11: {  	[smem:$0x3FB3] =	sst s9;
	s0 =	simm.s32 @!p0 $0x0  }
0x12: {  	s1 =	sld [smem:$0x3F99];
	s0 =	simm.s32 @p0 $0x1  }
0x13: {  	[smem:$0x3FB4] =	sst s0;
	s0 =	simm.s32 @!p1 $0x0  }
0x14: {  	s2 =	sld [smem:$0x3F98];
	s0 =	simm.s32 @p1 $0x1  }
0x15: {  	[smem:$0x3FB5] =	sst s0;
	s0 =	simm.s32 @!p2 $0x0  }
0x16: {  	s3 =	sld [smem:$0x3FDB];
	s0 =	simm.s32 @p2 $0x1  }
0x17: {  	s4 =	simm.s32 $0x1BF5;
	[smem:$0x3FB7] =	sst s0  }
0x18: {  	s0 =	sld [smem:$0x3F9A];
	_ =	swait.ge [sflag:s4], $0x0  }
0x19: {  	s7 =	sld [smem:$0x3F9B]  }
0x1a: {  	s8 =	sadd.s32 $0xFFFFE003, lr  }
0x1b: {  	s9 =	sadd.s32 $0xFFFFFEF7, lr;
	s5 =	simm.s32 $0xFFFFFFFF;
	p2 =	slt.u32 s8, $0xFFFFF086  }
0x1c: {  	p1 =	slt.u32 s9, $0xF7A;
	s5 =	simm.s32 @!p2 $0x0  }
0x1d: {  	s5 =	simm.s32 @p1 $0x1;
	p0 =	seq.s32 s7, s2  }
0x1e: {  	s7 =	smul.u32 @!p0 $0xF7A, s2;
	p2 =	seq.s32 @!p0 s5, $0x0  }
0x1f: {  	s9 =	smul.u32 $0xF7A, s1;
	s8 =	simm.s32 @!p0 $0x1BF5;
	p2 =	por !p2, p0  }
0x20: {  	[sflag:s8] =	ssyncset.s32 @!p0 $0xFFFFF086;
	s6 =	sadd.s32 @!p0 s3, s7;
	s7 =	simm.s32 @!p0 $0x108  }
0x21: {  	s3 =	sadd.s32 s3, s9;
	s6 =	sadd.s32 @!p0 $0x88, s6;
	s7 =	simm.s32 @p2 $0x1082  }
0x22: {  	[simem:s7], [sflag:s8] =	dma.local @!p0 [hbm:s6], $0xF7A  }
0x23: {  	s9 =	sor.u32 $0xD0000000, s2;
	s6 =	simm.s32 $0x108;
	_ =	swait.ge @!p0 [sflag:s8], $0x0  }
0x24: {  	s3 =	sadd.s32 $0x88, s3;
	s6 =	simm.s32 @!p1 $0x1082;
	[sflag:s4] =	ssyncset.s32 $0xFFFFF086  }
0x25: {  	[simem:s6], [sflag:s4] =	dma.local [hbm:s3], $0xF7A  }
0x26: {  	[smem:$0x3F9B] =	sst s1;
	(tag) =	ssettag s2;
	_ =	strace s9  }
0x27: {  	s1 =	sld [smem:$0x3FAB]  }
0x28: {  	s2 =	sld [smem:$0x3FAC]  }
0x29: {  	s4 =	sld [smem:$0x3FAE]  }
0x2a: {  	p0 =	seq.s32 s5, $0x0;
	s5 =	sld [smem:$0x3FAF]  }
0x2b: {  	s6 =	sld [smem:$0x3FB0]  }
0x2c: {  	s7 =	sld [smem:$0x3FB1]  }
0x2d: {  	s3 =	simm.s32 $0x108;
	s8 =	sld [smem:$0x3FB2]  }
0x2e: {  	s3 =	simm.s32 @!p0 $0x1082;
	s9 =	sld [smem:$0x3FB3]  }
0x2f: {  	lr =	sadd.s32 s0, s3;
	s0 =	sld [smem:$0x3FAA]  }
0x30: {  	s3 =	sld [smem:$0x3FAD]  }
0x31: {  	[smem:$0x3FB6] =	sst s10  }
0x32: {  	s10 =	sld [smem:$0x3FB4];
	_ =	sdelay $0x3  }
0x33: {  	p0 =	seq.s32 s10, $0x1;
	s10 =	sld [smem:$0x3FB6];
	_ =	sdelay $0x3  }
0x34: {  	[smem:$0x3FB6] =	sst s10  }
0x35: {  	s10 =	sld [smem:$0x3FB5];
	_ =	sdelay $0x3  }
0x36: {  	p1 =	seq.s32 s10, $0x1;
	s10 =	sld [smem:$0x3FB6];
	_ =	sdelay $0x3  }
0x37: {  	[smem:$0x3FB6] =	sst s10  }
0x38: {  	s10 =	sld [smem:$0x3FB7]  }
0x39: {  	_ = 	snop;
	(pc) =	sbr.ind lr, $3  }
0x3a: {  	_ = 	snop  }
0x3b: {  	_ = 	snop  }
0x3c: {  	p2 =	seq.s32 s10, $0x1;
	s10 =	sld [smem:$0x3FB6]  }
0x3d: {  	_ =	shalt  }
0x3e: {  	_ =	shalt  }
0x3f: {  	_ =	shalt  }
0x40: {  	_ =	shalt  }
0x41: {  	_ =	shalt  }
0x42: {  	_ =	shalt  }
0x43: {  	_ =	shalt  }
0x44: {  	_ =	shalt  }
0x45: {  	_ =	shalt  }
0x46: {  	_ =	shalt  }
0x47: {  	_ =	shalt  }
0x48: {  	_ =	shalt  }
0x49: {  	_ =	shalt  }
0x4a: {  	_ =	shalt  }
0x4b: {  	_ =	shalt  }
0x4c: {  	_ =	shalt  }
0x4d: {  	_ =	shalt  }
0x4e: {  	_ =	shalt  }
0x4f: {  	_ =	shalt  }
0x50: {  	_ =	shalt  }
0x51: {  	_ =	shalt  }
0x52: {  	_ =	shalt  }
0x53: {  	_ =	shalt  }
0x54: {  	_ =	shalt  }
0x55: {  	_ =	shalt  }
0x56: {  	_ =	shalt  }
0x57: {  	_ =	shalt  }
0x58: {  	_ =	shalt  }
0x59: {  	_ =	shalt  }
0x5a: {  	_ =	shalt  }
0x5b: {  	_ =	shalt  }
0x5c: {  	_ =	shalt  }
0x5d: {  	_ =	shalt  }
0x5e: {  	_ =	shalt  }
0x5f: {  	_ =	shalt  }
0x60: {  	_ =	shalt  }
0x61: {  	_ =	shalt  }
0x62: {  	_ =	shalt  }
0x63: {  	_ =	shalt  }
0x64: {  	_ =	shalt  }
0x65: {  	_ =	shalt  }
0x66: {  	_ =	shalt  }
0x67: {  	_ =	shalt  }
0x68: {  	_ =	shalt  }
0x69: {  	_ =	shalt  }
0x6a: {  	_ =	shalt  }
0x6b: {  	_ =	shalt  }
0x6c: {  	_ =	shalt  }
0x6d: {  	_ =	shalt  }
0x6e: {  	_ =	shalt  }
0x6f: {  	_ =	shalt  }
0x70: {  	_ =	shalt  }
0x71: {  	_ =	shalt  }
0x72: {  	_ =	shalt  }
0x73: {  	_ =	shalt  }
0x74: {  	_ =	shalt  }
0x75: {  	_ =	shalt  }
0x76: {  	_ =	shalt  }
0x77: {  	_ =	shalt  }
0x78: {  	_ =	shalt  }
0x79: {  	_ =	shalt  }
0x7a: {  	_ =	shalt  }
0x7b: {  	_ =	shalt  }
0x7c: {  	_ =	shalt  }
0x7d: {  	_ =	shalt  }
0x7e: {  	_ =	shalt  }
0x7f: {  	_ =	shalt  }
0x80: {  	_ =	shalt  }
0x81: {  	_ =	shalt  }
0x82: {  	_ =	shalt  }
0x83: {  	_ =	shalt  }
0x84: {  	_ =	shalt  }
0x85: {  	_ =	shalt  }
0x86: {  	_ =	shalt  }
0x87: {  	_ =	shalt  }
.Lfunc_end0:
.L_simem_size_0:
called_computation_lowered:
.L_overlay_start_0:
0x88: {  	s2 =	sld [smem:$0x3FD9]  }
0x89: {  	s3 =	sld [smem:$0x3FFE];
	_ =	sdelay $0x1  }
0x8a: {  	s1 =	srdreg.scid  }
0x8b: {  	s0 =	sand.u32 $0x1, s1  }
0x8c: {  	s14 =	sshll.u32 s0, $0xA;
	s2 =	sadd.s32 s3, s2  }
0x8d: {  	s2 =	sadd.s32 s2, s14  }
0x8e: {  	[smem:$0x3FC2] =	sst s2  }
0x8f: {  	_ = 	snop  }
0x90: {  	s2 =	sld [smem:$0x3FD0];
	_ =	sdelay $0x2  }
0x91: {  	s15 =	simm.s32 $0xA;
	s4 =	simm.s32 $0x10  }
0x92: {  	[smem:s4], [sflag:s15] =	dma.local [hbm:s2], $0x1  }
0x93: {  	_ =	swait.eq [sflag:s15], $0x1  }
0x94: {  	[sflag:s15] =	ssyncset.done $0x0  }
0x95: {  	[sflag:s15] =	ssyncadd.s32 $0xFFFFFFFF  }
0x96: {  	s16 =	sld [smem:$0x10];
	(tm) =	ssettm $0x1  }
0x97: {  	s17 =	sld [smem:$0x3FFB];
	_ =	sdelay $0x3  }
0x98: {  	_ =	strace s17  }
0x99: {  	s3 =	sld [smem:$0x3FFC];
	_ =	sdelay $0x3  }
0x9a: {  	_ =	strace s3  }
0x9b: {  	s3 =	sld [smem:$0x3FFD];
	_ =	sdelay $0x3  }
0x9c: {  	_ =	strace s3  }
0x9d: {  	_ =	strace $0x8FFFFFFF  }
0x9e: {  	s18 =	sld [smem:$0x3FDB];
	_ =	sdelay $0x1  }
0x9f: {  	s19 =	simm.s32 $_scs_section_size  }
0xa0: {  	s5 =	simm.s32 $_size__tile_overlayer_lowered;
	s6 =	simm.s32 $_tile_overlayer_lowered  }
0xa1: {  	s22 =	simm.s32 $0x1BFF;
	s21 =	sshll.u32 s6, $0x1;
	s3 =	sadd.s32 s19, s18  }
0xa2: {  	s7 =	simm.s32 $0x0;
	s20 =	sshll.u32 s5, $0x1;
	s5 =	sadd.s32 s21, s3  }
0xa3: {  	[timem:s7], [sflag:s22] =	dma.local [hbm:s5], s20  }
0xa4: {  	_ =	swait.ge [sflag:s22], s20  }
0xa5: {  	s4 =	ssub.s32 $0x0, s20;
	[sflag:s22] =	ssyncset.done $0x0  }
0xa6: {  	[sflag:s22] =	ssyncadd.s32 s4;
	_ =	sdelay $0x1  }
0xa7: {  	s23 =	simm.s32 $0x1B8B  }
0xa8: {  	_ =	swait.ge [sflag:s23], $0x1  }
0xa9: {  	[sflag:s23] =	ssyncset.done $0x0  }
0xaa: {  	s25 =	simm.s32 $0x1B8E;
	s24 =	sld [smem:$0x3FFE];
	[sflag:s23] =	ssyncadd.s32 $0xFFFFFFFF  }
0xab: {  	s26 =	simm.s32 $execute0_lowered;
	[smem:$0x3FD2] =	sst s25  }
0xac: {  	s5 =	sshll.u32 s26, $0x1;
	_ =	strace $0x80000046;
	[dreg:$0x1] =	wrdreg $0xFFFFFFFF  }
0xad: {  	s28 =	simm.s32 $_size_execute0_lowered;
	s3 =	sadd.s32 s3, s5;
	[dreg:$0x0] =	wrdreg $0x0  }
0xae: {  	s5 =	sshll.u32 s28, $0x1;
	[dreg:$0x2] =	wrdreg s3  }
0xaf: {  	[dreg:$0x3] =	wrdreg s5  }
0xb0: {  	[dreg:$0x4] =	wrdreg $0xC0  }
0xb1: {  	_ =	task [dreg:s7], $0x5FFFF  }
0xb2: {  	[dreg:$0x1] =	wrdreg $0xFFFFFFFF  }
0xb3: {  	[dreg:$0x0] =	wrdreg $0x60  }
0xb4: {  	[dreg:$0x2] =	wrdreg s24  }
0xb5: {  	[dreg:$0x3] =	wrdreg s16  }
0xb6: {  	[dreg:$0x4] =	wrdreg $0x9  }
0xb7: {  	_ =	task.clear_ibuf [dreg:s7], $0x5FFFF;
	_ =	strace $0x90000046  }
0xb8: {  	s29 =	simm.s32 $0x9;
	_ =	strace $0x80000048  }
0xb9: {  	_ =	swait.ge [sflag:s29], $0x1  }
0xba: {  	[sflag:s29] =	ssyncadd.s32 $0xFFFFFFFF  }
0xbb: {  	_ =	strace $0x90000048  }
0xbc: {  	_ =	sfence  }
0xbd: {  	s30 =	sld [smem:$0x0];
	_ =	sdelay $0x2  }
0xbe: {  	s31 =	sshll.u32 s1, $0xD;
	s1 =	sshrl.u32 s1, $0x2  }
0xbf: {  	s3 =	sand.u32 $0x4000, s31;
	s1 =	sadd.s32 s1, s30  }
0xc0: {  	s0 =	sor.u32 s3, s0;
	s1 =	sshll.u32 s1, $0x11  }
0xc1: {  	s0 =	sor.u32 s1, s0  }
0xc2: {  	s0 =	sadd.s32 $0x8F2B, s0  }
0xc3: {  	[sflag:s0] =	ssyncadd.remote.s32 $0x1  }
0xc4: {  	_ =	sfence.sel $0xFFFF  }
0xc5: {  	[dreg:$0x0] =	wrdreg $0xFFFFFFFF;
	(pc) =	sbr.abs _section_cstart, $3  }
0xc6: {  	[dreg:$0x1] =	wrdreg $0xFFFFFFFF  }
0xc7: {  	_ =	task.clear_ibuf [dreg:s7], $0x2FFFF;
	_ =	strace $0x9FFFFFFF  }
0xc8: {  	(tm) =	ssettm $0x7FFFFFFF  }
0xc9: {  	_ =	shalt  }
tec
execute0_lowered:
.L_overlay_start_1:
0x0: {  	(tag) =	ssettag $0x1  }
0x1: {  	s0 =	srdreg.scid  }
0x2: {  	s3 =	sand.u32 $0x1, s0;
	s0 =	stileid.u32  }
0x3: {  	s4 =	sshll.u32 s0, $0x1;
	s5 =	ssub.s32 $0x0, s3  }
0x4: {  	p0 =	sne.s32 s4, s5  }
.Ltmp0:
0x5: {  	_ = 	snop;
	(pc) =	sbr.rel @p0 .LBB2_9-.Ltmp0, $4  }
0x6: {  	_ = 	snop  }
0x7: {  	s7 =	rddreg [dreg:$0x0]  }
0x8: {  	s2 =	rddreg [dreg:$0x1]  }
0x9: {  	s1 =	rddreg [dreg:$0x2];
	_ =	strace $0x80000047  }
0xa: {  	s8 =	ssub.s32 $0x2, s3  }
0xb: {  	s3 =	sadd.s32 $0x2200, s7;
	s4 =	sadd.s32 $0x2400, s7;
	s5 =	sadd.s32 $0x2800, s7  }
0xc: {  	s6 =	sadd.s32 $0x2C00, s7;
	s7 =	sadd.s32 $0x2600, s7;
	s10 =	simm.s32 $0x1  }
0xd: {  	s11 =	simm.s32 $0x1000;
	s12 =	simm.s32 $0x7000;
	s13 =	simm.s32 $0x7100  }
0xe: {  	s14 =	simm.s32 $0x7080;
	s15 =	simm.s32 $0x2000;
	s9 =	sshrl.u32 s8, $0x1  }
0xf: {  	v0 =	vimm.s32 $0x0;
	s16 =	simm.s32 $0x4000;
	s17 =	simm.s32 $0x6000;
	s8 =	ssub.s32 s8, s9  }
0x10: {  	v1 =	vimm.s32 $0x1;
	v2 =	vimm.f32 $0.0e+00;
	v3 =	vlaneseq.u32;
	s18 =	simm.s32 $0x0;
	s9 =	simm.s32 $0x0;
	s8 =	smax.u32 s8, $0x1  }
.LBB2_2:
0x11: {  	[tilespmem:s9], [sflag:$0x1] =	stream.linear.gather [hbm4b:s3+s9], $0x1000, $0x38;
	[tilespmem:$0x7180] =	vst v63  }
0x12: {  	_ =	swait.ge [sflag:s10], $0x1000  }
0x13: {  	[sflag:s10] =	ssyncset.done $0x0  }
0x14: {  	[sflag:s10] =	ssyncadd.s32 $0xFFFFF000  }
0x15: {  	[tilespmem:s11], [sflag:$0x1] =	stream.linear.gather [hbm4b:s4+s9], $0x1000, $0x38;
	[tilespmem:$0x7180] =	vst v63  }
0x16: {  	_ =	swait.ge [sflag:s10], $0x1000  }
0x17: {  	[sflag:s10] =	ssyncset.done $0x0  }
0x18: {  	[sflag:s10] =	ssyncadd.s32 $0xFFFFF000  }
0x19: {  	s20 =	simm.s32 $0x0;
	s19 =	simm.s32 $0x40;
	[tilespmem:$0x7000] =	vst v0  }
.LBB2_3:
0x1a: {  	p0 =	sne.s32 s19, $0x3FC0;
	v4 =	vld [tilespmem:s20+$0x0];
	_ =	sdelay $0x3  }
.Ltmp1:
0x1b: {  	(pc) =	sbr.rel @p0 .LBB2_3-.Ltmp1, $2  }
0x1c: {  	_ =	sdelay $0x2  }
0x1d: {  	s20 =	sshra.s32 s19, $0x2;
	s19 =	sadd.s32 $0x40, s19;
	[tilespmem:v4+s12+$0x0] =	vst.idx.add.s32.msk $0xffff, v1  }
0x1e: {  	v4 =	vld [tilespmem:s20+$0x0];
	_ =	sdelay $0x7  }
0x1f: {  	[tilespmem:v4+s12+$0x0] =	vst.idx.add.s32.msk $0xffff, v1  }
0x20: {  	_ =	sdelay $0x7ff  }
0x21: {  	_ =	sdelay $0x20d  }
0x22: {  	v4 =	vld [tilespmem:$0x7000];
	_ =	sdelay $0x4  }
0x23: {  	v5 =	vadd.s32 $0x1FF, v4  }
0x24: {  	v5 =	vand.u32 $0xFFFFFE00, v5  }
0x25: {  	(xrf0) =	vadd.scan.msk.s32 $0xffff, v5;
	_ =	sdelay $0x5  }
0x26: {  	v6, _, _ =	vpop (xrf0)  }
0x27: {  	[tilespmem:$0x7100] =	vst v4;
	v5 =	vsub.s32 v6, v5  }
0x28: {  	s19 =	simm.s32 $0x0;
	[tilespmem:$0x7080] =	vst v5  }
0x29: {  	[hbm4b:s7+s19] =	stream.linear.scatter [tilespmem:s13], [sflag:$0x1], $0x80, $0x38;
	[tilespmem:$0x7180] =	vst v63  }
0x2a: {  	_ =	swait.ge [sflag:s10], $0x80  }
0x2b: {  	[sflag:s10] =	ssyncset.done $0x0  }
0x2c: {  	[sflag:s10] =	ssyncadd.s32 $0xFFFFFF80  }
0x2d: {  	s20 =	simm.s32 $0x0;
	[tilespmem:$0x7000] =	vst v0  }
.LBB2_5:
0x2e: {  	p0 =	sne.s32 s20, $0x7FC0  }
.Ltmp2:
0x2f: {  	_ = 	snop;
	(pc) =	sbr.rel @p0 .LBB2_5-.Ltmp2, $4  }
0x30: {  	_ = 	snop  }
0x31: {  	s21 =	sshra.s32 s20, $0x2  }
0x32: {  	[tilespmem:s21+$0x2000] =	vst v0  }
0x33: {  	s20 =	sadd.s32 $0x40, s20;
	[tilespmem:s21+$0x4000] =	vst v2  }
0x34: {  	v4 =	vld [tilespmem:s19+$0x0];
	_ =	sdelay $0x4  }
0x35: {  	(xrf1) =	vunique.msk.u32 $0xffff, v4;
	_ =	sdelay $0x9  }
0x36: {  	v5 =	vld.idx.msk [tilespmem:v4+s12+$0x0], $0xffff  }
0x37: {  	v6 =	vld.idx.msk [tilespmem:v4+s14+$0x0], $0xffff;
	_ =	sdelay $0x2  }
0x38: {  	_, v7, _ =	vpop (xrf1)  }
0x39: {  	v5 =	vadd.s32 v7, v5  }
0x3a: {  	v5 =	vadd.s32 v6, v5  }
0x3b: {  	s20 =	simm.s32 $0x1000;
	v5 =	vadd.s32 $0xFFFFFFFF, v5  }
0x3c: {  	v6 =	vld [tilespmem:s20+$0x0];
	_ =	sdelay $0x1  }
0x3d: {  	v7 =	vor.u32 s19, v3  }
0x3e: {  	v7 =	vand.u32 $0x7FF, v7  }
0x3f: {  	[tilespmem:v5+s15+$0x0] =	vst.idx.msk $0xffff, v7  }
0x40: {  	s19 =	simm.s32 $0x6000;
	[tilespmem:v5+s16+$0x0] =	vst.idx.msk $0xffff, v6  }
0x41: {  	[tilespmem:s19+$0x0] =	vst v5  }
0x42: {  	s20 =	simm.s32 $0x10;
	[tilespmem:v4+s12+$0x0] =	vst.idx.add.s32.msk $0xffff, v1  }
0x43: {  	v4 =	vld [tilespmem:s20+$0x0];
	_ =	sdelay $0x1  }
0x44: {  	s21 =	simm.s32 $0x1010  }
0x45: {  	s22 =	simm.s32 $0x20;
	s23 =	simm.s32 $0x10;
	v5 =	vld [tilespmem:s21+$0x0]  }
.LBB2_7:
0x46: {  	p0 =	sne.s32 s22, $0xFF0  }
0x47: {  	(xrf1) =	vunique.msk.u32 $0xffff, v4;
	_ =	sdelay $0x8  }
0x48: {  	v6 =	vld.idx.msk [tilespmem:v4+s12+$0x0], $0xffff  }
0x49: {  	v7 =	vld.idx.msk [tilespmem:v4+s14+$0x0], $0xffff;
	_ =	sdelay $0x3  }
0x4a: {  	_, v8, _ =	vpop (xrf1)  }
0x4b: {  	v6 =	vadd.s32 v8, v6  }
0x4c: {  	v6 =	vadd.s32 v7, v6  }
0x4d: {  	v6 =	vadd.s32 $0xFFFFFFFF, v6;
	_ =	sdelay $0x2  }
0x4e: {  	v7 =	vor.u32 s20, v3;
	s20 =	smov.u32 s22  }
0x4f: {  	v7 =	vand.u32 $0x7FF, v7  }
0x50: {  	[tilespmem:v6+s15+$0x0] =	vst.idx.msk $0xffff, v7  }
0x51: {  	s19 =	sadd.s32 $0x10, s19;
	[tilespmem:v6+s16+$0x0] =	vst.idx.msk $0xffff, v5  }
0x52: {  	[tilespmem:s19+$0x0] =	vst v6  }
.Ltmp3:
0x53: {  	s23 =	sadd.s32 $0x10, s23;
	[tilespmem:v4+s12+$0x0] =	vst.idx.add.s32.msk $0xffff, v1;
	(pc) =	sbr.rel @p0 .LBB2_7-.Ltmp3, $3  }
0x54: {  	s21 =	sadd.s32 $0x10, s21;
	v4 =	vld [tilespmem:s23+$0x0]  }
0x55: {  	v5 =	vld [tilespmem:s21+$0x0];
	_ =	sdelay $0x1  }
0x56: {  	s22 =	sadd.s32 $0x10, s22  }
0x57: {  	_ = 	snop  }
0x58: {  	(xrf1) =	vunique.msk.u32 $0xffff, v4;
	_ =	sdelay $0x9  }
0x59: {  	v6 =	vld.idx.msk [tilespmem:v4+s12+$0x0], $0xffff  }
0x5a: {  	v7 =	vld.idx.msk [tilespmem:v4+s14+$0x0], $0xffff;
	_ =	sdelay $0x2  }
0x5b: {  	_, v8, _ =	vpop (xrf1)  }
0x5c: {  	v6 =	vadd.s32 v8, v6  }
0x5d: {  	v6 =	vadd.s32 v7, v6  }
0x5e: {  	v6 =	vadd.s32 $0xFFFFFFFF, v6;
	_ =	sdelay $0x2  }
0x5f: {  	v63 =	vor.u32 s20, v3  }
0x60: {  	v7 =	vand.u32 $0x7FF, v63  }
0x61: {  	[tilespmem:v6+s15+$0x0] =	vst.idx.msk $0xffff, v7  }
0x62: {  	s19 =	sadd.s32 $0x10, s19;
	[tilespmem:v6+s16+$0x0] =	vst.idx.msk $0xffff, v5  }
0x63: {  	[tilespmem:s19+$0x0] =	vst v6  }
0x64: {  	[tilespmem:v4+s12+$0x0] =	vst.idx.add.s32.msk $0xffff, v1  }
0x65: {  	_ =	sdelay $0x7ff  }
0x66: {  	_ =	sdelay $0x20d  }
0x67: {  	[hbm4b:s5+s9] =	stream.linear.scatter [tilespmem:s15], [sflag:$0x1], $0x2000, $0x38;
	[tilespmem:$0x7180] =	vst v63  }
0x68: {  	_ =	swait.ge [sflag:s10], $0x2000  }
0x69: {  	[sflag:s10] =	ssyncset.done $0x0  }
0x6a: {  	[sflag:s10] =	ssyncadd.s32 $0xFFFFE000  }
0x6b: {  	[hbm4b:s2+s9] =	stream.linear.scatter [tilespmem:s16], [sflag:$0x1], $0x2000, $0x38;
	[tilespmem:$0x7180] =	vst v63  }
0x6c: {  	s18 =	sadd.s32 $0x1, s18;
	_ =	swait.ge [sflag:s10], $0x2000  }
0x6d: {  	p0 =	sne.s32 s18, s8;
	[sflag:s10] =	ssyncset.done $0x0  }
.Ltmp4:
0x6e: {  	[sflag:s10] =	ssyncadd.s32 $0xFFFFE000;
	(pc) =	sbr.rel @p0 .LBB2_2-.Ltmp4, $4  }
0x6f: {  	[hbm4b:s6+s9] =	stream.linear.scatter [tilespmem:s17], [sflag:$0x1], $0x1000, $0x38;
	[tilespmem:$0x7180] =	vst v63  }
0x70: {  	_ =	swait.ge [sflag:s10], $0x1000  }
0x71: {  	[sflag:s10] =	ssyncset.done $0x0  }
0x72: {  	[sflag:s10] =	ssyncadd.s32 $0xFFFFF000  }
.LBB2_9:
0x73: {  	_ =	sfence.sel $0x180000  }
0x74: {  	[bflag:$0x0] =	sbarrier.arrive $0xFFFF  }
0x75: {  	p0 =	sne.s32 s0, $0x0;
	_ =	strace $0x90000047  }
0x76: {  	s0 =	sadd.s32 @!p0 $0x100000, s1;
	[bflag:$0x2] =	sbarrier.arrive $0xFFFF  }
0x77: {  	[sflag:s0] =	ssyncadd.tile.s32 @!p0 $0x1;
	_ =	shalt  }
.Lfunc_end2:
_tile_overlayer_lowered:
.L_overlay_start_2:
0x78: {  	(tag) =	ssettag $0x2  }
0x79: {  	s0 =	rddreg [dreg:$0x0];
	s2 =	stileid.u32  }
0x7a: {  	s1 =	rddreg [dreg:$0x1];
	p0 =	sne.s32 s2, $0x0  }
0x7b: {  	s3 =	rddreg [dreg:$0x2];
	[bflag:$0x3] =	sbarrier.arrive $0xFFFF;
	s2 =	simm.s32 @!p0 $0x1C01  }
0x7c: {  	[timem:s3], [sflag:s2] =	dma.local @!p0 [hbm:s0], s1  }
0x7d: {  	s0 =	simm.s32 @!p0 $0x1  }
0x7e: {  	_ =	swait.ge @!p0 [sflag:s0], s1  }
0x7f: {  	s1 =	ssub.s32 @!p0 $0x0, s1;
	[sflag:s0] =	ssyncset.done @!p0 $0x0  }
0x80: {  	[sflag:s0] =	ssyncadd.s32 @!p0 s1  }
0x81: {  	[bflag:$0x3] =	sbarrier.arrive $0xFFFF  }
0x82: {  	_ =	shalt  }

</sc_bundles>
